<compile_context>
chip_gen: v7x
topology: tpu7x:2x2x1
jax: 0.10.2.dev20260603
libtpu: 0.0.44.dev20260713+nightly
codegen_flags: <defaults>
</compile_context>

<pallas_src>
import functools
import math

import jax
import jax.numpy as jnp
from jax import lax
from jax.experimental import pallas as pl
from jax.experimental.pallas import tpu as pltpu
from jax.experimental.pallas import tpu_sc as plsc

_F = 64
_F3 = 3 * _F
_FP = 256
_B = 16
_TPB = 2048
_TOTAL = _B * _TPB
_V = 16
_NCODE = _V * _V * _V
_LN_T = math.log(10000.0)

_NC, _NS = 2, 16
_NW = _NC * _NS
_TOK_PER_W = _TOTAL // _NW
_CHUNK = 128
_NCHUNK = _TOK_PER_W // _CHUNK


def _sincos16(e_col):
    j = lax.broadcasted_iota(jnp.int32, (_V, _F), 1)
    inv_dim_t = jnp.exp((j >> 1).astype(jnp.float32) * (-2.0 * _LN_T / _F))
    ang = e_col * inv_dim_t
    return jnp.where((j & 1) == 0, jnp.sin(ang), jnp.cos(ang))


def _combo_body(x_ref, y_ref, z_ref, out_ref):
    tx = _sincos16(x_ref[...])
    ty = _sincos16(y_ref[...])
    tz = _sincos16(z_ref[...])
    cx = jnp.broadcast_to(tx[:, None, :], (_V, _V * _V, _F)).reshape(_NCODE, _F)
    cy0 = jnp.broadcast_to(ty[:, None, :], (_V, _V, _F)).reshape(_V * _V, _F)
    cy = jnp.broadcast_to(cy0[None], (_V, _V * _V, _F)).reshape(_NCODE, _F)
    cz = jnp.broadcast_to(tz[None], (_V * _V, _V, _F)).reshape(_NCODE, _F)
    out_ref[:, pl.ds(0, _F)] = cx
    out_ref[:, pl.ds(_F, _F)] = cy
    out_ref[:, pl.ds(2 * _F, _F)] = cz
    out_ref[:, pl.ds(_F3, _FP - _F3)] = jnp.zeros((_NCODE, _FP - _F3), jnp.float32)


_combo = pl.pallas_call(
    _combo_body,
    out_shape=jax.ShapeDtypeStruct((_NCODE, _FP), jnp.float32),
)


def _sc_body(combo_hbm, xx_hbm, yy_hbm, zz_hbm, out_hbm,
             xv, yv, zv, codes, rows, gsem, wsem):
    wid = lax.axis_index("s") * _NC + lax.axis_index("c")
    wbase = wid * _TOK_PER_W
    pltpu.sync_copy(xx_hbm.at[pl.ds(wbase, _TOK_PER_W)], xv)
    pltpu.sync_copy(yy_hbm.at[pl.ds(wbase, _TOK_PER_W)], yv)
    pltpu.sync_copy(zz_hbm.at[pl.ds(wbase, _TOK_PER_W)], zv)
    for c in range(_NCHUNK):
        for g in range(_CHUNK // 16):
            s = pl.ds(c * _CHUNK + g * 16, 16)
            codes[c, pl.ds(g * 16, 16)] = (
                xv[s] * (_V * _V) + yv[s] * _V + zv[s])
    writes = [None, None]
    for c in range(_NCHUNK):
        b = c % 2
        if writes[b] is not None:
            writes[b].wait()
        pltpu.async_copy(combo_hbm.at[codes.at[c]], rows.at[b], gsem).wait()
        writes[b] = pltpu.async_copy(
            rows.at[b], out_hbm.at[pl.ds(wbase + c * _CHUNK, _CHUNK), :], wsem)
    for w in writes:
        if w is not None:
            w.wait()


@functools.cache
def _sc_gather():
    return pl.kernel(
        _sc_body,
        out_type=jax.ShapeDtypeStruct((_TOTAL, _FP), jnp.float32),
        mesh=plsc.VectorSubcoreMesh(core_axis_name="c", subcore_axis_name="s"),
        scratch_types=[
            pltpu.VMEM((_TOK_PER_W,), jnp.int32),
            pltpu.VMEM((_TOK_PER_W,), jnp.int32),
            pltpu.VMEM((_TOK_PER_W,), jnp.int32),
            pltpu.VMEM((_NCHUNK, _CHUNK), jnp.int32),
            pltpu.VMEM((2, _CHUNK, _FP), jnp.float32),
            pltpu.SemaphoreType.DMA,
            pltpu.SemaphoreType.DMA,
        ],
    )


def kernel(coords, x_embed, y_embed, z_embed):
    combo = _combo(x_embed.reshape(_V, 1), y_embed.reshape(_V, 1),
                   z_embed.reshape(_V, 1))
    out = _sc_gather()(combo, coords[:, 1], coords[:, 2], coords[:, 3])
    return lax.slice(out, (0, 0), (_TOTAL, _F3)).reshape(_B, _TPB, _F3)

# --- scband reference (transcript-rebuilt; emitter-appended) ---
"""Pipeline reference for scband-position-embedding-sine-35390530519696 (READ-ONLY COPY).

The authoritative reference and input builder live on the scoring server;
editing this copy changes nothing except your own understanding.
"""

import jax, jax.numpy as jnp
import numpy as np
import math

NUM_POS_FEATS = 64
TEMPERATURE = 10000.0
NORMALIZE = False
SPATIAL_SHAPE = (16, 16, 16)
BATCH = 16
TOKENS_PER_BATCH = 2048
TOTAL = BATCH * TOKENS_PER_BATCH


def setup_inputs(seed: int = 0) -> dict:
    key = jax.random.key(seed)
    k1, = jax.random.split(key, 1)
    # batch column is balanced and sorted so every batch id 0..15 appears exactly 2048 times
    b = jnp.repeat(jnp.arange(BATCH, dtype=jnp.int32), TOKENS_PER_BATCH)
    xyz = jax.random.randint(k1, (TOTAL, 3), 0, SPATIAL_SHAPE[0], dtype=jnp.int32)
    coords = jnp.concatenate([b[:, None], xyz], axis=1)
    # the torch module builds these arange grids internally; with normalize=False
    # x_embed.expand(shape)[xx, yy, zz] == arange(shape[0])[xx], so we materialize the
    # 1-D tables here (treated like fixed parameters)
    x_embed = jnp.arange(SPATIAL_SHAPE[0], dtype=jnp.float32)
    y_embed = jnp.arange(SPATIAL_SHAPE[1], dtype=jnp.float32)
    z_embed = jnp.arange(SPATIAL_SHAPE[2], dtype=jnp.float32)
    return {"coords": coords, "x_embed": x_embed, "y_embed": y_embed, "z_embed": z_embed}


def _sincos(vals, dim_t):
    cur = vals[:, None] / dim_t[None, :]
    s = jnp.sin(cur[:, 0::2])
    c = jnp.cos(cur[:, 1::2])
    return jnp.stack([s, c], axis=2).reshape(vals.shape[0], -1)


def reference(coords, x_embed, y_embed, z_embed):
    dim_t = jnp.arange(NUM_POS_FEATS, dtype=jnp.float32)
    dim_t = TEMPERATURE ** (2.0 * jnp.floor(dim_t / 2.0) / NUM_POS_FEATS)
    total = coords.shape[0]
    N = total // TOKENS_PER_BATCH
    max_len = TOKENS_PER_BATCH
    bid = coords[:, 0]
    xx = coords[:, 1]
    yy = coords[:, 2]
    zz = coords[:, 3]
    cur_x_embed = jnp.take(x_embed, xx, axis=0)
    cur_y_embed = jnp.take(y_embed, yy, axis=0)
    cur_z_embed = jnp.take(z_embed, zz, axis=0)
    px = _sincos(cur_x_embed, dim_t)
    py = _sincos(cur_y_embed, dim_t)
    pz = _sincos(cur_z_embed, dim_t)
    slot = jnp.arange(total, dtype=bid.dtype) - bid * TOKENS_PER_BATCH
    pos_x = jnp.zeros((N, max_len, NUM_POS_FEATS), dtype=jnp.float32).at[bid, slot, :].set(px)
    pos_y = jnp.zeros((N, max_len, NUM_POS_FEATS), dtype=jnp.float32).at[bid, slot, :].set(py)
    pos_z = jnp.zeros((N, max_len, NUM_POS_FEATS), dtype=jnp.float32).at[bid, slot, :].set(pz)
    pos = jnp.concatenate([pos_x, pos_y, pos_z], axis=-1)
    return pos

if __name__ == "__main__":
    import jax
    _d = setup_inputs()
    print(jax.jit(kernel)(*tuple(_d.values())))

</pallas_src>

<mosaic_0001>
#map = affine_map<(d0, d1) -> (0, 0)>
#map1 = affine_map<(d0, d1) -> (0)>
module attributes {stable_mosaic.version = 14 : i64} {
  func.func @_sc_body(%arg0: i32, %arg1: i32, %arg2: memref<4096x256xf32, #tpu.memory_space<hbm>>, %arg3: memref<32768xi32, #tpu.memory_space<hbm>>, %arg4: memref<32768xi32, #tpu.memory_space<hbm>>, %arg5: memref<32768xi32, #tpu.memory_space<hbm>>, %arg6: memref<32768x256xf32, #tpu.memory_space<hbm>>, %arg7: memref<1024xi32, #tpu.memory_space<vmem>>, %arg8: memref<1024xi32, #tpu.memory_space<vmem>>, %arg9: memref<1024xi32, #tpu.memory_space<vmem>>, %arg10: memref<8x128xi32, #tpu.memory_space<vmem>>, %arg11: memref<2x128x256xf32, #tpu.memory_space<vmem>>, %arg12: memref<!tpu.dma_semaphore, #tpu.memory_space<semaphore_mem>>, %arg13: memref<!tpu.dma_semaphore, #tpu.memory_space<semaphore_mem>>) attributes {dimension_semantics = [#tpu.dimension_semantics<core_parallel>, #tpu.dimension_semantics<subcore_parallel>], iteration_bounds = array<i64: 2, 16>, scalar_prefetch = 0 : i64, scratch_operands = 7 : i64, tpu.core_type = #tpu.core_type<sc_vector_subcore>, window_params = [{transform_indices = #map}, {transform_indices = #map1}, {transform_indices = #map1}, {transform_indices = #map1}, {transform_indices = #map}]} {
    %mul3A = arith.constant 2 : i32
    %mul3A_0 = arith.muli %arg1, %mul3A : i32
    %add3A = arith.addi %mul3A_0, %arg0 : i32
    %mul3A_1 = arith.constant 1024 : i32
    %mul3A_2 = arith.muli %add3A, %mul3A_1 : i32
    "tpu.region"() ({
      %run_scoped3A = tpu.sem_alloc : memref<!tpu.dma_semaphore, #tpu.memory_space<semaphore_mem>>
      %dma_start3A_1887 = tpu.memref_slice %arg3[%mul3A_2] : memref<32768xi32, #tpu.memory_space<hbm>> -> memref<1024xi32, #tpu.memory_space<hbm>>
      %dma_start3A_1888 = tpu.memref_slice %arg3[%mul3A_2] : memref<32768xi32, #tpu.memory_space<hbm>> -> memref<1024xi32, #tpu.memory_space<hbm>>
      tpu.enqueue_dma source(%dma_start3A_1888 : memref<1024xi32, #tpu.memory_space<hbm>>) target(%arg7 : memref<1024xi32, #tpu.memory_space<vmem>>) target_semaphore(%run_scoped3A : memref<!tpu.dma_semaphore, #tpu.memory_space<semaphore_mem>>)
      %dma_wait3A_1889 = tpu.memref_slice %arg3[%mul3A_2] : memref<32768xi32, #tpu.memory_space<hbm>> -> memref<1024xi32, #tpu.memory_space<hbm>>
      %dma_wait3A_1890 = tpu.memref_slice %arg3[%mul3A_2] : memref<32768xi32, #tpu.memory_space<hbm>> -> memref<1024xi32, #tpu.memory_space<hbm>>
      tpu.wait_dma2 semaphore(%run_scoped3A : memref<!tpu.dma_semaphore, #tpu.memory_space<semaphore_mem>>) src(%dma_wait3A_1890 : memref<1024xi32, #tpu.memory_space<hbm>>) dst(%arg7 : memref<1024xi32, #tpu.memory_space<vmem>>)
      tpu.yield
    }) : () -> ()
    "tpu.region"() ({
      %run_scoped3A = tpu.sem_alloc : memref<!tpu.dma_semaphore, #tpu.memory_space<semaphore_mem>>
      %dma_start3A_1887 = tpu.memref_slice %arg4[%mul3A_2] : memref<32768xi32, #tpu.memory_space<hbm>> -> memref<1024xi32, #tpu.memory_space<hbm>>
      %dma_start3A_1888 = tpu.memref_slice %arg4[%mul3A_2] : memref<32768xi32, #tpu.memory_space<hbm>> -> memref<1024xi32, #tpu.memory_space<hbm>>
      tpu.enqueue_dma source(%dma_start3A_1888 : memref<1024xi32, #tpu.memory_space<hbm>>) target(%arg8 : memref<1024xi32, #tpu.memory_space<vmem>>) target_semaphore(%run_scoped3A : memref<!tpu.dma_semaphore, #tpu.memory_space<semaphore_mem>>)
      %dma_wait3A_1889 = tpu.memref_slice %arg4[%mul3A_2] : memref<32768xi32, #tpu.memory_space<hbm>> -> memref<1024xi32, #tpu.memory_space<hbm>>
      %dma_wait3A_1890 = tpu.memref_slice %arg4[%mul3A_2] : memref<32768xi32, #tpu.memory_space<hbm>> -> memref<1024xi32, #tpu.memory_space<hbm>>
      tpu.wait_dma2 semaphore(%run_scoped3A : memref<!tpu.dma_semaphore, #tpu.memory_space<semaphore_mem>>) src(%dma_wait3A_1890 : memref<1024xi32, #tpu.memory_space<hbm>>) dst(%arg8 : memref<1024xi32, #tpu.memory_space<vmem>>)
      tpu.yield
    }) : () -> ()
    "tpu.region"() ({
      %run_scoped3A = tpu.sem_alloc : memref<!tpu.dma_semaphore, #tpu.memory_space<semaphore_mem>>
      %dma_start3A_1887 = tpu.memref_slice %arg5[%mul3A_2] : memref<32768xi32, #tpu.memory_space<hbm>> -> memref<1024xi32, #tpu.memory_space<hbm>>
      %dma_start3A_1888 = tpu.memref_slice %arg5[%mul3A_2] : memref<32768xi32, #tpu.memory_space<hbm>> -> memref<1024xi32, #tpu.memory_space<hbm>>
      tpu.enqueue_dma source(%dma_start3A_1888 : memref<1024xi32, #tpu.memory_space<hbm>>) target(%arg9 : memref<1024xi32, #tpu.memory_space<vmem>>) target_semaphore(%run_scoped3A : memref<!tpu.dma_semaphore, #tpu.memory_space<semaphore_mem>>)
      %dma_wait3A_1889 = tpu.memref_slice %arg5[%mul3A_2] : memref<32768xi32, #tpu.memory_space<hbm>> -> memref<1024xi32, #tpu.memory_space<hbm>>
      %dma_wait3A_1890 = tpu.memref_slice %arg5[%mul3A_2] : memref<32768xi32, #tpu.memory_space<hbm>> -> memref<1024xi32, #tpu.memory_space<hbm>>
      tpu.wait_dma2 semaphore(%run_scoped3A : memref<!tpu.dma_semaphore, #tpu.memory_space<semaphore_mem>>) src(%dma_wait3A_1890 : memref<1024xi32, #tpu.memory_space<hbm>>) dst(%arg9 : memref<1024xi32, #tpu.memory_space<vmem>>)
      tpu.yield
    }) : () -> ()
    %get3A = arith.constant 0 : index
    %get3A_3 = tpu.vector_load %arg7[%get3A] {strides = array<i32>} : memref<1024xi32, #tpu.memory_space<vmem>>, vector<16xi32>,
    %get3A_4 = vector.shape_cast %get3A_3 : vector<16xi32> to vector<16xi32>
    %mul3A_5 = arith.constant 256 : i32
    %mul3A_6 = vector.broadcast %mul3A_5 : i32 to vector<16xi32>
    %mul3A_7 = arith.muli %get3A_4, %mul3A_6 : vector<16xi32>
    %get3A_8 = arith.constant 0 : index
    %get3A_9 = tpu.vector_load %arg8[%get3A_8] {strides = array<i32>} : memref<1024xi32, #tpu.memory_space<vmem>>, vector<16xi32>,
    %get3A_10 = vector.shape_cast %get3A_9 : vector<16xi32> to vector<16xi32>
    %mul3A_11 = arith.constant 16 : i32
    %mul3A_12 = vector.broadcast %mul3A_11 : i32 to vector<16xi32>
    %mul3A_13 = arith.muli %get3A_10, %mul3A_12 : vector<16xi32>
    %add3A_14 = arith.addi %mul3A_7, %mul3A_13 : vector<16xi32>
    %get3A_15 = arith.constant 0 : index
    %get3A_16 = tpu.vector_load %arg9[%get3A_15] {strides = array<i32>} : memref<1024xi32, #tpu.memory_space<vmem>>, vector<16xi32>,
    %get3A_17 = vector.shape_cast %get3A_16 : vector<16xi32> to vector<16xi32>
    %add3A_18 = arith.addi %add3A_14, %get3A_17 : vector<16xi32>
    %swap3A = arith.constant 0 : i32
    %swap3A_19 = arith.index_cast %swap3A : i32 to index
    %swap3A_20 = arith.constant 0 : index
    %swap3A_21 = tpu.vector_load %arg10[%swap3A_19, %swap3A_20] {strides = array<i32>} : memref<8x128xi32, #tpu.memory_space<vmem>>, vector<1x16xi32>,
    %swap3A_22 = vector.shape_cast %swap3A_21 : vector<1x16xi32> to vector<16xi32>
    %swap3A_23 = vector.shape_cast %add3A_18 : vector<16xi32> to vector<1x16xi32>
    tpu.vector_store %arg10[%swap3A_19, %swap3A_20], %swap3A_23 {strides = array<i32>} : memref<8x128xi32, #tpu.memory_space<vmem>>, vector<1x16xi32>,
    %get3A_24 = arith.constant 16 : index
    %get3A_25 = tpu.vector_load %arg7[%get3A_24] {strides = array<i32>} : memref<1024xi32, #tpu.memory_space<vmem>>, vector<16xi32>,
    %get3A_26 = vector.shape_cast %get3A_25 : vector<16xi32> to vector<16xi32>
    %mul3A_27 = arith.constant 256 : i32
    %mul3A_28 = vector.broadcast %mul3A_27 : i32 to vector<16xi32>
    %mul3A_29 = arith.muli %get3A_26, %mul3A_28 : vector<16xi32>
    %get3A_30 = arith.constant 16 : index
    %get3A_31 = tpu.vector_load %arg8[%get3A_30] {strides = array<i32>} : memref<1024xi32, #tpu.memory_space<vmem>>, vector<16xi32>,
    %get3A_32 = vector.shape_cast %get3A_31 : vector<16xi32> to vector<16xi32>
    %mul3A_33 = arith.constant 16 : i32
    %mul3A_34 = vector.broadcast %mul3A_33 : i32 to vector<16xi32>
    %mul3A_35 = arith.muli %get3A_32, %mul3A_34 : vector<16xi32>
    %add3A_36 = arith.addi %mul3A_29, %mul3A_35 : vector<16xi32>
    %get3A_37 = arith.constant 16 : index
    %get3A_38 = tpu.vector_load %arg9[%get3A_37] {strides = array<i32>} : memref<1024xi32, #tpu.memory_space<vmem>>, vector<16xi32>,
    %get3A_39 = vector.shape_cast %get3A_38 : vector<16xi32> to vector<16xi32>
    %add3A_40 = arith.addi %add3A_36, %get3A_39 : vector<16xi32>
    %swap3A_41 = arith.constant 0 : i32
    %swap3A_42 = arith.index_cast %swap3A_41 : i32 to index
    %swap3A_43 = arith.constant 16 : index
    %swap3A_44 = tpu.vector_load %arg10[%swap3A_42, %swap3A_43] {strides = array<i32>} : memref<8x128xi32, #tpu.memory_space<vmem>>, vector<1x16xi32>,
    %swap3A_45 = vector.shape_cast %swap3A_44 : vector<1x16xi32> to vector<16xi32>
    %swap3A_46 = vector.shape_cast %add3A_40 : vector<16xi32> to vector<1x16xi32>
    tpu.vector_store %arg10[%swap3A_42, %swap3A_43], %swap3A_46 {strides = array<i32>} : memref<8x128xi32, #tpu.memory_space<vmem>>, vector<1x16xi32>,
    %get3A_47 = arith.constant 32 : index
    %get3A_48 = tpu.vector_load %arg7[%get3A_47] {strides = array<i32>} : memref<1024xi32, #tpu.memory_space<vmem>>, vector<16xi32>,
    %get3A_49 = vector.shape_cast %get3A_48 : vector<16xi32> to vector<16xi32>
    %mul3A_50 = arith.constant 256 : i32
    %mul3A_51 = vector.broadcast %mul3A_50 : i32 to vector<16xi32>
    %mul3A_52 = arith.muli %get3A_49, %mul3A_51 : vector<16xi32>
    %get3A_53 = arith.constant 32 : index
    %get3A_54 = tpu.vector_load %arg8[%get3A_53] {strides = array<i32>} : memref<1024xi32, #tpu.memory_space<vmem>>, vector<16xi32>,
    %get3A_55 = vector.shape_cast %get3A_54 : vector<16xi32> to vector<16xi32>
    %mul3A_56 = arith.constant 16 : i32
    %mul3A_57 = vector.broadcast %mul3A_56 : i32 to vector<16xi32>
    %mul3A_58 = arith.muli %get3A_55, %mul3A_57 : vector<16xi32>
    %add3A_59 = arith.addi %mul3A_52, %mul3A_58 : vector<16xi32>
    %get3A_60 = arith.constant 32 : index
    %get3A_61 = tpu.vector_load %arg9[%get3A_60] {strides = array<i32>} : memref<1024xi32, #tpu.memory_space<vmem>>, vector<16xi32>,
    %get3A_62 = vector.shape_cast %get3A_61 : vector<16xi32> to vector<16xi32>
    %add3A_63 = arith.addi %add3A_59, %get3A_62 : vector<16xi32>
    %swap3A_64 = arith.constant 0 : i32
    %swap3A_65 = arith.index_cast %swap3A_64 : i32 to index
    %swap3A_66 = arith.constant 32 : index
    %swap3A_67 = tpu.vector_load %arg10[%swap3A_65, %swap3A_66] {strides = array<i32>} : memref<8x128xi32, #tpu.memory_space<vmem>>, vector<1x16xi32>,
    %swap3A_68 = vector.shape_cast %swap3A_67 : vector<1x16xi32> to vector<16xi32>
    %swap3A_69 = vector.shape_cast %add3A_63 : vector<16xi32> to vector<1x16xi32>
    tpu.vector_store %arg10[%swap3A_65, %swap3A_66], %swap3A_69 {strides = array<i32>} : memref<8x128xi32, #tpu.memory_space<vmem>>, vector<1x16xi32>,
    %get3A_70 = arith.constant 48 : index
    %get3A_71 = tpu.vector_load %arg7[%get3A_70] {strides = array<i32>} : memref<1024xi32, #tpu.memory_space<vmem>>, vector<16xi32>,
    %get3A_72 = vector.shape_cast %get3A_71 : vector<16xi32> to vector<16xi32>
    %mul3A_73 = arith.constant 256 : i32
    %mul3A_74 = vector.broadcast %mul3A_73 : i32 to vector<16xi32>
    %mul3A_75 = arith.muli %get3A_72, %mul3A_74 : vector<16xi32>
    %get3A_76 = arith.constant 48 : index
    %get3A_77 = tpu.vector_load %arg8[%get3A_76] {strides = array<i32>} : memref<1024xi32, #tpu.memory_space<vmem>>, vector<16xi32>,
    %get3A_78 = vector.shape_cast %get3A_77 : vector<16xi32> to vector<16xi32>
    %mul3A_79 = arith.constant 16 : i32
    %mul3A_80 = vector.broadcast %mul3A_79 : i32 to vector<16xi32>
    %mul3A_81 = arith.muli %get3A_78, %mul3A_80 : vector<16xi32>
    %add3A_82 = arith.addi %mul3A_75, %mul3A_81 : vector<16xi32>
    %get3A_83 = arith.constant 48 : index
    %get3A_84 = tpu.vector_load %arg9[%get3A_83] {strides = array<i32>} : memref<1024xi32, #tpu.memory_space<vmem>>, vector<16xi32>,
    %get3A_85 = vector.shape_cast %get3A_84 : vector<16xi32> to vector<16xi32>
    %add3A_86 = arith.addi %add3A_82, %get3A_85 : vector<16xi32>
    %swap3A_87 = arith.constant 0 : i32
    %swap3A_88 = arith.index_cast %swap3A_87 : i32 to index
    %swap3A_89 = arith.constant 48 : index
    %swap3A_90 = tpu.vector_load %arg10[%swap3A_88, %swap3A_89] {strides = array<i32>} : memref<8x128xi32, #tpu.memory_space<vmem>>, vector<1x16xi32>,
    %swap3A_91 = vector.shape_cast %swap3A_90 : vector<1x16xi32> to vector<16xi32>
    %swap3A_92 = vector.shape_cast %add3A_86 : vector<16xi32> to vector<1x16xi32>
    tpu.vector_store %arg10[%swap3A_88, %swap3A_89], %swap3A_92 {strides = array<i32>} : memref<8x128xi32, #tpu.memory_space<vmem>>, vector<1x16xi32>,
    %get3A_93 = arith.constant 64 : index
    %get3A_94 = tpu.vector_load %arg7[%get3A_93] {strides = array<i32>} : memref<1024xi32, #tpu.memory_space<vmem>>, vector<16xi32>,
    %get3A_95 = vector.shape_cast %get3A_94 : vector<16xi32> to vector<16xi32>
    %mul3A_96 = arith.constant 256 : i32
    %mul3A_97 = vector.broadcast %mul3A_96 : i32 to vector<16xi32>
    %mul3A_98 = arith.muli %get3A_95, %mul3A_97 : vector<16xi32>
    %get3A_99 = arith.constant 64 : index
    %get3A_100 = tpu.vector_load %arg8[%get3A_99] {strides = array<i32>} : memref<1024xi32, #tpu.memory_space<vmem>>, vector<16xi32>,
    %get3A_101 = vector.shape_cast %get3A_100 : vector<16xi32> to vector<16xi32>
    %mul3A_102 = arith.constant 16 : i32
    %mul3A_103 = vector.broadcast %mul3A_102 : i32 to vector<16xi32>
    %mul3A_104 = arith.muli %get3A_101, %mul3A_103 : vector<16xi32>
    %add3A_105 = arith.addi %mul3A_98, %mul3A_104 : vector<16xi32>
    %get3A_106 = arith.constant 64 : index
    %get3A_107 = tpu.vector_load %arg9[%get3A_106] {strides = array<i32>} : memref<1024xi32, #tpu.memory_space<vmem>>, vector<16xi32>,
    %get3A_108 = vector.shape_cast %get3A_107 : vector<16xi32> to vector<16xi32>
    %add3A_109 = arith.addi %add3A_105, %get3A_108 : vector<16xi32>
    %swap3A_110 = arith.constant 0 : i32
    %swap3A_111 = arith.index_cast %swap3A_110 : i32 to index
    %swap3A_112 = arith.constant 64 : index
    %swap3A_113 = tpu.vector_load %arg10[%swap3A_111, %swap3A_112] {strides = array<i32>} : memref<8x128xi32, #tpu.memory_space<vmem>>, vector<1x16xi32>,
    %swap3A_114 = vector.shape_cast %swap3A_113 : vector<1x16xi32> to vector<16xi32>
    %swap3A_115 = vector.shape_cast %add3A_109 : vector<16xi32> to vector<1x16xi32>
    tpu.vector_store %arg10[%swap3A_111, %swap3A_112], %swap3A_115 {strides = array<i32>} : memref<8x128xi32, #tpu.memory_space<vmem>>, vector<1x16xi32>,
    %get3A_116 = arith.constant 80 : index
    %get3A_117 = tpu.vector_load %arg7[%get3A_116] {strides = array<i32>} : memref<1024xi32, #tpu.memory_space<vmem>>, vector<16xi32>,
    %get3A_118 = vector.shape_cast %get3A_117 : vector<16xi32> to vector<16xi32>
    %mul3A_119 = arith.constant 256 : i32
    %mul3A_120 = vector.broadcast %mul3A_119 : i32 to vector<16xi32>
    %mul3A_121 = arith.muli %get3A_118, %mul3A_120 : vector<16xi32>
    %get3A_122 = arith.constant 80 : index
    %get3A_123 = tpu.vector_load %arg8[%get3A_122] {strides = array<i32>} : memref<1024xi32, #tpu.memory_space<vmem>>, vector<16xi32>,
    %get3A_124 = vector.shape_cast %get3A_123 : vector<16xi32> to vector<16xi32>
    %mul3A_125 = arith.constant 16 : i32
    %mul3A_126 = vector.broadcast %mul3A_125 : i32 to vector<16xi32>
    %mul3A_127 = arith.muli %get3A_124, %mul3A_126 : vector<16xi32>
    %add3A_128 = arith.addi %mul3A_121, %mul3A_127 : vector<16xi32>
    %get3A_129 = arith.constant 80 : index
    %get3A_130 = tpu.vector_load %arg9[%get3A_129] {strides = array<i32>} : memref<1024xi32, #tpu.memory_space<vmem>>, vector<16xi32>,
    %get3A_131 = vector.shape_cast %get3A_130 : vector<16xi32> to vector<16xi32>
    %add3A_132 = arith.addi %add3A_128, %get3A_131 : vector<16xi32>
    %swap3A_133 = arith.constant 0 : i32
    %swap3A_134 = arith.index_cast %swap3A_133 : i32 to index
    %swap3A_135 = arith.constant 80 : index
    %swap3A_136 = tpu.vector_load %arg10[%swap3A_134, %swap3A_135] {strides = array<i32>} : memref<8x128xi32, #tpu.memory_space<vmem>>, vector<1x16xi32>,
    %swap3A_137 = vector.shape_cast %swap3A_136 : vector<1x16xi32> to vector<16xi32>
    %swap3A_138 = vector.shape_cast %add3A_132 : vector<16xi32> to vector<1x16xi32>
    tpu.vector_store %arg10[%swap3A_134, %swap3A_135], %swap3A_138 {strides = array<i32>} : memref<8x128xi32, #tpu.memory_space<vmem>>, vector<1x16xi32>,
    %get3A_139 = arith.constant 96 : index
    %get3A_140 = tpu.vector_load %arg7[%get3A_139] {strides = array<i32>} : memref<1024xi32, #tpu.memory_space<vmem>>, vector<16xi32>,
    %get3A_141 = vector.shape_cast %get3A_140 : vector<16xi32> to vector<16xi32>
    %mul3A_142 = arith.constant 256 : i32
    %mul3A_143 = vector.broadcast %mul3A_142 : i32 to vector<16xi32>
    %mul3A_144 = arith.muli %get3A_141, %mul3A_143 : vector<16xi32>
    %get3A_145 = arith.constant 96 : index
    %get3A_146 = tpu.vector_load %arg8[%get3A_145] {strides = array<i32>} : memref<1024xi32, #tpu.memory_space<vmem>>, vector<16xi32>,
    %get3A_147 = vector.shape_cast %get3A_146 : vector<16xi32> to vector<16xi32>
    %mul3A_148 = arith.constant 16 : i32
    %mul3A_149 = vector.broadcast %mul3A_148 : i32 to vector<16xi32>
    %mul3A_150 = arith.muli %get3A_147, %mul3A_149 : vector<16xi32>
    %add3A_151 = arith.addi %mul3A_144, %mul3A_150 : vector<16xi32>
    %get3A_152 = arith.constant 96 : index
    %get3A_153 = tpu.vector_load %arg9[%get3A_152] {strides = array<i32>} : memref<1024xi32, #tpu.memory_space<vmem>>, vector<16xi32>,
    %get3A_154 = vector.shape_cast %get3A_153 : vector<16xi32> to vector<16xi32>
    %add3A_155 = arith.addi %add3A_151, %get3A_154 : vector<16xi32>
    %swap3A_156 = arith.constant 0 : i32
    %swap3A_157 = arith.index_cast %swap3A_156 : i32 to index
    %swap3A_158 = arith.constant 96 : index
    %swap3A_159 = tpu.vector_load %arg10[%swap3A_157, %swap3A_158] {strides = array<i32>} : memref<8x128xi32, #tpu.memory_space<vmem>>, vector<1x16xi32>,
    %swap3A_160 = vector.shape_cast %swap3A_159 : vector<1x16xi32> to vector<16xi32>
    %swap3A_161 = vector.shape_cast %add3A_155 : vector<16xi32> to vector<1x16xi32>
    tpu.vector_store %arg10[%swap3A_157, %swap3A_158], %swap3A_161 {strides = array<i32>} : memref<8x128xi32, #tpu.memory_space<vmem>>, vector<1x16xi32>,
    %get3A_162 = arith.constant 112 : index
    %get3A_163 = tpu.vector_load %arg7[%get3A_162] {strides = array<i32>} : memref<1024xi32, #tpu.memory_space<vmem>>, vector<16xi32>,
    %get3A_164 = vector.shape_cast %get3A_163 : vector<16xi32> to vector<16xi32>
    %mul3A_165 = arith.constant 256 : i32
    %mul3A_166 = vector.broadcast %mul3A_165 : i32 to vector<16xi32>
    %mul3A_167 = arith.muli %get3A_164, %mul3A_166 : vector<16xi32>
    %get3A_168 = arith.constant 112 : index
    %get3A_169 = tpu.vector_load %arg8[%get3A_168] {strides = array<i32>} : memref<1024xi32, #tpu.memory_space<vmem>>, vector<16xi32>,
    %get3A_170 = vector.shape_cast %get3A_169 : vector<16xi32> to vector<16xi32>
    %mul3A_171 = arith.constant 16 : i32
    %mul3A_172 = vector.broadcast %mul3A_171 : i32 to vector<16xi32>
    %mul3A_173 = arith.muli %get3A_170, %mul3A_172 : vector<16xi32>
    %add3A_174 = arith.addi %mul3A_167, %mul3A_173 : vector<16xi32>
    %get3A_175 = arith.constant 112 : index
    %get3A_176 = tpu.vector_load %arg9[%get3A_175] {strides = array<i32>} : memref<1024xi32, #tpu.memory_space<vmem>>, vector<16xi32>,
    %get3A_177 = vector.shape_cast %get3A_176 : vector<16xi32> to vector<16xi32>
    %add3A_178 = arith.addi %add3A_174, %get3A_177 : vector<16xi32>
    %swap3A_179 = arith.constant 0 : i32
    %swap3A_180 = arith.index_cast %swap3A_179 : i32 to index
    %swap3A_181 = arith.constant 112 : index
    %swap3A_182 = tpu.vector_load %arg10[%swap3A_180, %swap3A_181] {strides = array<i32>} : memref<8x128xi32, #tpu.memory_space<vmem>>, vector<1x16xi32>,
    %swap3A_183 = vector.shape_cast %swap3A_182 : vector<1x16xi32> to vector<16xi32>
    %swap3A_184 = vector.shape_cast %add3A_178 : vector<16xi32> to vector<1x16xi32>
    tpu.vector_store %arg10[%swap3A_180, %swap3A_181], %swap3A_184 {strides = array<i32>} : memref<8x128xi32, #tpu.memory_space<vmem>>, vector<1x16xi32>,
    %get3A_185 = arith.constant 128 : index
    %get3A_186 = tpu.vector_load %arg7[%get3A_185] {strides = array<i32>} : memref<1024xi32, #tpu.memory_space<vmem>>, vector<16xi32>,
    %get3A_187 = vector.shape_cast %get3A_186 : vector<16xi32> to vector<16xi32>
    %mul3A_188 = arith.constant 256 : i32
    %mul3A_189 = vector.broadcast %mul3A_188 : i32 to vector<16xi32>
    %mul3A_190 = arith.muli %get3A_187, %mul3A_189 : vector<16xi32>
    %get3A_191 = arith.constant 128 : index
    %get3A_192 = tpu.vector_load %arg8[%get3A_191] {strides = array<i32>} : memref<1024xi32, #tpu.memory_space<vmem>>, vector<16xi32>,
    %get3A_193 = vector.shape_cast %get3A_192 : vector<16xi32> to vector<16xi32>
    %mul3A_194 = arith.constant 16 : i32
    %mul3A_195 = vector.broadcast %mul3A_194 : i32 to vector<16xi32>
    %mul3A_196 = arith.muli %get3A_193, %mul3A_195 : vector<16xi32>
    %add3A_197 = arith.addi %mul3A_190, %mul3A_196 : vector<16xi32>
    %get3A_198 = arith.constant 128 : index
    %get3A_199 = tpu.vector_load %arg9[%get3A_198] {strides = array<i32>} : memref<1024xi32, #tpu.memory_space<vmem>>, vector<16xi32>,
    %get3A_200 = vector.shape_cast %get3A_199 : vector<16xi32> to vector<16xi32>
    %add3A_201 = arith.addi %add3A_197, %get3A_200 : vector<16xi32>
    %swap3A_202 = arith.constant 1 : i32
    %swap3A_203 = arith.index_cast %swap3A_202 : i32 to index
    %swap3A_204 = arith.constant 0 : index
    %swap3A_205 = tpu.vector_load %arg10[%swap3A_203, %swap3A_204] {strides = array<i32>} : memref<8x128xi32, #tpu.memory_space<vmem>>, vector<1x16xi32>,
    %swap3A_206 = vector.shape_cast %swap3A_205 : vector<1x16xi32> to vector<16xi32>
    %swap3A_207 = vector.shape_cast %add3A_201 : vector<16xi32> to vector<1x16xi32>
    tpu.vector_store %arg10[%swap3A_203, %swap3A_204], %swap3A_207 {strides = array<i32>} : memref<8x128xi32, #tpu.memory_space<vmem>>, vector<1x16xi32>,
    %get3A_208 = arith.constant 144 : index
    %get3A_209 = tpu.vector_load %arg7[%get3A_208] {strides = array<i32>} : memref<1024xi32, #tpu.memory_space<vmem>>, vector<16xi32>,
    %get3A_210 = vector.shape_cast %get3A_209 : vector<16xi32> to vector<16xi32>
    %mul3A_211 = arith.constant 256 : i32
    %mul3A_212 = vector.broadcast %mul3A_211 : i32 to vector<16xi32>
    %mul3A_213 = arith.muli %get3A_210, %mul3A_212 : vector<16xi32>
    %get3A_214 = arith.constant 144 : index
    %get3A_215 = tpu.vector_load %arg8[%get3A_214] {strides = array<i32>} : memref<1024xi32, #tpu.memory_space<vmem>>, vector<16xi32>,
    %get3A_216 = vector.shape_cast %get3A_215 : vector<16xi32> to vector<16xi32>
    %mul3A_217 = arith.constant 16 : i32
    %mul3A_218 = vector.broadcast %mul3A_217 : i32 to vector<16xi32>
    %mul3A_219 = arith.muli %get3A_216, %mul3A_218 : vector<16xi32>
    %add3A_220 = arith.addi %mul3A_213, %mul3A_219 : vector<16xi32>
    %get3A_221 = arith.constant 144 : index
    %get3A_222 = tpu.vector_load %arg9[%get3A_221] {strides = array<i32>} : memref<1024xi32, #tpu.memory_space<vmem>>, vector<16xi32>,
    %get3A_223 = vector.shape_cast %get3A_222 : vector<16xi32> to vector<16xi32>
    %add3A_224 = arith.addi %add3A_220, %get3A_223 : vector<16xi32>
    %swap3A_225 = arith.constant 1 : i32
    %swap3A_226 = arith.index_cast %swap3A_225 : i32 to index
    %swap3A_227 = arith.constant 16 : index
    %swap3A_228 = tpu.vector_load %arg10[%swap3A_226, %swap3A_227] {strides = array<i32>} : memref<8x128xi32, #tpu.memory_space<vmem>>, vector<1x16xi32>,
    %swap3A_229 = vector.shape_cast %swap3A_228 : vector<1x16xi32> to vector<16xi32>
    %swap3A_230 = vector.shape_cast %add3A_224 : vector<16xi32> to vector<1x16xi32>
    tpu.vector_store %arg10[%swap3A_226, %swap3A_227], %swap3A_230 {strides = array<i32>} : memref<8x128xi32, #tpu.memory_space<vmem>>, vector<1x16xi32>,
    %get3A_231 = arith.constant 160 : index
    %get3A_232 = tpu.vector_load %arg7[%get3A_231] {strides = array<i32>} : memref<1024xi32, #tpu.memory_space<vmem>>, vector<16xi32>,
    %get3A_233 = vector.shape_cast %get3A_232 : vector<16xi32> to vector<16xi32>
    %mul3A_234 = arith.constant 256 : i32
    %mul3A_235 = vector.broadcast %mul3A_234 : i32 to vector<16xi32>
    %mul3A_236 = arith.muli %get3A_233, %mul3A_235 : vector<16xi32>
    %get3A_237 = arith.constant 160 : index
    %get3A_238 = tpu.vector_load %arg8[%get3A_237] {strides = array<i32>} : memref<1024xi32, #tpu.memory_space<vmem>>, vector<16xi32>,
    %get3A_239 = vector.shape_cast %get3A_238 : vector<16xi32> to vector<16xi32>
    %mul3A_240 = arith.constant 16 : i32
    %mul3A_241 = vector.broadcast %mul3A_240 : i32 to vector<16xi32>
    %mul3A_242 = arith.muli %get3A_239, %mul3A_241 : vector<16xi32>
    %add3A_243 = arith.addi %mul3A_236, %mul3A_242 : vector<16xi32>
    %get3A_244 = arith.constant 160 : index
    %get3A_245 = tpu.vector_load %arg9[%get3A_244] {strides = array<i32>} : memref<1024xi32, #tpu.memory_space<vmem>>, vector<16xi32>,
    %get3A_246 = vector.shape_cast %get3A_245 : vector<16xi32> to vector<16xi32>
    %add3A_247 = arith.addi %add3A_243, %get3A_246 : vector<16xi32>
    %swap3A_248 = arith.constant 1 : i32
    %swap3A_249 = arith.index_cast %swap3A_248 : i32 to index
    %swap3A_250 = arith.constant 32 : index
    %swap3A_251 = tpu.vector_load %arg10[%swap3A_249, %swap3A_250] {strides = array<i32>} : memref<8x128xi32, #tpu.memory_space<vmem>>, vector<1x16xi32>,
    %swap3A_252 = vector.shape_cast %swap3A_251 : vector<1x16xi32> to vector<16xi32>
    %swap3A_253 = vector.shape_cast %add3A_247 : vector<16xi32> to vector<1x16xi32>
    tpu.vector_store %arg10[%swap3A_249, %swap3A_250], %swap3A_253 {strides = array<i32>} : memref<8x128xi32, #tpu.memory_space<vmem>>, vector<1x16xi32>,
    %get3A_254 = arith.constant 176 : index
    %get3A_255 = tpu.vector_load %arg7[%get3A_254] {strides = array<i32>} : memref<1024xi32, #tpu.memory_space<vmem>>, vector<16xi32>,
    %get3A_256 = vector.shape_cast %get3A_255 : vector<16xi32> to vector<16xi32>
    %mul3A_257 = arith.constant 256 : i32
    %mul3A_258 = vector.broadcast %mul3A_257 : i32 to vector<16xi32>
    %mul3A_259 = arith.muli %get3A_256, %mul3A_258 : vector<16xi32>
    %get3A_260 = arith.constant 176 : index
    %get3A_261 = tpu.vector_load %arg8[%get3A_260] {strides = array<i32>} : memref<1024xi32, #tpu.memory_space<vmem>>, vector<16xi32>,
    %get3A_262 = vector.shape_cast %get3A_261 : vector<16xi32> to vector<16xi32>
    %mul3A_263 = arith.constant 16 : i32
    %mul3A_264 = vector.broadcast %mul3A_263 : i32 to vector<16xi32>
    %mul3A_265 = arith.muli %get3A_262, %mul3A_264 : vector<16xi32>
    %add3A_266 = arith.addi %mul3A_259, %mul3A_265 : vector<16xi32>
    %get3A_267 = arith.constant 176 : index
    %get3A_268 = tpu.vector_load %arg9[%get3A_267] {strides = array<i32>} : memref<1024xi32, #tpu.memory_space<vmem>>, vector<16xi32>,
    %get3A_269 = vector.shape_cast %get3A_268 : vector<16xi32> to vector<16xi32>
    %add3A_270 = arith.addi %add3A_266, %get3A_269 : vector<16xi32>
    %swap3A_271 = arith.constant 1 : i32
    %swap3A_272 = arith.index_cast %swap3A_271 : i32 to index
    %swap3A_273 = arith.constant 48 : index
    %swap3A_274 = tpu.vector_load %arg10[%swap3A_272, %swap3A_273] {strides = array<i32>} : memref<8x128xi32, #tpu.memory_space<vmem>>, vector<1x16xi32>,
    %swap3A_275 = vector.shape_cast %swap3A_274 : vector<1x16xi32> to vector<16xi32>
    %swap3A_276 = vector.shape_cast %add3A_270 : vector<16xi32> to vector<1x16xi32>
    tpu.vector_store %arg10[%swap3A_272, %swap3A_273], %swap3A_276 {strides = array<i32>} : memref<8x128xi32, #tpu.memory_space<vmem>>, vector<1x16xi32>,
    %get3A_277 = arith.constant 192 : index
    %get3A_278 = tpu.vector_load %arg7[%get3A_277] {strides = array<i32>} : memref<1024xi32, #tpu.memory_space<vmem>>, vector<16xi32>,
    %get3A_279 = vector.shape_cast %get3A_278 : vector<16xi32> to vector<16xi32>
    %mul3A_280 = arith.constant 256 : i32
    %mul3A_281 = vector.broadcast %mul3A_280 : i32 to vector<16xi32>
    %mul3A_282 = arith.muli %get3A_279, %mul3A_281 : vector<16xi32>
    %get3A_283 = arith.constant 192 : index
    %get3A_284 = tpu.vector_load %arg8[%get3A_283] {strides = array<i32>} : memref<1024xi32, #tpu.memory_space<vmem>>, vector<16xi32>,
    %get3A_285 = vector.shape_cast %get3A_284 : vector<16xi32> to vector<16xi32>
    %mul3A_286 = arith.constant 16 : i32
    %mul3A_287 = vector.broadcast %mul3A_286 : i32 to vector<16xi32>
    %mul3A_288 = arith.muli %get3A_285, %mul3A_287 : vector<16xi32>
    %add3A_289 = arith.addi %mul3A_282, %mul3A_288 : vector<16xi32>
    %get3A_290 = arith.constant 192 : index
    %get3A_291 = tpu.vector_load %arg9[%get3A_290] {strides = array<i32>} : memref<1024xi32, #tpu.memory_space<vmem>>, vector<16xi32>,
    %get3A_292 = vector.shape_cast %get3A_291 : vector<16xi32> to vector<16xi32>
    %add3A_293 = arith.addi %add3A_289, %get3A_292 : vector<16xi32>
    %swap3A_294 = arith.constant 1 : i32
    %swap3A_295 = arith.index_cast %swap3A_294 : i32 to index
    %swap3A_296 = arith.constant 64 : index
    %swap3A_297 = tpu.vector_load %arg10[%swap3A_295, %swap3A_296] {strides = array<i32>} : memref<8x128xi32, #tpu.memory_space<vmem>>, vector<1x16xi32>,
    %swap3A_298 = vector.shape_cast %swap3A_297 : vector<1x16xi32> to vector<16xi32>
    %swap3A_299 = vector.shape_cast %add3A_293 : vector<16xi32> to vector<1x16xi32>
    tpu.vector_store %arg10[%swap3A_295, %swap3A_296], %swap3A_299 {strides = array<i32>} : memref<8x128xi32, #tpu.memory_space<vmem>>, vector<1x16xi32>,
    %get3A_300 = arith.constant 208 : index
    %get3A_301 = tpu.vector_load %arg7[%get3A_300] {strides = array<i32>} : memref<1024xi32, #tpu.memory_space<vmem>>, vector<16xi32>,
    %get3A_302 = vector.shape_cast %get3A_301 : vector<16xi32> to vector<16xi32>
    %mul3A_303 = arith.constant 256 : i32
    %mul3A_304 = vector.broadcast %mul3A_303 : i32 to vector<16xi32>
    %mul3A_305 = arith.muli %get3A_302, %mul3A_304 : vector<16xi32>
    %get3A_306 = arith.constant 208 : index
    %get3A_307 = tpu.vector_load %arg8[%get3A_306] {strides = array<i32>} : memref<1024xi32, #tpu.memory_space<vmem>>, vector<16xi32>,
    %get3A_308 = vector.shape_cast %get3A_307 : vector<16xi32> to vector<16xi32>
    %mul3A_309 = arith.constant 16 : i32
    %mul3A_310 = vector.broadcast %mul3A_309 : i32 to vector<16xi32>
    %mul3A_311 = arith.muli %get3A_308, %mul3A_310 : vector<16xi32>
    %add3A_312 = arith.addi %mul3A_305, %mul3A_311 : vector<16xi32>
    %get3A_313 = arith.constant 208 : index
    %get3A_314 = tpu.vector_load %arg9[%get3A_313] {strides = array<i32>} : memref<1024xi32, #tpu.memory_space<vmem>>, vector<16xi32>,
    %get3A_315 = vector.shape_cast %get3A_314 : vector<16xi32> to vector<16xi32>
    %add3A_316 = arith.addi %add3A_312, %get3A_315 : vector<16xi32>
    %swap3A_317 = arith.constant 1 : i32
    %swap3A_318 = arith.index_cast %swap3A_317 : i32 to index
    %swap3A_319 = arith.constant 80 : index
    %swap3A_320 = tpu.vector_load %arg10[%swap3A_318, %swap3A_319] {strides = array<i32>} : memref<8x128xi32, #tpu.memory_space<vmem>>, vector<1x16xi32>,
    %swap3A_321 = vector.shape_cast %swap3A_320 : vector<1x16xi32> to vector<16xi32>
    %swap3A_322 = vector.shape_cast %add3A_316 : vector<16xi32> to vector<1x16xi32>
    tpu.vector_store %arg10[%swap3A_318, %swap3A_319], %swap3A_322 {strides = array<i32>} : memref<8x128xi32, #tpu.memory_space<vmem>>, vector<1x16xi32>,
    %get3A_323 = arith.constant 224 : index
    %get3A_324 = tpu.vector_load %arg7[%get3A_323] {strides = array<i32>} : memref<1024xi32, #tpu.memory_space<vmem>>, vector<16xi32>,
    %get3A_325 = vector.shape_cast %get3A_324 : vector<16xi32> to vector<16xi32>
    %mul3A_326 = arith.constant 256 : i32
    %mul3A_327 = vector.broadcast %mul3A_326 : i32 to vector<16xi32>
    %mul3A_328 = arith.muli %get3A_325, %mul3A_327 : vector<16xi32>
    %get3A_329 = arith.constant 224 : index
    %get3A_330 = tpu.vector_load %arg8[%get3A_329] {strides = array<i32>} : memref<1024xi32, #tpu.memory_space<vmem>>, vector<16xi32>,
    %get3A_331 = vector.shape_cast %get3A_330 : vector<16xi32> to vector<16xi32>
    %mul3A_332 = arith.constant 16 : i32
    %mul3A_333 = vector.broadcast %mul3A_332 : i32 to vector<16xi32>
    %mul3A_334 = arith.muli %get3A_331, %mul3A_333 : vector<16xi32>
    %add3A_335 = arith.addi %mul3A_328, %mul3A_334 : vector<16xi32>
    %get3A_336 = arith.constant 224 : index
    %get3A_337 = tpu.vector_load %arg9[%get3A_336] {strides = array<i32>} : memref<1024xi32, #tpu.memory_space<vmem>>, vector<16xi32>,
    %get3A_338 = vector.shape_cast %get3A_337 : vector<16xi32> to vector<16xi32>
    %add3A_339 = arith.addi %add3A_335, %get3A_338 : vector<16xi32>
    %swap3A_340 = arith.constant 1 : i32
    %swap3A_341 = arith.index_cast %swap3A_340 : i32 to index
    %swap3A_342 = arith.constant 96 : index
    %swap3A_343 = tpu.vector_load %arg10[%swap3A_341, %swap3A_342] {strides = array<i32>} : memref<8x128xi32, #tpu.memory_space<vmem>>, vector<1x16xi32>,
    %swap3A_344 = vector.shape_cast %swap3A_343 : vector<1x16xi32> to vector<16xi32>
    %swap3A_345 = vector.shape_cast %add3A_339 : vector<16xi32> to vector<1x16xi32>
    tpu.vector_store %arg10[%swap3A_341, %swap3A_342], %swap3A_345 {strides = array<i32>} : memref<8x128xi32, #tpu.memory_space<vmem>>, vector<1x16xi32>,
    %get3A_346 = arith.constant 240 : index
    %get3A_347 = tpu.vector_load %arg7[%get3A_346] {strides = array<i32>} : memref<1024xi32, #tpu.memory_space<vmem>>, vector<16xi32>,
    %get3A_348 = vector.shape_cast %get3A_347 : vector<16xi32> to vector<16xi32>
    %mul3A_349 = arith.constant 256 : i32
    %mul3A_350 = vector.broadcast %mul3A_349 : i32 to vector<16xi32>
    %mul3A_351 = arith.muli %get3A_348, %mul3A_350 : vector<16xi32>
    %get3A_352 = arith.constant 240 : index
    %get3A_353 = tpu.vector_load %arg8[%get3A_352] {strides = array<i32>} : memref<1024xi32, #tpu.memory_space<vmem>>, vector<16xi32>,
    %get3A_354 = vector.shape_cast %get3A_353 : vector<16xi32> to vector<16xi32>
    %mul3A_355 = arith.constant 16 : i32
    %mul3A_356 = vector.broadcast %mul3A_355 : i32 to vector<16xi32>
    %mul3A_357 = arith.muli %get3A_354, %mul3A_356 : vector<16xi32>
    %add3A_358 = arith.addi %mul3A_351, %mul3A_357 : vector<16xi32>
    %get3A_359 = arith.constant 240 : index
    %get3A_360 = tpu.vector_load %arg9[%get3A_359] {strides = array<i32>} : memref<1024xi32, #tpu.memory_space<vmem>>, vector<16xi32>,
    %get3A_361 = vector.shape_cast %get3A_360 : vector<16xi32> to vector<16xi32>
    %add3A_362 = arith.addi %add3A_358, %get3A_361 : vector<16xi32>
    %swap3A_363 = arith.constant 1 : i32
    %swap3A_364 = arith.index_cast %swap3A_363 : i32 to index
    %swap3A_365 = arith.constant 112 : index
    %swap3A_366 = tpu.vector_load %arg10[%swap3A_364, %swap3A_365] {strides = array<i32>} : memref<8x128xi32, #tpu.memory_space<vmem>>, vector<1x16xi32>,
    %swap3A_367 = vector.shape_cast %swap3A_366 : vector<1x16xi32> to vector<16xi32>
    %swap3A_368 = vector.shape_cast %add3A_362 : vector<16xi32> to vector<1x16xi32>
    tpu.vector_store %arg10[%swap3A_364, %swap3A_365], %swap3A_368 {strides = array<i32>} : memref<8x128xi32, #tpu.memory_space<vmem>>, vector<1x16xi32>,
    %get3A_369 = arith.constant 256 : index
    %get3A_370 = tpu.vector_load %arg7[%get3A_369] {strides = array<i32>} : memref<1024xi32, #tpu.memory_space<vmem>>, vector<16xi32>,
    %get3A_371 = vector.shape_cast %get3A_370 : vector<16xi32> to vector<16xi32>
    %mul3A_372 = arith.constant 256 : i32
    %mul3A_373 = vector.broadcast %mul3A_372 : i32 to vector<16xi32>
    %mul3A_374 = arith.muli %get3A_371, %mul3A_373 : vector<16xi32>
    %get3A_375 = arith.constant 256 : index
    %get3A_376 = tpu.vector_load %arg8[%get3A_375] {strides = array<i32>} : memref<1024xi32, #tpu.memory_space<vmem>>, vector<16xi32>,
    %get3A_377 = vector.shape_cast %get3A_376 : vector<16xi32> to vector<16xi32>
    %mul3A_378 = arith.constant 16 : i32
    %mul3A_379 = vector.broadcast %mul3A_378 : i32 to vector<16xi32>
    %mul3A_380 = arith.muli %get3A_377, %mul3A_379 : vector<16xi32>
    %add3A_381 = arith.addi %mul3A_374, %mul3A_380 : vector<16xi32>
    %get3A_382 = arith.constant 256 : index
    %get3A_383 = tpu.vector_load %arg9[%get3A_382] {strides = array<i32>} : memref<1024xi32, #tpu.memory_space<vmem>>, vector<16xi32>,
    %get3A_384 = vector.shape_cast %get3A_383 : vector<16xi32> to vector<16xi32>
    %add3A_385 = arith.addi %add3A_381, %get3A_384 : vector<16xi32>
    %swap3A_386 = arith.constant 2 : i32
    %swap3A_387 = arith.index_cast %swap3A_386 : i32 to index
    %swap3A_388 = arith.constant 0 : index
    %swap3A_389 = tpu.vector_load %arg10[%swap3A_387, %swap3A_388] {strides = array<i32>} : memref<8x128xi32, #tpu.memory_space<vmem>>, vector<1x16xi32>,
    %swap3A_390 = vector.shape_cast %swap3A_389 : vector<1x16xi32> to vector<16xi32>
    %swap3A_391 = vector.shape_cast %add3A_385 : vector<16xi32> to vector<1x16xi32>
    tpu.vector_store %arg10[%swap3A_387, %swap3A_388], %swap3A_391 {strides = array<i32>} : memref<8x128xi32, #tpu.memory_space<vmem>>, vector<1x16xi32>,
    %get3A_392 = arith.constant 272 : index
    %get3A_393 = tpu.vector_load %arg7[%get3A_392] {strides = array<i32>} : memref<1024xi32, #tpu.memory_space<vmem>>, vector<16xi32>,
    %get3A_394 = vector.shape_cast %get3A_393 : vector<16xi32> to vector<16xi32>
    %mul3A_395 = arith.constant 256 : i32
    %mul3A_396 = vector.broadcast %mul3A_395 : i32 to vector<16xi32>
    %mul3A_397 = arith.muli %get3A_394, %mul3A_396 : vector<16xi32>
    %get3A_398 = arith.constant 272 : index
    %get3A_399 = tpu.vector_load %arg8[%get3A_398] {strides = array<i32>} : memref<1024xi32, #tpu.memory_space<vmem>>, vector<16xi32>,
    %get3A_400 = vector.shape_cast %get3A_399 : vector<16xi32> to vector<16xi32>
    %mul3A_401 = arith.constant 16 : i32
    %mul3A_402 = vector.broadcast %mul3A_401 : i32 to vector<16xi32>
    %mul3A_403 = arith.muli %get3A_400, %mul3A_402 : vector<16xi32>
    %add3A_404 = arith.addi %mul3A_397, %mul3A_403 : vector<16xi32>
    %get3A_405 = arith.constant 272 : index
    %get3A_406 = tpu.vector_load %arg9[%get3A_405] {strides = array<i32>} : memref<1024xi32, #tpu.memory_space<vmem>>, vector<16xi32>,
    %get3A_407 = vector.shape_cast %get3A_406 : vector<16xi32> to vector<16xi32>
    %add3A_408 = arith.addi %add3A_404, %get3A_407 : vector<16xi32>
    %swap3A_409 = arith.constant 2 : i32
    %swap3A_410 = arith.index_cast %swap3A_409 : i32 to index
    %swap3A_411 = arith.constant 16 : index
    %swap3A_412 = tpu.vector_load %arg10[%swap3A_410, %swap3A_411] {strides = array<i32>} : memref<8x128xi32, #tpu.memory_space<vmem>>, vector<1x16xi32>,
    %swap3A_413 = vector.shape_cast %swap3A_412 : vector<1x16xi32> to vector<16xi32>
    %swap3A_414 = vector.shape_cast %add3A_408 : vector<16xi32> to vector<1x16xi32>
    tpu.vector_store %arg10[%swap3A_410, %swap3A_411], %swap3A_414 {strides = array<i32>} : memref<8x128xi32, #tpu.memory_space<vmem>>, vector<1x16xi32>,
    %get3A_415 = arith.constant 288 : index
    %get3A_416 = tpu.vector_load %arg7[%get3A_415] {strides = array<i32>} : memref<1024xi32, #tpu.memory_space<vmem>>, vector<16xi32>,
    %get3A_417 = vector.shape_cast %get3A_416 : vector<16xi32> to vector<16xi32>
    %mul3A_418 = arith.constant 256 : i32
    %mul3A_419 = vector.broadcast %mul3A_418 : i32 to vector<16xi32>
    %mul3A_420 = arith.muli %get3A_417, %mul3A_419 : vector<16xi32>
    %get3A_421 = arith.constant 288 : index
    %get3A_422 = tpu.vector_load %arg8[%get3A_421] {strides = array<i32>} : memref<1024xi32, #tpu.memory_space<vmem>>, vector<16xi32>,
    %get3A_423 = vector.shape_cast %get3A_422 : vector<16xi32> to vector<16xi32>
    %mul3A_424 = arith.constant 16 : i32
    %mul3A_425 = vector.broadcast %mul3A_424 : i32 to vector<16xi32>
    %mul3A_426 = arith.muli %get3A_423, %mul3A_425 : vector<16xi32>
    %add3A_427 = arith.addi %mul3A_420, %mul3A_426 : vector<16xi32>
    %get3A_428 = arith.constant 288 : index
    %get3A_429 = tpu.vector_load %arg9[%get3A_428] {strides = array<i32>} : memref<1024xi32, #tpu.memory_space<vmem>>, vector<16xi32>,
    %get3A_430 = vector.shape_cast %get3A_429 : vector<16xi32> to vector<16xi32>
    %add3A_431 = arith.addi %add3A_427, %get3A_430 : vector<16xi32>
    %swap3A_432 = arith.constant 2 : i32
    %swap3A_433 = arith.index_cast %swap3A_432 : i32 to index
    %swap3A_434 = arith.constant 32 : index
    %swap3A_435 = tpu.vector_load %arg10[%swap3A_433, %swap3A_434] {strides = array<i32>} : memref<8x128xi32, #tpu.memory_space<vmem>>, vector<1x16xi32>,
    %swap3A_436 = vector.shape_cast %swap3A_435 : vector<1x16xi32> to vector<16xi32>
    %swap3A_437 = vector.shape_cast %add3A_431 : vector<16xi32> to vector<1x16xi32>
    tpu.vector_store %arg10[%swap3A_433, %swap3A_434], %swap3A_437 {strides = array<i32>} : memref<8x128xi32, #tpu.memory_space<vmem>>, vector<1x16xi32>,
    %get3A_438 = arith.constant 304 : index
    %get3A_439 = tpu.vector_load %arg7[%get3A_438] {strides = array<i32>} : memref<1024xi32, #tpu.memory_space<vmem>>, vector<16xi32>,
    %get3A_440 = vector.shape_cast %get3A_439 : vector<16xi32> to vector<16xi32>
    %mul3A_441 = arith.constant 256 : i32
    %mul3A_442 = vector.broadcast %mul3A_441 : i32 to vector<16xi32>
    %mul3A_443 = arith.muli %get3A_440, %mul3A_442 : vector<16xi32>
    %get3A_444 = arith.constant 304 : index
    %get3A_445 = tpu.vector_load %arg8[%get3A_444] {strides = array<i32>} : memref<1024xi32, #tpu.memory_space<vmem>>, vector<16xi32>,
    %get3A_446 = vector.shape_cast %get3A_445 : vector<16xi32> to vector<16xi32>
    %mul3A_447 = arith.constant 16 : i32
    %mul3A_448 = vector.broadcast %mul3A_447 : i32 to vector<16xi32>
    %mul3A_449 = arith.muli %get3A_446, %mul3A_448 : vector<16xi32>
    %add3A_450 = arith.addi %mul3A_443, %mul3A_449 : vector<16xi32>
    %get3A_451 = arith.constant 304 : index
    %get3A_452 = tpu.vector_load %arg9[%get3A_451] {strides = array<i32>} : memref<1024xi32, #tpu.memory_space<vmem>>, vector<16xi32>,
    %get3A_453 = vector.shape_cast %get3A_452 : vector<16xi32> to vector<16xi32>
    %add3A_454 = arith.addi %add3A_450, %get3A_453 : vector<16xi32>
    %swap3A_455 = arith.constant 2 : i32
    %swap3A_456 = arith.index_cast %swap3A_455 : i32 to index
    %swap3A_457 = arith.constant 48 : index
    %swap3A_458 = tpu.vector_load %arg10[%swap3A_456, %swap3A_457] {strides = array<i32>} : memref<8x128xi32, #tpu.memory_space<vmem>>, vector<1x16xi32>,
    %swap3A_459 = vector.shape_cast %swap3A_458 : vector<1x16xi32> to vector<16xi32>
    %swap3A_460 = vector.shape_cast %add3A_454 : vector<16xi32> to vector<1x16xi32>
    tpu.vector_store %arg10[%swap3A_456, %swap3A_457], %swap3A_460 {strides = array<i32>} : memref<8x128xi32, #tpu.memory_space<vmem>>, vector<1x16xi32>,
    %get3A_461 = arith.constant 320 : index
    %get3A_462 = tpu.vector_load %arg7[%get3A_461] {strides = array<i32>} : memref<1024xi32, #tpu.memory_space<vmem>>, vector<16xi32>,
    %get3A_463 = vector.shape_cast %get3A_462 : vector<16xi32> to vector<16xi32>
    %mul3A_464 = arith.constant 256 : i32
    %mul3A_465 = vector.broadcast %mul3A_464 : i32 to vector<16xi32>
    %mul3A_466 = arith.muli %get3A_463, %mul3A_465 : vector<16xi32>
    %get3A_467 = arith.constant 320 : index
    %get3A_468 = tpu.vector_load %arg8[%get3A_467] {strides = array<i32>} : memref<1024xi32, #tpu.memory_space<vmem>>, vector<16xi32>,
    %get3A_469 = vector.shape_cast %get3A_468 : vector<16xi32> to vector<16xi32>
    %mul3A_470 = arith.constant 16 : i32
    %mul3A_471 = vector.broadcast %mul3A_470 : i32 to vector<16xi32>
    %mul3A_472 = arith.muli %get3A_469, %mul3A_471 : vector<16xi32>
    %add3A_473 = arith.addi %mul3A_466, %mul3A_472 : vector<16xi32>
    %get3A_474 = arith.constant 320 : index
    %get3A_475 = tpu.vector_load %arg9[%get3A_474] {strides = array<i32>} : memref<1024xi32, #tpu.memory_space<vmem>>, vector<16xi32>,
    %get3A_476 = vector.shape_cast %get3A_475 : vector<16xi32> to vector<16xi32>
    %add3A_477 = arith.addi %add3A_473, %get3A_476 : vector<16xi32>
    %swap3A_478 = arith.constant 2 : i32
    %swap3A_479 = arith.index_cast %swap3A_478 : i32 to index
    %swap3A_480 = arith.constant 64 : index
    %swap3A_481 = tpu.vector_load %arg10[%swap3A_479, %swap3A_480] {strides = array<i32>} : memref<8x128xi32, #tpu.memory_space<vmem>>, vector<1x16xi32>,
    %swap3A_482 = vector.shape_cast %swap3A_481 : vector<1x16xi32> to vector<16xi32>
    %swap3A_483 = vector.shape_cast %add3A_477 : vector<16xi32> to vector<1x16xi32>
    tpu.vector_store %arg10[%swap3A_479, %swap3A_480], %swap3A_483 {strides = array<i32>} : memref<8x128xi32, #tpu.memory_space<vmem>>, vector<1x16xi32>,
    %get3A_484 = arith.constant 336 : index
    %get3A_485 = tpu.vector_load %arg7[%get3A_484] {strides = array<i32>} : memref<1024xi32, #tpu.memory_space<vmem>>, vector<16xi32>,
    %get3A_486 = vector.shape_cast %get3A_485 : vector<16xi32> to vector<16xi32>
    %mul3A_487 = arith.constant 256 : i32
    %mul3A_488 = vector.broadcast %mul3A_487 : i32 to vector<16xi32>
    %mul3A_489 = arith.muli %get3A_486, %mul3A_488 : vector<16xi32>
    %get3A_490 = arith.constant 336 : index
    %get3A_491 = tpu.vector_load %arg8[%get3A_490] {strides = array<i32>} : memref<1024xi32, #tpu.memory_space<vmem>>, vector<16xi32>,
    %get3A_492 = vector.shape_cast %get3A_491 : vector<16xi32> to vector<16xi32>
    %mul3A_493 = arith.constant 16 : i32
    %mul3A_494 = vector.broadcast %mul3A_493 : i32 to vector<16xi32>
    %mul3A_495 = arith.muli %get3A_492, %mul3A_494 : vector<16xi32>
    %add3A_496 = arith.addi %mul3A_489, %mul3A_495 : vector<16xi32>
    %get3A_497 = arith.constant 336 : index
    %get3A_498 = tpu.vector_load %arg9[%get3A_497] {strides = array<i32>} : memref<1024xi32, #tpu.memory_space<vmem>>, vector<16xi32>,
    %get3A_499 = vector.shape_cast %get3A_498 : vector<16xi32> to vector<16xi32>
    %add3A_500 = arith.addi %add3A_496, %get3A_499 : vector<16xi32>
    %swap3A_501 = arith.constant 2 : i32
    %swap3A_502 = arith.index_cast %swap3A_501 : i32 to index
    %swap3A_503 = arith.constant 80 : index
    %swap3A_504 = tpu.vector_load %arg10[%swap3A_502, %swap3A_503] {strides = array<i32>} : memref<8x128xi32, #tpu.memory_space<vmem>>, vector<1x16xi32>,
    %swap3A_505 = vector.shape_cast %swap3A_504 : vector<1x16xi32> to vector<16xi32>
    %swap3A_506 = vector.shape_cast %add3A_500 : vector<16xi32> to vector<1x16xi32>
    tpu.vector_store %arg10[%swap3A_502, %swap3A_503], %swap3A_506 {strides = array<i32>} : memref<8x128xi32, #tpu.memory_space<vmem>>, vector<1x16xi32>,
    %get3A_507 = arith.constant 352 : index
    %get3A_508 = tpu.vector_load %arg7[%get3A_507] {strides = array<i32>} : memref<1024xi32, #tpu.memory_space<vmem>>, vector<16xi32>,
    %get3A_509 = vector.shape_cast %get3A_508 : vector<16xi32> to vector<16xi32>
    %mul3A_510 = arith.constant 256 : i32
    %mul3A_511 = vector.broadcast %mul3A_510 : i32 to vector<16xi32>
    %mul3A_512 = arith.muli %get3A_509, %mul3A_511 : vector<16xi32>
    %get3A_513 = arith.constant 352 : index
    %get3A_514 = tpu.vector_load %arg8[%get3A_513] {strides = array<i32>} : memref<1024xi32, #tpu.memory_space<vmem>>, vector<16xi32>,
    %get3A_515 = vector.shape_cast %get3A_514 : vector<16xi32> to vector<16xi32>
    %mul3A_516 = arith.constant 16 : i32
    %mul3A_517 = vector.broadcast %mul3A_516 : i32 to vector<16xi32>
    %mul3A_518 = arith.muli %get3A_515, %mul3A_517 : vector<16xi32>
    %add3A_519 = arith.addi %mul3A_512, %mul3A_518 : vector<16xi32>
    %get3A_520 = arith.constant 352 : index
    %get3A_521 = tpu.vector_load %arg9[%get3A_520] {strides = array<i32>} : memref<1024xi32, #tpu.memory_space<vmem>>, vector<16xi32>,
    %get3A_522 = vector.shape_cast %get3A_521 : vector<16xi32> to vector<16xi32>
    %add3A_523 = arith.addi %add3A_519, %get3A_522 : vector<16xi32>
    %swap3A_524 = arith.constant 2 : i32
    %swap3A_525 = arith.index_cast %swap3A_524 : i32 to index
    %swap3A_526 = arith.constant 96 : index
    %swap3A_527 = tpu.vector_load %arg10[%swap3A_525, %swap3A_526] {strides = array<i32>} : memref<8x128xi32, #tpu.memory_space<vmem>>, vector<1x16xi32>,
    %swap3A_528 = vector.shape_cast %swap3A_527 : vector<1x16xi32> to vector<16xi32>
    %swap3A_529 = vector.shape_cast %add3A_523 : vector<16xi32> to vector<1x16xi32>
    tpu.vector_store %arg10[%swap3A_525, %swap3A_526], %swap3A_529 {strides = array<i32>} : memref<8x128xi32, #tpu.memory_space<vmem>>, vector<1x16xi32>,
    %get3A_530 = arith.constant 368 : index
    %get3A_531 = tpu.vector_load %arg7[%get3A_530] {strides = array<i32>} : memref<1024xi32, #tpu.memory_space<vmem>>, vector<16xi32>,
    %get3A_532 = vector.shape_cast %get3A_531 : vector<16xi32> to vector<16xi32>
    %mul3A_533 = arith.constant 256 : i32
    %mul3A_534 = vector.broadcast %mul3A_533 : i32 to vector<16xi32>
    %mul3A_535 = arith.muli %get3A_532, %mul3A_534 : vector<16xi32>
    %get3A_536 = arith.constant 368 : index
    %get3A_537 = tpu.vector_load %arg8[%get3A_536] {strides = array<i32>} : memref<1024xi32, #tpu.memory_space<vmem>>, vector<16xi32>,
    %get3A_538 = vector.shape_cast %get3A_537 : vector<16xi32> to vector<16xi32>
    %mul3A_539 = arith.constant 16 : i32
    %mul3A_540 = vector.broadcast %mul3A_539 : i32 to vector<16xi32>
    %mul3A_541 = arith.muli %get3A_538, %mul3A_540 : vector<16xi32>
    %add3A_542 = arith.addi %mul3A_535, %mul3A_541 : vector<16xi32>
    %get3A_543 = arith.constant 368 : index
    %get3A_544 = tpu.vector_load %arg9[%get3A_543] {strides = array<i32>} : memref<1024xi32, #tpu.memory_space<vmem>>, vector<16xi32>,
    %get3A_545 = vector.shape_cast %get3A_544 : vector<16xi32> to vector<16xi32>
    %add3A_546 = arith.addi %add3A_542, %get3A_545 : vector<16xi32>
    %swap3A_547 = arith.constant 2 : i32
    %swap3A_548 = arith.index_cast %swap3A_547 : i32 to index
    %swap3A_549 = arith.constant 112 : index
    %swap3A_550 = tpu.vector_load %arg10[%swap3A_548, %swap3A_549] {strides = array<i32>} : memref<8x128xi32, #tpu.memory_space<vmem>>, vector<1x16xi32>,
    %swap3A_551 = vector.shape_cast %swap3A_550 : vector<1x16xi32> to vector<16xi32>
    %swap3A_552 = vector.shape_cast %add3A_546 : vector<16xi32> to vector<1x16xi32>
    tpu.vector_store %arg10[%swap3A_548, %swap3A_549], %swap3A_552 {strides = array<i32>} : memref<8x128xi32, #tpu.memory_space<vmem>>, vector<1x16xi32>,
    %get3A_553 = arith.constant 384 : index
    %get3A_554 = tpu.vector_load %arg7[%get3A_553] {strides = array<i32>} : memref<1024xi32, #tpu.memory_space<vmem>>, vector<16xi32>,
    %get3A_555 = vector.shape_cast %get3A_554 : vector<16xi32> to vector<16xi32>
    %mul3A_556 = arith.constant 256 : i32
    %mul3A_557 = vector.broadcast %mul3A_556 : i32 to vector<16xi32>
    %mul3A_558 = arith.muli %get3A_555, %mul3A_557 : vector<16xi32>
    %get3A_559 = arith.constant 384 : index
    %get3A_560 = tpu.vector_load %arg8[%get3A_559] {strides = array<i32>} : memref<1024xi32, #tpu.memory_space<vmem>>, vector<16xi32>,
    %get3A_561 = vector.shape_cast %get3A_560 : vector<16xi32> to vector<16xi32>
    %mul3A_562 = arith.constant 16 : i32
    %mul3A_563 = vector.broadcast %mul3A_562 : i32 to vector<16xi32>
    %mul3A_564 = arith.muli %get3A_561, %mul3A_563 : vector<16xi32>
    %add3A_565 = arith.addi %mul3A_558, %mul3A_564 : vector<16xi32>
    %get3A_566 = arith.constant 384 : index
    %get3A_567 = tpu.vector_load %arg9[%get3A_566] {strides = array<i32>} : memref<1024xi32, #tpu.memory_space<vmem>>, vector<16xi32>,
    %get3A_568 = vector.shape_cast %get3A_567 : vector<16xi32> to vector<16xi32>
    %add3A_569 = arith.addi %add3A_565, %get3A_568 : vector<16xi32>
    %swap3A_570 = arith.constant 3 : i32
    %swap3A_571 = arith.index_cast %swap3A_570 : i32 to index
    %swap3A_572 = arith.constant 0 : index
    %swap3A_573 = tpu.vector_load %arg10[%swap3A_571, %swap3A_572] {strides = array<i32>} : memref<8x128xi32, #tpu.memory_space<vmem>>, vector<1x16xi32>,
    %swap3A_574 = vector.shape_cast %swap3A_573 : vector<1x16xi32> to vector<16xi32>
    %swap3A_575 = vector.shape_cast %add3A_569 : vector<16xi32> to vector<1x16xi32>
    tpu.vector_store %arg10[%swap3A_571, %swap3A_572], %swap3A_575 {strides = array<i32>} : memref<8x128xi32, #tpu.memory_space<vmem>>, vector<1x16xi32>,
    %get3A_576 = arith.constant 400 : index
    %get3A_577 = tpu.vector_load %arg7[%get3A_576] {strides = array<i32>} : memref<1024xi32, #tpu.memory_space<vmem>>, vector<16xi32>,
    %get3A_578 = vector.shape_cast %get3A_577 : vector<16xi32> to vector<16xi32>
    %mul3A_579 = arith.constant 256 : i32
    %mul3A_580 = vector.broadcast %mul3A_579 : i32 to vector<16xi32>
    %mul3A_581 = arith.muli %get3A_578, %mul3A_580 : vector<16xi32>
    %get3A_582 = arith.constant 400 : index
    %get3A_583 = tpu.vector_load %arg8[%get3A_582] {strides = array<i32>} : memref<1024xi32, #tpu.memory_space<vmem>>, vector<16xi32>,
    %get3A_584 = vector.shape_cast %get3A_583 : vector<16xi32> to vector<16xi32>
    %mul3A_585 = arith.constant 16 : i32
    %mul3A_586 = vector.broadcast %mul3A_585 : i32 to vector<16xi32>
    %mul3A_587 = arith.muli %get3A_584, %mul3A_586 : vector<16xi32>
    %add3A_588 = arith.addi %mul3A_581, %mul3A_587 : vector<16xi32>
    %get3A_589 = arith.constant 400 : index
    %get3A_590 = tpu.vector_load %arg9[%get3A_589] {strides = array<i32>} : memref<1024xi32, #tpu.memory_space<vmem>>, vector<16xi32>,
    %get3A_591 = vector.shape_cast %get3A_590 : vector<16xi32> to vector<16xi32>
    %add3A_592 = arith.addi %add3A_588, %get3A_591 : vector<16xi32>
    %swap3A_593 = arith.constant 3 : i32
    %swap3A_594 = arith.index_cast %swap3A_593 : i32 to index
    %swap3A_595 = arith.constant 16 : index
    %swap3A_596 = tpu.vector_load %arg10[%swap3A_594, %swap3A_595] {strides = array<i32>} : memref<8x128xi32, #tpu.memory_space<vmem>>, vector<1x16xi32>,
    %swap3A_597 = vector.shape_cast %swap3A_596 : vector<1x16xi32> to vector<16xi32>
    %swap3A_598 = vector.shape_cast %add3A_592 : vector<16xi32> to vector<1x16xi32>
    tpu.vector_store %arg10[%swap3A_594, %swap3A_595], %swap3A_598 {strides = array<i32>} : memref<8x128xi32, #tpu.memory_space<vmem>>, vector<1x16xi32>,
    %get3A_599 = arith.constant 416 : index
    %get3A_600 = tpu.vector_load %arg7[%get3A_599] {strides = array<i32>} : memref<1024xi32, #tpu.memory_space<vmem>>, vector<16xi32>,
    %get3A_601 = vector.shape_cast %get3A_600 : vector<16xi32> to vector<16xi32>
    %mul3A_602 = arith.constant 256 : i32
    %mul3A_603 = vector.broadcast %mul3A_602 : i32 to vector<16xi32>
    %mul3A_604 = arith.muli %get3A_601, %mul3A_603 : vector<16xi32>
    %get3A_605 = arith.constant 416 : index
    %get3A_606 = tpu.vector_load %arg8[%get3A_605] {strides = array<i32>} : memref<1024xi32, #tpu.memory_space<vmem>>, vector<16xi32>,
    %get3A_607 = vector.shape_cast %get3A_606 : vector<16xi32> to vector<16xi32>
    %mul3A_608 = arith.constant 16 : i32
    %mul3A_609 = vector.broadcast %mul3A_608 : i32 to vector<16xi32>
    %mul3A_610 = arith.muli %get3A_607, %mul3A_609 : vector<16xi32>
    %add3A_611 = arith.addi %mul3A_604, %mul3A_610 : vector<16xi32>
    %get3A_612 = arith.constant 416 : index
    %get3A_613 = tpu.vector_load %arg9[%get3A_612] {strides = array<i32>} : memref<1024xi32, #tpu.memory_space<vmem>>, vector<16xi32>,
    %get3A_614 = vector.shape_cast %get3A_613 : vector<16xi32> to vector<16xi32>
    %add3A_615 = arith.addi %add3A_611, %get3A_614 : vector<16xi32>
    %swap3A_616 = arith.constant 3 : i32
    %swap3A_617 = arith.index_cast %swap3A_616 : i32 to index
    %swap3A_618 = arith.constant 32 : index
    %swap3A_619 = tpu.vector_load %arg10[%swap3A_617, %swap3A_618] {strides = array<i32>} : memref<8x128xi32, #tpu.memory_space<vmem>>, vector<1x16xi32>,
    %swap3A_620 = vector.shape_cast %swap3A_619 : vector<1x16xi32> to vector<16xi32>
    %swap3A_621 = vector.shape_cast %add3A_615 : vector<16xi32> to vector<1x16xi32>
    tpu.vector_store %arg10[%swap3A_617, %swap3A_618], %swap3A_621 {strides = array<i32>} : memref<8x128xi32, #tpu.memory_space<vmem>>, vector<1x16xi32>,
    %get3A_622 = arith.constant 432 : index
    %get3A_623 = tpu.vector_load %arg7[%get3A_622] {strides = array<i32>} : memref<1024xi32, #tpu.memory_space<vmem>>, vector<16xi32>,
    %get3A_624 = vector.shape_cast %get3A_623 : vector<16xi32> to vector<16xi32>
    %mul3A_625 = arith.constant 256 : i32
    %mul3A_626 = vector.broadcast %mul3A_625 : i32 to vector<16xi32>
    %mul3A_627 = arith.muli %get3A_624, %mul3A_626 : vector<16xi32>
    %get3A_628 = arith.constant 432 : index
    %get3A_629 = tpu.vector_load %arg8[%get3A_628] {strides = array<i32>} : memref<1024xi32, #tpu.memory_space<vmem>>, vector<16xi32>,
    %get3A_630 = vector.shape_cast %get3A_629 : vector<16xi32> to vector<16xi32>
    %mul3A_631 = arith.constant 16 : i32
    %mul3A_632 = vector.broadcast %mul3A_631 : i32 to vector<16xi32>
    %mul3A_633 = arith.muli %get3A_630, %mul3A_632 : vector<16xi32>
    %add3A_634 = arith.addi %mul3A_627, %mul3A_633 : vector<16xi32>
    %get3A_635 = arith.constant 432 : index
    %get3A_636 = tpu.vector_load %arg9[%get3A_635] {strides = array<i32>} : memref<1024xi32, #tpu.memory_space<vmem>>, vector<16xi32>,
    %get3A_637 = vector.shape_cast %get3A_636 : vector<16xi32> to vector<16xi32>
    %add3A_638 = arith.addi %add3A_634, %get3A_637 : vector<16xi32>
    %swap3A_639 = arith.constant 3 : i32
    %swap3A_640 = arith.index_cast %swap3A_639 : i32 to index
    %swap3A_641 = arith.constant 48 : index
    %swap3A_642 = tpu.vector_load %arg10[%swap3A_640, %swap3A_641] {strides = array<i32>} : memref<8x128xi32, #tpu.memory_space<vmem>>, vector<1x16xi32>,
    %swap3A_643 = vector.shape_cast %swap3A_642 : vector<1x16xi32> to vector<16xi32>
    %swap3A_644 = vector.shape_cast %add3A_638 : vector<16xi32> to vector<1x16xi32>
    tpu.vector_store %arg10[%swap3A_640, %swap3A_641], %swap3A_644 {strides = array<i32>} : memref<8x128xi32, #tpu.memory_space<vmem>>, vector<1x16xi32>,
    %get3A_645 = arith.constant 448 : index
    %get3A_646 = tpu.vector_load %arg7[%get3A_645] {strides = array<i32>} : memref<1024xi32, #tpu.memory_space<vmem>>, vector<16xi32>,
    %get3A_647 = vector.shape_cast %get3A_646 : vector<16xi32> to vector<16xi32>
    %mul3A_648 = arith.constant 256 : i32
    %mul3A_649 = vector.broadcast %mul3A_648 : i32 to vector<16xi32>
    %mul3A_650 = arith.muli %get3A_647, %mul3A_649 : vector<16xi32>
    %get3A_651 = arith.constant 448 : index
    %get3A_652 = tpu.vector_load %arg8[%get3A_651] {strides = array<i32>} : memref<1024xi32, #tpu.memory_space<vmem>>, vector<16xi32>,
    %get3A_653 = vector.shape_cast %get3A_652 : vector<16xi32> to vector<16xi32>
    %mul3A_654 = arith.constant 16 : i32
    %mul3A_655 = vector.broadcast %mul3A_654 : i32 to vector<16xi32>
    %mul3A_656 = arith.muli %get3A_653, %mul3A_655 : vector<16xi32>
    %add3A_657 = arith.addi %mul3A_650, %mul3A_656 : vector<16xi32>
    %get3A_658 = arith.constant 448 : index
    %get3A_659 = tpu.vector_load %arg9[%get3A_658] {strides = array<i32>} : memref<1024xi32, #tpu.memory_space<vmem>>, vector<16xi32>,
    %get3A_660 = vector.shape_cast %get3A_659 : vector<16xi32> to vector<16xi32>
    %add3A_661 = arith.addi %add3A_657, %get3A_660 : vector<16xi32>
    %swap3A_662 = arith.constant 3 : i32
    %swap3A_663 = arith.index_cast %swap3A_662 : i32 to index
    %swap3A_664 = arith.constant 64 : index
    %swap3A_665 = tpu.vector_load %arg10[%swap3A_663, %swap3A_664] {strides = array<i32>} : memref<8x128xi32, #tpu.memory_space<vmem>>, vector<1x16xi32>,
    %swap3A_666 = vector.shape_cast %swap3A_665 : vector<1x16xi32> to vector<16xi32>
    %swap3A_667 = vector.shape_cast %add3A_661 : vector<16xi32> to vector<1x16xi32>
    tpu.vector_store %arg10[%swap3A_663, %swap3A_664], %swap3A_667 {strides = array<i32>} : memref<8x128xi32, #tpu.memory_space<vmem>>, vector<1x16xi32>,
    %get3A_668 = arith.constant 464 : index
    %get3A_669 = tpu.vector_load %arg7[%get3A_668] {strides = array<i32>} : memref<1024xi32, #tpu.memory_space<vmem>>, vector<16xi32>,
    %get3A_670 = vector.shape_cast %get3A_669 : vector<16xi32> to vector<16xi32>
    %mul3A_671 = arith.constant 256 : i32
    %mul3A_672 = vector.broadcast %mul3A_671 : i32 to vector<16xi32>
    %mul3A_673 = arith.muli %get3A_670, %mul3A_672 : vector<16xi32>
    %get3A_674 = arith.constant 464 : index
    %get3A_675 = tpu.vector_load %arg8[%get3A_674] {strides = array<i32>} : memref<1024xi32, #tpu.memory_space<vmem>>, vector<16xi32>,
    %get3A_676 = vector.shape_cast %get3A_675 : vector<16xi32> to vector<16xi32>
    %mul3A_677 = arith.constant 16 : i32
    %mul3A_678 = vector.broadcast %mul3A_677 : i32 to vector<16xi32>
    %mul3A_679 = arith.muli %get3A_676, %mul3A_678 : vector<16xi32>
    %add3A_680 = arith.addi %mul3A_673, %mul3A_679 : vector<16xi32>
    %get3A_681 = arith.constant 464 : index
    %get3A_682 = tpu.vector_load %arg9[%get3A_681] {strides = array<i32>} : memref<1024xi32, #tpu.memory_space<vmem>>, vector<16xi32>,
    %get3A_683 = vector.shape_cast %get3A_682 : vector<16xi32> to vector<16xi32>
    %add3A_684 = arith.addi %add3A_680, %get3A_683 : vector<16xi32>
    %swap3A_685 = arith.constant 3 : i32
    %swap3A_686 = arith.index_cast %swap3A_685 : i32 to index
    %swap3A_687 = arith.constant 80 : index
    %swap3A_688 = tpu.vector_load %arg10[%swap3A_686, %swap3A_687] {strides = array<i32>} : memref<8x128xi32, #tpu.memory_space<vmem>>, vector<1x16xi32>,
    %swap3A_689 = vector.shape_cast %swap3A_688 : vector<1x16xi32> to vector<16xi32>
    %swap3A_690 = vector.shape_cast %add3A_684 : vector<16xi32> to vector<1x16xi32>
    tpu.vector_store %arg10[%swap3A_686, %swap3A_687], %swap3A_690 {strides = array<i32>} : memref<8x128xi32, #tpu.memory_space<vmem>>, vector<1x16xi32>,
    %get3A_691 = arith.constant 480 : index
    %get3A_692 = tpu.vector_load %arg7[%get3A_691] {strides = array<i32>} : memref<1024xi32, #tpu.memory_space<vmem>>, vector<16xi32>,
    %get3A_693 = vector.shape_cast %get3A_692 : vector<16xi32> to vector<16xi32>
    %mul3A_694 = arith.constant 256 : i32
    %mul3A_695 = vector.broadcast %mul3A_694 : i32 to vector<16xi32>
    %mul3A_696 = arith.muli %get3A_693, %mul3A_695 : vector<16xi32>
    %get3A_697 = arith.constant 480 : index
    %get3A_698 = tpu.vector_load %arg8[%get3A_697] {strides = array<i32>} : memref<1024xi32, #tpu.memory_space<vmem>>, vector<16xi32>,
    %get3A_699 = vector.shape_cast %get3A_698 : vector<16xi32> to vector<16xi32>
    %mul3A_700 = arith.constant 16 : i32
    %mul3A_701 = vector.broadcast %mul3A_700 : i32 to vector<16xi32>
    %mul3A_702 = arith.muli %get3A_699, %mul3A_701 : vector<16xi32>
    %add3A_703 = arith.addi %mul3A_696, %mul3A_702 : vector<16xi32>
    %get3A_704 = arith.constant 480 : index
    %get3A_705 = tpu.vector_load %arg9[%get3A_704] {strides = array<i32>} : memref<1024xi32, #tpu.memory_space<vmem>>, vector<16xi32>,
    %get3A_706 = vector.shape_cast %get3A_705 : vector<16xi32> to vector<16xi32>
    %add3A_707 = arith.addi %add3A_703, %get3A_706 : vector<16xi32>
    %swap3A_708 = arith.constant 3 : i32
    %swap3A_709 = arith.index_cast %swap3A_708 : i32 to index
    %swap3A_710 = arith.constant 96 : index
    %swap3A_711 = tpu.vector_load %arg10[%swap3A_709, %swap3A_710] {strides = array<i32>} : memref<8x128xi32, #tpu.memory_space<vmem>>, vector<1x16xi32>,
    %swap3A_712 = vector.shape_cast %swap3A_711 : vector<1x16xi32> to vector<16xi32>
    %swap3A_713 = vector.shape_cast %add3A_707 : vector<16xi32> to vector<1x16xi32>
    tpu.vector_store %arg10[%swap3A_709, %swap3A_710], %swap3A_713 {strides = array<i32>} : memref<8x128xi32, #tpu.memory_space<vmem>>, vector<1x16xi32>,
    %get3A_714 = arith.constant 496 : index
    %get3A_715 = tpu.vector_load %arg7[%get3A_714] {strides = array<i32>} : memref<1024xi32, #tpu.memory_space<vmem>>, vector<16xi32>,
    %get3A_716 = vector.shape_cast %get3A_715 : vector<16xi32> to vector<16xi32>
    %mul3A_717 = arith.constant 256 : i32
    %mul3A_718 = vector.broadcast %mul3A_717 : i32 to vector<16xi32>
    %mul3A_719 = arith.muli %get3A_716, %mul3A_718 : vector<16xi32>
    %get3A_720 = arith.constant 496 : index
    %get3A_721 = tpu.vector_load %arg8[%get3A_720] {strides = array<i32>} : memref<1024xi32, #tpu.memory_space<vmem>>, vector<16xi32>,
    %get3A_722 = vector.shape_cast %get3A_721 : vector<16xi32> to vector<16xi32>
    %mul3A_723 = arith.constant 16 : i32
    %mul3A_724 = vector.broadcast %mul3A_723 : i32 to vector<16xi32>
    %mul3A_725 = arith.muli %get3A_722, %mul3A_724 : vector<16xi32>
    %add3A_726 = arith.addi %mul3A_719, %mul3A_725 : vector<16xi32>
    %get3A_727 = arith.constant 496 : index
    %get3A_728 = tpu.vector_load %arg9[%get3A_727] {strides = array<i32>} : memref<1024xi32, #tpu.memory_space<vmem>>, vector<16xi32>,
    %get3A_729 = vector.shape_cast %get3A_728 : vector<16xi32> to vector<16xi32>
    %add3A_730 = arith.addi %add3A_726, %get3A_729 : vector<16xi32>
    %swap3A_731 = arith.constant 3 : i32
    %swap3A_732 = arith.index_cast %swap3A_731 : i32 to index
    %swap3A_733 = arith.constant 112 : index
    %swap3A_734 = tpu.vector_load %arg10[%swap3A_732, %swap3A_733] {strides = array<i32>} : memref<8x128xi32, #tpu.memory_space<vmem>>, vector<1x16xi32>,
    %swap3A_735 = vector.shape_cast %swap3A_734 : vector<1x16xi32> to vector<16xi32>
    %swap3A_736 = vector.shape_cast %add3A_730 : vector<16xi32> to vector<1x16xi32>
    tpu.vector_store %arg10[%swap3A_732, %swap3A_733], %swap3A_736 {strides = array<i32>} : memref<8x128xi32, #tpu.memory_space<vmem>>, vector<1x16xi32>,
    %get3A_737 = arith.constant 512 : index
    %get3A_738 = tpu.vector_load %arg7[%get3A_737] {strides = array<i32>} : memref<1024xi32, #tpu.memory_space<vmem>>, vector<16xi32>,
    %get3A_739 = vector.shape_cast %get3A_738 : vector<16xi32> to vector<16xi32>
    %mul3A_740 = arith.constant 256 : i32
    %mul3A_741 = vector.broadcast %mul3A_740 : i32 to vector<16xi32>
    %mul3A_742 = arith.muli %get3A_739, %mul3A_741 : vector<16xi32>
    %get3A_743 = arith.constant 512 : index
    %get3A_744 = tpu.vector_load %arg8[%get3A_743] {strides = array<i32>} : memref<1024xi32, #tpu.memory_space<vmem>>, vector<16xi32>,
    %get3A_745 = vector.shape_cast %get3A_744 : vector<16xi32> to vector<16xi32>
    %mul3A_746 = arith.constant 16 : i32
    %mul3A_747 = vector.broadcast %mul3A_746 : i32 to vector<16xi32>
    %mul3A_748 = arith.muli %get3A_745, %mul3A_747 : vector<16xi32>
    %add3A_749 = arith.addi %mul3A_742, %mul3A_748 : vector<16xi32>
    %get3A_750 = arith.constant 512 : index
    %get3A_751 = tpu.vector_load %arg9[%get3A_750] {strides = array<i32>} : memref<1024xi32, #tpu.memory_space<vmem>>, vector<16xi32>,
    %get3A_752 = vector.shape_cast %get3A_751 : vector<16xi32> to vector<16xi32>
    %add3A_753 = arith.addi %add3A_749, %get3A_752 : vector<16xi32>
    %swap3A_754 = arith.constant 4 : i32
    %swap3A_755 = arith.index_cast %swap3A_754 : i32 to index
    %swap3A_756 = arith.constant 0 : index
    %swap3A_757 = tpu.vector_load %arg10[%swap3A_755, %swap3A_756] {strides = array<i32>} : memref<8x128xi32, #tpu.memory_space<vmem>>, vector<1x16xi32>,
    %swap3A_758 = vector.shape_cast %swap3A_757 : vector<1x16xi32> to vector<16xi32>
    %swap3A_759 = vector.shape_cast %add3A_753 : vector<16xi32> to vector<1x16xi32>
    tpu.vector_store %arg10[%swap3A_755, %swap3A_756], %swap3A_759 {strides = array<i32>} : memref<8x128xi32, #tpu.memory_space<vmem>>, vector<1x16xi32>,
    %get3A_760 = arith.constant 528 : index
    %get3A_761 = tpu.vector_load %arg7[%get3A_760] {strides = array<i32>} : memref<1024xi32, #tpu.memory_space<vmem>>, vector<16xi32>,
    %get3A_762 = vector.shape_cast %get3A_761 : vector<16xi32> to vector<16xi32>
    %mul3A_763 = arith.constant 256 : i32
    %mul3A_764 = vector.broadcast %mul3A_763 : i32 to vector<16xi32>
    %mul3A_765 = arith.muli %get3A_762, %mul3A_764 : vector<16xi32>
    %get3A_766 = arith.constant 528 : index
    %get3A_767 = tpu.vector_load %arg8[%get3A_766] {strides = array<i32>} : memref<1024xi32, #tpu.memory_space<vmem>>, vector<16xi32>,
    %get3A_768 = vector.shape_cast %get3A_767 : vector<16xi32> to vector<16xi32>
    %mul3A_769 = arith.constant 16 : i32
    %mul3A_770 = vector.broadcast %mul3A_769 : i32 to vector<16xi32>
    %mul3A_771 = arith.muli %get3A_768, %mul3A_770 : vector<16xi32>
    %add3A_772 = arith.addi %mul3A_765, %mul3A_771 : vector<16xi32>
    %get3A_773 = arith.constant 528 : index
    %get3A_774 = tpu.vector_load %arg9[%get3A_773] {strides = array<i32>} : memref<1024xi32, #tpu.memory_space<vmem>>, vector<16xi32>,
    %get3A_775 = vector.shape_cast %get3A_774 : vector<16xi32> to vector<16xi32>
    %add3A_776 = arith.addi %add3A_772, %get3A_775 : vector<16xi32>
    %swap3A_777 = arith.constant 4 : i32
    %swap3A_778 = arith.index_cast %swap3A_777 : i32 to index
    %swap3A_779 = arith.constant 16 : index
    %swap3A_780 = tpu.vector_load %arg10[%swap3A_778, %swap3A_779] {strides = array<i32>} : memref<8x128xi32, #tpu.memory_space<vmem>>, vector<1x16xi32>,
    %swap3A_781 = vector.shape_cast %swap3A_780 : vector<1x16xi32> to vector<16xi32>
    %swap3A_782 = vector.shape_cast %add3A_776 : vector<16xi32> to vector<1x16xi32>
    tpu.vector_store %arg10[%swap3A_778, %swap3A_779], %swap3A_782 {strides = array<i32>} : memref<8x128xi32, #tpu.memory_space<vmem>>, vector<1x16xi32>,
    %get3A_783 = arith.constant 544 : index
    %get3A_784 = tpu.vector_load %arg7[%get3A_783] {strides = array<i32>} : memref<1024xi32, #tpu.memory_space<vmem>>, vector<16xi32>,
    %get3A_785 = vector.shape_cast %get3A_784 : vector<16xi32> to vector<16xi32>
    %mul3A_786 = arith.constant 256 : i32
    %mul3A_787 = vector.broadcast %mul3A_786 : i32 to vector<16xi32>
    %mul3A_788 = arith.muli %get3A_785, %mul3A_787 : vector<16xi32>
    %get3A_789 = arith.constant 544 : index
    %get3A_790 = tpu.vector_load %arg8[%get3A_789] {strides = array<i32>} : memref<1024xi32, #tpu.memory_space<vmem>>, vector<16xi32>,
    %get3A_791 = vector.shape_cast %get3A_790 : vector<16xi32> to vector<16xi32>
    %mul3A_792 = arith.constant 16 : i32
    %mul3A_793 = vector.broadcast %mul3A_792 : i32 to vector<16xi32>
    %mul3A_794 = arith.muli %get3A_791, %mul3A_793 : vector<16xi32>
    %add3A_795 = arith.addi %mul3A_788, %mul3A_794 : vector<16xi32>
    %get3A_796 = arith.constant 544 : index
    %get3A_797 = tpu.vector_load %arg9[%get3A_796] {strides = array<i32>} : memref<1024xi32, #tpu.memory_space<vmem>>, vector<16xi32>,
    %get3A_798 = vector.shape_cast %get3A_797 : vector<16xi32> to vector<16xi32>
    %add3A_799 = arith.addi %add3A_795, %get3A_798 : vector<16xi32>
    %swap3A_800 = arith.constant 4 : i32
    %swap3A_801 = arith.index_cast %swap3A_800 : i32 to index
    %swap3A_802 = arith.constant 32 : index
    %swap3A_803 = tpu.vector_load %arg10[%swap3A_801, %swap3A_802] {strides = array<i32>} : memref<8x128xi32, #tpu.memory_space<vmem>>, vector<1x16xi32>,
    %swap3A_804 = vector.shape_cast %swap3A_803 : vector<1x16xi32> to vector<16xi32>
    %swap3A_805 = vector.shape_cast %add3A_799 : vector<16xi32> to vector<1x16xi32>
    tpu.vector_store %arg10[%swap3A_801, %swap3A_802], %swap3A_805 {strides = array<i32>} : memref<8x128xi32, #tpu.memory_space<vmem>>, vector<1x16xi32>,
    %get3A_806 = arith.constant 560 : index
    %get3A_807 = tpu.vector_load %arg7[%get3A_806] {strides = array<i32>} : memref<1024xi32, #tpu.memory_space<vmem>>, vector<16xi32>,
    %get3A_808 = vector.shape_cast %get3A_807 : vector<16xi32> to vector<16xi32>
    %mul3A_809 = arith.constant 256 : i32
    %mul3A_810 = vector.broadcast %mul3A_809 : i32 to vector<16xi32>
    %mul3A_811 = arith.muli %get3A_808, %mul3A_810 : vector<16xi32>
    %get3A_812 = arith.constant 560 : index
    %get3A_813 = tpu.vector_load %arg8[%get3A_812] {strides = array<i32>} : memref<1024xi32, #tpu.memory_space<vmem>>, vector<16xi32>,
    %get3A_814 = vector.shape_cast %get3A_813 : vector<16xi32> to vector<16xi32>
    %mul3A_815 = arith.constant 16 : i32
    %mul3A_816 = vector.broadcast %mul3A_815 : i32 to vector<16xi32>
    %mul3A_817 = arith.muli %get3A_814, %mul3A_816 : vector<16xi32>
    %add3A_818 = arith.addi %mul3A_811, %mul3A_817 : vector<16xi32>
    %get3A_819 = arith.constant 560 : index
    %get3A_820 = tpu.vector_load %arg9[%get3A_819] {strides = array<i32>} : memref<1024xi32, #tpu.memory_space<vmem>>, vector<16xi32>,
    %get3A_821 = vector.shape_cast %get3A_820 : vector<16xi32> to vector<16xi32>
    %add3A_822 = arith.addi %add3A_818, %get3A_821 : vector<16xi32>
    %swap3A_823 = arith.constant 4 : i32
    %swap3A_824 = arith.index_cast %swap3A_823 : i32 to index
    %swap3A_825 = arith.constant 48 : index
    %swap3A_826 = tpu.vector_load %arg10[%swap3A_824, %swap3A_825] {strides = array<i32>} : memref<8x128xi32, #tpu.memory_space<vmem>>, vector<1x16xi32>,
    %swap3A_827 = vector.shape_cast %swap3A_826 : vector<1x16xi32> to vector<16xi32>
    %swap3A_828 = vector.shape_cast %add3A_822 : vector<16xi32> to vector<1x16xi32>
    tpu.vector_store %arg10[%swap3A_824, %swap3A_825], %swap3A_828 {strides = array<i32>} : memref<8x128xi32, #tpu.memory_space<vmem>>, vector<1x16xi32>,
    %get3A_829 = arith.constant 576 : index
    %get3A_830 = tpu.vector_load %arg7[%get3A_829] {strides = array<i32>} : memref<1024xi32, #tpu.memory_space<vmem>>, vector<16xi32>,
    %get3A_831 = vector.shape_cast %get3A_830 : vector<16xi32> to vector<16xi32>
    %mul3A_832 = arith.constant 256 : i32
    %mul3A_833 = vector.broadcast %mul3A_832 : i32 to vector<16xi32>
    %mul3A_834 = arith.muli %get3A_831, %mul3A_833 : vector<16xi32>
    %get3A_835 = arith.constant 576 : index
    %get3A_836 = tpu.vector_load %arg8[%get3A_835] {strides = array<i32>} : memref<1024xi32, #tpu.memory_space<vmem>>, vector<16xi32>,
    %get3A_837 = vector.shape_cast %get3A_836 : vector<16xi32> to vector<16xi32>
    %mul3A_838 = arith.constant 16 : i32
    %mul3A_839 = vector.broadcast %mul3A_838 : i32 to vector<16xi32>
    %mul3A_840 = arith.muli %get3A_837, %mul3A_839 : vector<16xi32>
    %add3A_841 = arith.addi %mul3A_834, %mul3A_840 : vector<16xi32>
    %get3A_842 = arith.constant 576 : index
    %get3A_843 = tpu.vector_load %arg9[%get3A_842] {strides = array<i32>} : memref<1024xi32, #tpu.memory_space<vmem>>, vector<16xi32>,
    %get3A_844 = vector.shape_cast %get3A_843 : vector<16xi32> to vector<16xi32>
    %add3A_845 = arith.addi %add3A_841, %get3A_844 : vector<16xi32>
    %swap3A_846 = arith.constant 4 : i32
    %swap3A_847 = arith.index_cast %swap3A_846 : i32 to index
    %swap3A_848 = arith.constant 64 : index
    %swap3A_849 = tpu.vector_load %arg10[%swap3A_847, %swap3A_848] {strides = array<i32>} : memref<8x128xi32, #tpu.memory_space<vmem>>, vector<1x16xi32>,
    %swap3A_850 = vector.shape_cast %swap3A_849 : vector<1x16xi32> to vector<16xi32>
    %swap3A_851 = vector.shape_cast %add3A_845 : vector<16xi32> to vector<1x16xi32>
    tpu.vector_store %arg10[%swap3A_847, %swap3A_848], %swap3A_851 {strides = array<i32>} : memref<8x128xi32, #tpu.memory_space<vmem>>, vector<1x16xi32>,
    %get3A_852 = arith.constant 592 : index
    %get3A_853 = tpu.vector_load %arg7[%get3A_852] {strides = array<i32>} : memref<1024xi32, #tpu.memory_space<vmem>>, vector<16xi32>,
    %get3A_854 = vector.shape_cast %get3A_853 : vector<16xi32> to vector<16xi32>
    %mul3A_855 = arith.constant 256 : i32
    %mul3A_856 = vector.broadcast %mul3A_855 : i32 to vector<16xi32>
    %mul3A_857 = arith.muli %get3A_854, %mul3A_856 : vector<16xi32>
    %get3A_858 = arith.constant 592 : index
    %get3A_859 = tpu.vector_load %arg8[%get3A_858] {strides = array<i32>} : memref<1024xi32, #tpu.memory_space<vmem>>, vector<16xi32>,
    %get3A_860 = vector.shape_cast %get3A_859 : vector<16xi32> to vector<16xi32>
    %mul3A_861 = arith.constant 16 : i32
    %mul3A_862 = vector.broadcast %mul3A_861 : i32 to vector<16xi32>
    %mul3A_863 = arith.muli %get3A_860, %mul3A_862 : vector<16xi32>
    %add3A_864 = arith.addi %mul3A_857, %mul3A_863 : vector<16xi32>
    %get3A_865 = arith.constant 592 : index
    %get3A_866 = tpu.vector_load %arg9[%get3A_865] {strides = array<i32>} : memref<1024xi32, #tpu.memory_space<vmem>>, vector<16xi32>,
    %get3A_867 = vector.shape_cast %get3A_866 : vector<16xi32> to vector<16xi32>
    %add3A_868 = arith.addi %add3A_864, %get3A_867 : vector<16xi32>
    %swap3A_869 = arith.constant 4 : i32
    %swap3A_870 = arith.index_cast %swap3A_869 : i32 to index
    %swap3A_871 = arith.constant 80 : index
    %swap3A_872 = tpu.vector_load %arg10[%swap3A_870, %swap3A_871] {strides = array<i32>} : memref<8x128xi32, #tpu.memory_space<vmem>>, vector<1x16xi32>,
    %swap3A_873 = vector.shape_cast %swap3A_872 : vector<1x16xi32> to vector<16xi32>
    %swap3A_874 = vector.shape_cast %add3A_868 : vector<16xi32> to vector<1x16xi32>
    tpu.vector_store %arg10[%swap3A_870, %swap3A_871], %swap3A_874 {strides = array<i32>} : memref<8x128xi32, #tpu.memory_space<vmem>>, vector<1x16xi32>,
    %get3A_875 = arith.constant 608 : index
    %get3A_876 = tpu.vector_load %arg7[%get3A_875] {strides = array<i32>} : memref<1024xi32, #tpu.memory_space<vmem>>, vector<16xi32>,
    %get3A_877 = vector.shape_cast %get3A_876 : vector<16xi32> to vector<16xi32>
    %mul3A_878 = arith.constant 256 : i32
    %mul3A_879 = vector.broadcast %mul3A_878 : i32 to vector<16xi32>
    %mul3A_880 = arith.muli %get3A_877, %mul3A_879 : vector<16xi32>
    %get3A_881 = arith.constant 608 : index
    %get3A_882 = tpu.vector_load %arg8[%get3A_881] {strides = array<i32>} : memref<1024xi32, #tpu.memory_space<vmem>>, vector<16xi32>,
    %get3A_883 = vector.shape_cast %get3A_882 : vector<16xi32> to vector<16xi32>
    %mul3A_884 = arith.constant 16 : i32
    %mul3A_885 = vector.broadcast %mul3A_884 : i32 to vector<16xi32>
    %mul3A_886 = arith.muli %get3A_883, %mul3A_885 : vector<16xi32>
    %add3A_887 = arith.addi %mul3A_880, %mul3A_886 : vector<16xi32>
    %get3A_888 = arith.constant 608 : index
    %get3A_889 = tpu.vector_load %arg9[%get3A_888] {strides = array<i32>} : memref<1024xi32, #tpu.memory_space<vmem>>, vector<16xi32>,
    %get3A_890 = vector.shape_cast %get3A_889 : vector<16xi32> to vector<16xi32>
    %add3A_891 = arith.addi %add3A_887, %get3A_890 : vector<16xi32>
    %swap3A_892 = arith.constant 4 : i32
    %swap3A_893 = arith.index_cast %swap3A_892 : i32 to index
    %swap3A_894 = arith.constant 96 : index
    %swap3A_895 = tpu.vector_load %arg10[%swap3A_893, %swap3A_894] {strides = array<i32>} : memref<8x128xi32, #tpu.memory_space<vmem>>, vector<1x16xi32>,
    %swap3A_896 = vector.shape_cast %swap3A_895 : vector<1x16xi32> to vector<16xi32>
    %swap3A_897 = vector.shape_cast %add3A_891 : vector<16xi32> to vector<1x16xi32>
    tpu.vector_store %arg10[%swap3A_893, %swap3A_894], %swap3A_897 {strides = array<i32>} : memref<8x128xi32, #tpu.memory_space<vmem>>, vector<1x16xi32>,
    %get3A_898 = arith.constant 624 : index
    %get3A_899 = tpu.vector_load %arg7[%get3A_898] {strides = array<i32>} : memref<1024xi32, #tpu.memory_space<vmem>>, vector<16xi32>,
    %get3A_900 = vector.shape_cast %get3A_899 : vector<16xi32> to vector<16xi32>
    %mul3A_901 = arith.constant 256 : i32
    %mul3A_902 = vector.broadcast %mul3A_901 : i32 to vector<16xi32>
    %mul3A_903 = arith.muli %get3A_900, %mul3A_902 : vector<16xi32>
    %get3A_904 = arith.constant 624 : index
    %get3A_905 = tpu.vector_load %arg8[%get3A_904] {strides = array<i32>} : memref<1024xi32, #tpu.memory_space<vmem>>, vector<16xi32>,
    %get3A_906 = vector.shape_cast %get3A_905 : vector<16xi32> to vector<16xi32>
    %mul3A_907 = arith.constant 16 : i32
    %mul3A_908 = vector.broadcast %mul3A_907 : i32 to vector<16xi32>
    %mul3A_909 = arith.muli %get3A_906, %mul3A_908 : vector<16xi32>
    %add3A_910 = arith.addi %mul3A_903, %mul3A_909 : vector<16xi32>
    %get3A_911 = arith.constant 624 : index
    %get3A_912 = tpu.vector_load %arg9[%get3A_911] {strides = array<i32>} : memref<1024xi32, #tpu.memory_space<vmem>>, vector<16xi32>,
    %get3A_913 = vector.shape_cast %get3A_912 : vector<16xi32> to vector<16xi32>
    %add3A_914 = arith.addi %add3A_910, %get3A_913 : vector<16xi32>
    %swap3A_915 = arith.constant 4 : i32
    %swap3A_916 = arith.index_cast %swap3A_915 : i32 to index
    %swap3A_917 = arith.constant 112 : index
    %swap3A_918 = tpu.vector_load %arg10[%swap3A_916, %swap3A_917] {strides = array<i32>} : memref<8x128xi32, #tpu.memory_space<vmem>>, vector<1x16xi32>,
    %swap3A_919 = vector.shape_cast %swap3A_918 : vector<1x16xi32> to vector<16xi32>
    %swap3A_920 = vector.shape_cast %add3A_914 : vector<16xi32> to vector<1x16xi32>
    tpu.vector_store %arg10[%swap3A_916, %swap3A_917], %swap3A_920 {strides = array<i32>} : memref<8x128xi32, #tpu.memory_space<vmem>>, vector<1x16xi32>,
    %get3A_921 = arith.constant 640 : index
    %get3A_922 = tpu.vector_load %arg7[%get3A_921] {strides = array<i32>} : memref<1024xi32, #tpu.memory_space<vmem>>, vector<16xi32>,
    %get3A_923 = vector.shape_cast %get3A_922 : vector<16xi32> to vector<16xi32>
    %mul3A_924 = arith.constant 256 : i32
    %mul3A_925 = vector.broadcast %mul3A_924 : i32 to vector<16xi32>
    %mul3A_926 = arith.muli %get3A_923, %mul3A_925 : vector<16xi32>
    %get3A_927 = arith.constant 640 : index
    %get3A_928 = tpu.vector_load %arg8[%get3A_927] {strides = array<i32>} : memref<1024xi32, #tpu.memory_space<vmem>>, vector<16xi32>,
    %get3A_929 = vector.shape_cast %get3A_928 : vector<16xi32> to vector<16xi32>
    %mul3A_930 = arith.constant 16 : i32
    %mul3A_931 = vector.broadcast %mul3A_930 : i32 to vector<16xi32>
    %mul3A_932 = arith.muli %get3A_929, %mul3A_931 : vector<16xi32>
    %add3A_933 = arith.addi %mul3A_926, %mul3A_932 : vector<16xi32>
    %get3A_934 = arith.constant 640 : index
    %get3A_935 = tpu.vector_load %arg9[%get3A_934] {strides = array<i32>} : memref<1024xi32, #tpu.memory_space<vmem>>, vector<16xi32>,
    %get3A_936 = vector.shape_cast %get3A_935 : vector<16xi32> to vector<16xi32>
    %add3A_937 = arith.addi %add3A_933, %get3A_936 : vector<16xi32>
    %swap3A_938 = arith.constant 5 : i32
    %swap3A_939 = arith.index_cast %swap3A_938 : i32 to index
    %swap3A_940 = arith.constant 0 : index
    %swap3A_941 = tpu.vector_load %arg10[%swap3A_939, %swap3A_940] {strides = array<i32>} : memref<8x128xi32, #tpu.memory_space<vmem>>, vector<1x16xi32>,
    %swap3A_942 = vector.shape_cast %swap3A_941 : vector<1x16xi32> to vector<16xi32>
    %swap3A_943 = vector.shape_cast %add3A_937 : vector<16xi32> to vector<1x16xi32>
    tpu.vector_store %arg10[%swap3A_939, %swap3A_940], %swap3A_943 {strides = array<i32>} : memref<8x128xi32, #tpu.memory_space<vmem>>, vector<1x16xi32>,
    %get3A_944 = arith.constant 656 : index
    %get3A_945 = tpu.vector_load %arg7[%get3A_944] {strides = array<i32>} : memref<1024xi32, #tpu.memory_space<vmem>>, vector<16xi32>,
    %get3A_946 = vector.shape_cast %get3A_945 : vector<16xi32> to vector<16xi32>
    %mul3A_947 = arith.constant 256 : i32
    %mul3A_948 = vector.broadcast %mul3A_947 : i32 to vector<16xi32>
    %mul3A_949 = arith.muli %get3A_946, %mul3A_948 : vector<16xi32>
    %get3A_950 = arith.constant 656 : index
    %get3A_951 = tpu.vector_load %arg8[%get3A_950] {strides = array<i32>} : memref<1024xi32, #tpu.memory_space<vmem>>, vector<16xi32>,
    %get3A_952 = vector.shape_cast %get3A_951 : vector<16xi32> to vector<16xi32>
    %mul3A_953 = arith.constant 16 : i32
    %mul3A_954 = vector.broadcast %mul3A_953 : i32 to vector<16xi32>
    %mul3A_955 = arith.muli %get3A_952, %mul3A_954 : vector<16xi32>
    %add3A_956 = arith.addi %mul3A_949, %mul3A_955 : vector<16xi32>
    %get3A_957 = arith.constant 656 : index
    %get3A_958 = tpu.vector_load %arg9[%get3A_957] {strides = array<i32>} : memref<1024xi32, #tpu.memory_space<vmem>>, vector<16xi32>,
    %get3A_959 = vector.shape_cast %get3A_958 : vector<16xi32> to vector<16xi32>
    %add3A_960 = arith.addi %add3A_956, %get3A_959 : vector<16xi32>
    %swap3A_961 = arith.constant 5 : i32
    %swap3A_962 = arith.index_cast %swap3A_961 : i32 to index
    %swap3A_963 = arith.constant 16 : index
    %swap3A_964 = tpu.vector_load %arg10[%swap3A_962, %swap3A_963] {strides = array<i32>} : memref<8x128xi32, #tpu.memory_space<vmem>>, vector<1x16xi32>,
    %swap3A_965 = vector.shape_cast %swap3A_964 : vector<1x16xi32> to vector<16xi32>
    %swap3A_966 = vector.shape_cast %add3A_960 : vector<16xi32> to vector<1x16xi32>
    tpu.vector_store %arg10[%swap3A_962, %swap3A_963], %swap3A_966 {strides = array<i32>} : memref<8x128xi32, #tpu.memory_space<vmem>>, vector<1x16xi32>,
    %get3A_967 = arith.constant 672 : index
    %get3A_968 = tpu.vector_load %arg7[%get3A_967] {strides = array<i32>} : memref<1024xi32, #tpu.memory_space<vmem>>, vector<16xi32>,
    %get3A_969 = vector.shape_cast %get3A_968 : vector<16xi32> to vector<16xi32>
    %mul3A_970 = arith.constant 256 : i32
    %mul3A_971 = vector.broadcast %mul3A_970 : i32 to vector<16xi32>
    %mul3A_972 = arith.muli %get3A_969, %mul3A_971 : vector<16xi32>
    %get3A_973 = arith.constant 672 : index
    %get3A_974 = tpu.vector_load %arg8[%get3A_973] {strides = array<i32>} : memref<1024xi32, #tpu.memory_space<vmem>>, vector<16xi32>,
    %get3A_975 = vector.shape_cast %get3A_974 : vector<16xi32> to vector<16xi32>
    %mul3A_976 = arith.constant 16 : i32
    %mul3A_977 = vector.broadcast %mul3A_976 : i32 to vector<16xi32>
    %mul3A_978 = arith.muli %get3A_975, %mul3A_977 : vector<16xi32>
    %add3A_979 = arith.addi %mul3A_972, %mul3A_978 : vector<16xi32>
    %get3A_980 = arith.constant 672 : index
    %get3A_981 = tpu.vector_load %arg9[%get3A_980] {strides = array<i32>} : memref<1024xi32, #tpu.memory_space<vmem>>, vector<16xi32>,
    %get3A_982 = vector.shape_cast %get3A_981 : vector<16xi32> to vector<16xi32>
    %add3A_983 = arith.addi %add3A_979, %get3A_982 : vector<16xi32>
    %swap3A_984 = arith.constant 5 : i32
    %swap3A_985 = arith.index_cast %swap3A_984 : i32 to index
    %swap3A_986 = arith.constant 32 : index
    %swap3A_987 = tpu.vector_load %arg10[%swap3A_985, %swap3A_986] {strides = array<i32>} : memref<8x128xi32, #tpu.memory_space<vmem>>, vector<1x16xi32>,
    %swap3A_988 = vector.shape_cast %swap3A_987 : vector<1x16xi32> to vector<16xi32>
    %swap3A_989 = vector.shape_cast %add3A_983 : vector<16xi32> to vector<1x16xi32>
    tpu.vector_store %arg10[%swap3A_985, %swap3A_986], %swap3A_989 {strides = array<i32>} : memref<8x128xi32, #tpu.memory_space<vmem>>, vector<1x16xi32>,
    %get3A_990 = arith.constant 688 : index
    %get3A_991 = tpu.vector_load %arg7[%get3A_990] {strides = array<i32>} : memref<1024xi32, #tpu.memory_space<vmem>>, vector<16xi32>,
    %get3A_992 = vector.shape_cast %get3A_991 : vector<16xi32> to vector<16xi32>
    %mul3A_993 = arith.constant 256 : i32
    %mul3A_994 = vector.broadcast %mul3A_993 : i32 to vector<16xi32>
    %mul3A_995 = arith.muli %get3A_992, %mul3A_994 : vector<16xi32>
    %get3A_996 = arith.constant 688 : index
    %get3A_997 = tpu.vector_load %arg8[%get3A_996] {strides = array<i32>} : memref<1024xi32, #tpu.memory_space<vmem>>, vector<16xi32>,
    %get3A_998 = vector.shape_cast %get3A_997 : vector<16xi32> to vector<16xi32>
    %mul3A_999 = arith.constant 16 : i32
    %mul3A_1000 = vector.broadcast %mul3A_999 : i32 to vector<16xi32>
    %mul3A_1001 = arith.muli %get3A_998, %mul3A_1000 : vector<16xi32>
    %add3A_1002 = arith.addi %mul3A_995, %mul3A_1001 : vector<16xi32>
    %get3A_1003 = arith.constant 688 : index
    %get3A_1004 = tpu.vector_load %arg9[%get3A_1003] {strides = array<i32>} : memref<1024xi32, #tpu.memory_space<vmem>>, vector<16xi32>,
    %get3A_1005 = vector.shape_cast %get3A_1004 : vector<16xi32> to vector<16xi32>
    %add3A_1006 = arith.addi %add3A_1002, %get3A_1005 : vector<16xi32>
    %swap3A_1007 = arith.constant 5 : i32
    %swap3A_1008 = arith.index_cast %swap3A_1007 : i32 to index
    %swap3A_1009 = arith.constant 48 : index
    %swap3A_1010 = tpu.vector_load %arg10[%swap3A_1008, %swap3A_1009] {strides = array<i32>} : memref<8x128xi32, #tpu.memory_space<vmem>>, vector<1x16xi32>,
    %swap3A_1011 = vector.shape_cast %swap3A_1010 : vector<1x16xi32> to vector<16xi32>
    %swap3A_1012 = vector.shape_cast %add3A_1006 : vector<16xi32> to vector<1x16xi32>
    tpu.vector_store %arg10[%swap3A_1008, %swap3A_1009], %swap3A_1012 {strides = array<i32>} : memref<8x128xi32, #tpu.memory_space<vmem>>, vector<1x16xi32>,
    %get3A_1013 = arith.constant 704 : index
    %get3A_1014 = tpu.vector_load %arg7[%get3A_1013] {strides = array<i32>} : memref<1024xi32, #tpu.memory_space<vmem>>, vector<16xi32>,
    %get3A_1015 = vector.shape_cast %get3A_1014 : vector<16xi32> to vector<16xi32>
    %mul3A_1016 = arith.constant 256 : i32
    %mul3A_1017 = vector.broadcast %mul3A_1016 : i32 to vector<16xi32>
    %mul3A_1018 = arith.muli %get3A_1015, %mul3A_1017 : vector<16xi32>
    %get3A_1019 = arith.constant 704 : index
    %get3A_1020 = tpu.vector_load %arg8[%get3A_1019] {strides = array<i32>} : memref<1024xi32, #tpu.memory_space<vmem>>, vector<16xi32>,
    %get3A_1021 = vector.shape_cast %get3A_1020 : vector<16xi32> to vector<16xi32>
    %mul3A_1022 = arith.constant 16 : i32
    %mul3A_1023 = vector.broadcast %mul3A_1022 : i32 to vector<16xi32>
    %mul3A_1024 = arith.muli %get3A_1021, %mul3A_1023 : vector<16xi32>
    %add3A_1025 = arith.addi %mul3A_1018, %mul3A_1024 : vector<16xi32>
    %get3A_1026 = arith.constant 704 : index
    %get3A_1027 = tpu.vector_load %arg9[%get3A_1026] {strides = array<i32>} : memref<1024xi32, #tpu.memory_space<vmem>>, vector<16xi32>,
    %get3A_1028 = vector.shape_cast %get3A_1027 : vector<16xi32> to vector<16xi32>
    %add3A_1029 = arith.addi %add3A_1025, %get3A_1028 : vector<16xi32>
    %swap3A_1030 = arith.constant 5 : i32
    %swap3A_1031 = arith.index_cast %swap3A_1030 : i32 to index
    %swap3A_1032 = arith.constant 64 : index
    %swap3A_1033 = tpu.vector_load %arg10[%swap3A_1031, %swap3A_1032] {strides = array<i32>} : memref<8x128xi32, #tpu.memory_space<vmem>>, vector<1x16xi32>,
    %swap3A_1034 = vector.shape_cast %swap3A_1033 : vector<1x16xi32> to vector<16xi32>
    %swap3A_1035 = vector.shape_cast %add3A_1029 : vector<16xi32> to vector<1x16xi32>
    tpu.vector_store %arg10[%swap3A_1031, %swap3A_1032], %swap3A_1035 {strides = array<i32>} : memref<8x128xi32, #tpu.memory_space<vmem>>, vector<1x16xi32>,
    %get3A_1036 = arith.constant 720 : index
    %get3A_1037 = tpu.vector_load %arg7[%get3A_1036] {strides = array<i32>} : memref<1024xi32, #tpu.memory_space<vmem>>, vector<16xi32>,
    %get3A_1038 = vector.shape_cast %get3A_1037 : vector<16xi32> to vector<16xi32>
    %mul3A_1039 = arith.constant 256 : i32
    %mul3A_1040 = vector.broadcast %mul3A_1039 : i32 to vector<16xi32>
    %mul3A_1041 = arith.muli %get3A_1038, %mul3A_1040 : vector<16xi32>
    %get3A_1042 = arith.constant 720 : index
    %get3A_1043 = tpu.vector_load %arg8[%get3A_1042] {strides = array<i32>} : memref<1024xi32, #tpu.memory_space<vmem>>, vector<16xi32>,
    %get3A_1044 = vector.shape_cast %get3A_1043 : vector<16xi32> to vector<16xi32>
    %mul3A_1045 = arith.constant 16 : i32
    %mul3A_1046 = vector.broadcast %mul3A_1045 : i32 to vector<16xi32>
    %mul3A_1047 = arith.muli %get3A_1044, %mul3A_1046 : vector<16xi32>
    %add3A_1048 = arith.addi %mul3A_1041, %mul3A_1047 : vector<16xi32>
    %get3A_1049 = arith.constant 720 : index
    %get3A_1050 = tpu.vector_load %arg9[%get3A_1049] {strides = array<i32>} : memref<1024xi32, #tpu.memory_space<vmem>>, vector<16xi32>,
    %get3A_1051 = vector.shape_cast %get3A_1050 : vector<16xi32> to vector<16xi32>
    %add3A_1052 = arith.addi %add3A_1048, %get3A_1051 : vector<16xi32>
    %swap3A_1053 = arith.constant 5 : i32
    %swap3A_1054 = arith.index_cast %swap3A_1053 : i32 to index
    %swap3A_1055 = arith.constant 80 : index
    %swap3A_1056 = tpu.vector_load %arg10[%swap3A_1054, %swap3A_1055] {strides = array<i32>} : memref<8x128xi32, #tpu.memory_space<vmem>>, vector<1x16xi32>,
    %swap3A_1057 = vector.shape_cast %swap3A_1056 : vector<1x16xi32> to vector<16xi32>
    %swap3A_1058 = vector.shape_cast %add3A_1052 : vector<16xi32> to vector<1x16xi32>
    tpu.vector_store %arg10[%swap3A_1054, %swap3A_1055], %swap3A_1058 {strides = array<i32>} : memref<8x128xi32, #tpu.memory_space<vmem>>, vector<1x16xi32>,
    %get3A_1059 = arith.constant 736 : index
    %get3A_1060 = tpu.vector_load %arg7[%get3A_1059] {strides = array<i32>} : memref<1024xi32, #tpu.memory_space<vmem>>, vector<16xi32>,
    %get3A_1061 = vector.shape_cast %get3A_1060 : vector<16xi32> to vector<16xi32>
    %mul3A_1062 = arith.constant 256 : i32
    %mul3A_1063 = vector.broadcast %mul3A_1062 : i32 to vector<16xi32>
    %mul3A_1064 = arith.muli %get3A_1061, %mul3A_1063 : vector<16xi32>
    %get3A_1065 = arith.constant 736 : index
    %get3A_1066 = tpu.vector_load %arg8[%get3A_1065] {strides = array<i32>} : memref<1024xi32, #tpu.memory_space<vmem>>, vector<16xi32>,
    %get3A_1067 = vector.shape_cast %get3A_1066 : vector<16xi32> to vector<16xi32>
    %mul3A_1068 = arith.constant 16 : i32
    %mul3A_1069 = vector.broadcast %mul3A_1068 : i32 to vector<16xi32>
    %mul3A_1070 = arith.muli %get3A_1067, %mul3A_1069 : vector<16xi32>
    %add3A_1071 = arith.addi %mul3A_1064, %mul3A_1070 : vector<16xi32>
    %get3A_1072 = arith.constant 736 : index
    %get3A_1073 = tpu.vector_load %arg9[%get3A_1072] {strides = array<i32>} : memref<1024xi32, #tpu.memory_space<vmem>>, vector<16xi32>,
    %get3A_1074 = vector.shape_cast %get3A_1073 : vector<16xi32> to vector<16xi32>
    %add3A_1075 = arith.addi %add3A_1071, %get3A_1074 : vector<16xi32>
    %swap3A_1076 = arith.constant 5 : i32
    %swap3A_1077 = arith.index_cast %swap3A_1076 : i32 to index
    %swap3A_1078 = arith.constant 96 : index
    %swap3A_1079 = tpu.vector_load %arg10[%swap3A_1077, %swap3A_1078] {strides = array<i32>} : memref<8x128xi32, #tpu.memory_space<vmem>>, vector<1x16xi32>,
    %swap3A_1080 = vector.shape_cast %swap3A_1079 : vector<1x16xi32> to vector<16xi32>
    %swap3A_1081 = vector.shape_cast %add3A_1075 : vector<16xi32> to vector<1x16xi32>
    tpu.vector_store %arg10[%swap3A_1077, %swap3A_1078], %swap3A_1081 {strides = array<i32>} : memref<8x128xi32, #tpu.memory_space<vmem>>, vector<1x16xi32>,
    %get3A_1082 = arith.constant 752 : index
    %get3A_1083 = tpu.vector_load %arg7[%get3A_1082] {strides = array<i32>} : memref<1024xi32, #tpu.memory_space<vmem>>, vector<16xi32>,
    %get3A_1084 = vector.shape_cast %get3A_1083 : vector<16xi32> to vector<16xi32>
    %mul3A_1085 = arith.constant 256 : i32
    %mul3A_1086 = vector.broadcast %mul3A_1085 : i32 to vector<16xi32>
    %mul3A_1087 = arith.muli %get3A_1084, %mul3A_1086 : vector<16xi32>
    %get3A_1088 = arith.constant 752 : index
    %get3A_1089 = tpu.vector_load %arg8[%get3A_1088] {strides = array<i32>} : memref<1024xi32, #tpu.memory_space<vmem>>, vector<16xi32>,
    %get3A_1090 = vector.shape_cast %get3A_1089 : vector<16xi32> to vector<16xi32>
    %mul3A_1091 = arith.constant 16 : i32
    %mul3A_1092 = vector.broadcast %mul3A_1091 : i32 to vector<16xi32>
    %mul3A_1093 = arith.muli %get3A_1090, %mul3A_1092 : vector<16xi32>
    %add3A_1094 = arith.addi %mul3A_1087, %mul3A_1093 : vector<16xi32>
    %get3A_1095 = arith.constant 752 : index
    %get3A_1096 = tpu.vector_load %arg9[%get3A_1095] {strides = array<i32>} : memref<1024xi32, #tpu.memory_space<vmem>>, vector<16xi32>,
    %get3A_1097 = vector.shape_cast %get3A_1096 : vector<16xi32> to vector<16xi32>
    %add3A_1098 = arith.addi %add3A_1094, %get3A_1097 : vector<16xi32>
    %swap3A_1099 = arith.constant 5 : i32
    %swap3A_1100 = arith.index_cast %swap3A_1099 : i32 to index
    %swap3A_1101 = arith.constant 112 : index
    %swap3A_1102 = tpu.vector_load %arg10[%swap3A_1100, %swap3A_1101] {strides = array<i32>} : memref<8x128xi32, #tpu.memory_space<vmem>>, vector<1x16xi32>,
    %swap3A_1103 = vector.shape_cast %swap3A_1102 : vector<1x16xi32> to vector<16xi32>
    %swap3A_1104 = vector.shape_cast %add3A_1098 : vector<16xi32> to vector<1x16xi32>
    tpu.vector_store %arg10[%swap3A_1100, %swap3A_1101], %swap3A_1104 {strides = array<i32>} : memref<8x128xi32, #tpu.memory_space<vmem>>, vector<1x16xi32>,
    %get3A_1105 = arith.constant 768 : index
    %get3A_1106 = tpu.vector_load %arg7[%get3A_1105] {strides = array<i32>} : memref<1024xi32, #tpu.memory_space<vmem>>, vector<16xi32>,
    %get3A_1107 = vector.shape_cast %get3A_1106 : vector<16xi32> to vector<16xi32>
    %mul3A_1108 = arith.constant 256 : i32
    %mul3A_1109 = vector.broadcast %mul3A_1108 : i32 to vector<16xi32>
    %mul3A_1110 = arith.muli %get3A_1107, %mul3A_1109 : vector<16xi32>
    %get3A_1111 = arith.constant 768 : index
    %get3A_1112 = tpu.vector_load %arg8[%get3A_1111] {strides = array<i32>} : memref<1024xi32, #tpu.memory_space<vmem>>, vector<16xi32>,
    %get3A_1113 = vector.shape_cast %get3A_1112 : vector<16xi32> to vector<16xi32>
    %mul3A_1114 = arith.constant 16 : i32
    %mul3A_1115 = vector.broadcast %mul3A_1114 : i32 to vector<16xi32>
    %mul3A_1116 = arith.muli %get3A_1113, %mul3A_1115 : vector<16xi32>
    %add3A_1117 = arith.addi %mul3A_1110, %mul3A_1116 : vector<16xi32>
    %get3A_1118 = arith.constant 768 : index
    %get3A_1119 = tpu.vector_load %arg9[%get3A_1118] {strides = array<i32>} : memref<1024xi32, #tpu.memory_space<vmem>>, vector<16xi32>,
    %get3A_1120 = vector.shape_cast %get3A_1119 : vector<16xi32> to vector<16xi32>
    %add3A_1121 = arith.addi %add3A_1117, %get3A_1120 : vector<16xi32>
    %swap3A_1122 = arith.constant 6 : i32
    %swap3A_1123 = arith.index_cast %swap3A_1122 : i32 to index
    %swap3A_1124 = arith.constant 0 : index
    %swap3A_1125 = tpu.vector_load %arg10[%swap3A_1123, %swap3A_1124] {strides = array<i32>} : memref<8x128xi32, #tpu.memory_space<vmem>>, vector<1x16xi32>,
    %swap3A_1126 = vector.shape_cast %swap3A_1125 : vector<1x16xi32> to vector<16xi32>
    %swap3A_1127 = vector.shape_cast %add3A_1121 : vector<16xi32> to vector<1x16xi32>
    tpu.vector_store %arg10[%swap3A_1123, %swap3A_1124], %swap3A_1127 {strides = array<i32>} : memref<8x128xi32, #tpu.memory_space<vmem>>, vector<1x16xi32>,
    %get3A_1128 = arith.constant 784 : index
    %get3A_1129 = tpu.vector_load %arg7[%get3A_1128] {strides = array<i32>} : memref<1024xi32, #tpu.memory_space<vmem>>, vector<16xi32>,
    %get3A_1130 = vector.shape_cast %get3A_1129 : vector<16xi32> to vector<16xi32>
    %mul3A_1131 = arith.constant 256 : i32
    %mul3A_1132 = vector.broadcast %mul3A_1131 : i32 to vector<16xi32>
    %mul3A_1133 = arith.muli %get3A_1130, %mul3A_1132 : vector<16xi32>
    %get3A_1134 = arith.constant 784 : index
    %get3A_1135 = tpu.vector_load %arg8[%get3A_1134] {strides = array<i32>} : memref<1024xi32, #tpu.memory_space<vmem>>, vector<16xi32>,
    %get3A_1136 = vector.shape_cast %get3A_1135 : vector<16xi32> to vector<16xi32>
    %mul3A_1137 = arith.constant 16 : i32
    %mul3A_1138 = vector.broadcast %mul3A_1137 : i32 to vector<16xi32>
    %mul3A_1139 = arith.muli %get3A_1136, %mul3A_1138 : vector<16xi32>
    %add3A_1140 = arith.addi %mul3A_1133, %mul3A_1139 : vector<16xi32>
    %get3A_1141 = arith.constant 784 : index
    %get3A_1142 = tpu.vector_load %arg9[%get3A_1141] {strides = array<i32>} : memref<1024xi32, #tpu.memory_space<vmem>>, vector<16xi32>,
    %get3A_1143 = vector.shape_cast %get3A_1142 : vector<16xi32> to vector<16xi32>
    %add3A_1144 = arith.addi %add3A_1140, %get3A_1143 : vector<16xi32>
    %swap3A_1145 = arith.constant 6 : i32
    %swap3A_1146 = arith.index_cast %swap3A_1145 : i32 to index
    %swap3A_1147 = arith.constant 16 : index
    %swap3A_1148 = tpu.vector_load %arg10[%swap3A_1146, %swap3A_1147] {strides = array<i32>} : memref<8x128xi32, #tpu.memory_space<vmem>>, vector<1x16xi32>,
    %swap3A_1149 = vector.shape_cast %swap3A_1148 : vector<1x16xi32> to vector<16xi32>
    %swap3A_1150 = vector.shape_cast %add3A_1144 : vector<16xi32> to vector<1x16xi32>
    tpu.vector_store %arg10[%swap3A_1146, %swap3A_1147], %swap3A_1150 {strides = array<i32>} : memref<8x128xi32, #tpu.memory_space<vmem>>, vector<1x16xi32>,
    %get3A_1151 = arith.constant 800 : index
    %get3A_1152 = tpu.vector_load %arg7[%get3A_1151] {strides = array<i32>} : memref<1024xi32, #tpu.memory_space<vmem>>, vector<16xi32>,
    %get3A_1153 = vector.shape_cast %get3A_1152 : vector<16xi32> to vector<16xi32>
    %mul3A_1154 = arith.constant 256 : i32
    %mul3A_1155 = vector.broadcast %mul3A_1154 : i32 to vector<16xi32>
    %mul3A_1156 = arith.muli %get3A_1153, %mul3A_1155 : vector<16xi32>
    %get3A_1157 = arith.constant 800 : index
    %get3A_1158 = tpu.vector_load %arg8[%get3A_1157] {strides = array<i32>} : memref<1024xi32, #tpu.memory_space<vmem>>, vector<16xi32>,
    %get3A_1159 = vector.shape_cast %get3A_1158 : vector<16xi32> to vector<16xi32>
    %mul3A_1160 = arith.constant 16 : i32
    %mul3A_1161 = vector.broadcast %mul3A_1160 : i32 to vector<16xi32>
    %mul3A_1162 = arith.muli %get3A_1159, %mul3A_1161 : vector<16xi32>
    %add3A_1163 = arith.addi %mul3A_1156, %mul3A_1162 : vector<16xi32>
    %get3A_1164 = arith.constant 800 : index
    %get3A_1165 = tpu.vector_load %arg9[%get3A_1164] {strides = array<i32>} : memref<1024xi32, #tpu.memory_space<vmem>>, vector<16xi32>,
    %get3A_1166 = vector.shape_cast %get3A_1165 : vector<16xi32> to vector<16xi32>
    %add3A_1167 = arith.addi %add3A_1163, %get3A_1166 : vector<16xi32>
    %swap3A_1168 = arith.constant 6 : i32
    %swap3A_1169 = arith.index_cast %swap3A_1168 : i32 to index
    %swap3A_1170 = arith.constant 32 : index
    %swap3A_1171 = tpu.vector_load %arg10[%swap3A_1169, %swap3A_1170] {strides = array<i32>} : memref<8x128xi32, #tpu.memory_space<vmem>>, vector<1x16xi32>,
    %swap3A_1172 = vector.shape_cast %swap3A_1171 : vector<1x16xi32> to vector<16xi32>
    %swap3A_1173 = vector.shape_cast %add3A_1167 : vector<16xi32> to vector<1x16xi32>
    tpu.vector_store %arg10[%swap3A_1169, %swap3A_1170], %swap3A_1173 {strides = array<i32>} : memref<8x128xi32, #tpu.memory_space<vmem>>, vector<1x16xi32>,
    %get3A_1174 = arith.constant 816 : index
    %get3A_1175 = tpu.vector_load %arg7[%get3A_1174] {strides = array<i32>} : memref<1024xi32, #tpu.memory_space<vmem>>, vector<16xi32>,
    %get3A_1176 = vector.shape_cast %get3A_1175 : vector<16xi32> to vector<16xi32>
    %mul3A_1177 = arith.constant 256 : i32
    %mul3A_1178 = vector.broadcast %mul3A_1177 : i32 to vector<16xi32>
    %mul3A_1179 = arith.muli %get3A_1176, %mul3A_1178 : vector<16xi32>
    %get3A_1180 = arith.constant 816 : index
    %get3A_1181 = tpu.vector_load %arg8[%get3A_1180] {strides = array<i32>} : memref<1024xi32, #tpu.memory_space<vmem>>, vector<16xi32>,
    %get3A_1182 = vector.shape_cast %get3A_1181 : vector<16xi32> to vector<16xi32>
    %mul3A_1183 = arith.constant 16 : i32
    %mul3A_1184 = vector.broadcast %mul3A_1183 : i32 to vector<16xi32>
    %mul3A_1185 = arith.muli %get3A_1182, %mul3A_1184 : vector<16xi32>
    %add3A_1186 = arith.addi %mul3A_1179, %mul3A_1185 : vector<16xi32>
    %get3A_1187 = arith.constant 816 : index
    %get3A_1188 = tpu.vector_load %arg9[%get3A_1187] {strides = array<i32>} : memref<1024xi32, #tpu.memory_space<vmem>>, vector<16xi32>,
    %get3A_1189 = vector.shape_cast %get3A_1188 : vector<16xi32> to vector<16xi32>
    %add3A_1190 = arith.addi %add3A_1186, %get3A_1189 : vector<16xi32>
    %swap3A_1191 = arith.constant 6 : i32
    %swap3A_1192 = arith.index_cast %swap3A_1191 : i32 to index
    %swap3A_1193 = arith.constant 48 : index
    %swap3A_1194 = tpu.vector_load %arg10[%swap3A_1192, %swap3A_1193] {strides = array<i32>} : memref<8x128xi32, #tpu.memory_space<vmem>>, vector<1x16xi32>,
    %swap3A_1195 = vector.shape_cast %swap3A_1194 : vector<1x16xi32> to vector<16xi32>
    %swap3A_1196 = vector.shape_cast %add3A_1190 : vector<16xi32> to vector<1x16xi32>
    tpu.vector_store %arg10[%swap3A_1192, %swap3A_1193], %swap3A_1196 {strides = array<i32>} : memref<8x128xi32, #tpu.memory_space<vmem>>, vector<1x16xi32>,
    %get3A_1197 = arith.constant 832 : index
    %get3A_1198 = tpu.vector_load %arg7[%get3A_1197] {strides = array<i32>} : memref<1024xi32, #tpu.memory_space<vmem>>, vector<16xi32>,
    %get3A_1199 = vector.shape_cast %get3A_1198 : vector<16xi32> to vector<16xi32>
    %mul3A_1200 = arith.constant 256 : i32
    %mul3A_1201 = vector.broadcast %mul3A_1200 : i32 to vector<16xi32>
    %mul3A_1202 = arith.muli %get3A_1199, %mul3A_1201 : vector<16xi32>
    %get3A_1203 = arith.constant 832 : index
    %get3A_1204 = tpu.vector_load %arg8[%get3A_1203] {strides = array<i32>} : memref<1024xi32, #tpu.memory_space<vmem>>, vector<16xi32>,
    %get3A_1205 = vector.shape_cast %get3A_1204 : vector<16xi32> to vector<16xi32>
    %mul3A_1206 = arith.constant 16 : i32
    %mul3A_1207 = vector.broadcast %mul3A_1206 : i32 to vector<16xi32>
    %mul3A_1208 = arith.muli %get3A_1205, %mul3A_1207 : vector<16xi32>
    %add3A_1209 = arith.addi %mul3A_1202, %mul3A_1208 : vector<16xi32>
    %get3A_1210 = arith.constant 832 : index
    %get3A_1211 = tpu.vector_load %arg9[%get3A_1210] {strides = array<i32>} : memref<1024xi32, #tpu.memory_space<vmem>>, vector<16xi32>,
    %get3A_1212 = vector.shape_cast %get3A_1211 : vector<16xi32> to vector<16xi32>
    %add3A_1213 = arith.addi %add3A_1209, %get3A_1212 : vector<16xi32>
    %swap3A_1214 = arith.constant 6 : i32
    %swap3A_1215 = arith.index_cast %swap3A_1214 : i32 to index
    %swap3A_1216 = arith.constant 64 : index
    %swap3A_1217 = tpu.vector_load %arg10[%swap3A_1215, %swap3A_1216] {strides = array<i32>} : memref<8x128xi32, #tpu.memory_space<vmem>>, vector<1x16xi32>,
    %swap3A_1218 = vector.shape_cast %swap3A_1217 : vector<1x16xi32> to vector<16xi32>
    %swap3A_1219 = vector.shape_cast %add3A_1213 : vector<16xi32> to vector<1x16xi32>
    tpu.vector_store %arg10[%swap3A_1215, %swap3A_1216], %swap3A_1219 {strides = array<i32>} : memref<8x128xi32, #tpu.memory_space<vmem>>, vector<1x16xi32>,
    %get3A_1220 = arith.constant 848 : index
    %get3A_1221 = tpu.vector_load %arg7[%get3A_1220] {strides = array<i32>} : memref<1024xi32, #tpu.memory_space<vmem>>, vector<16xi32>,
    %get3A_1222 = vector.shape_cast %get3A_1221 : vector<16xi32> to vector<16xi32>
    %mul3A_1223 = arith.constant 256 : i32
    %mul3A_1224 = vector.broadcast %mul3A_1223 : i32 to vector<16xi32>
    %mul3A_1225 = arith.muli %get3A_1222, %mul3A_1224 : vector<16xi32>
    %get3A_1226 = arith.constant 848 : index
    %get3A_1227 = tpu.vector_load %arg8[%get3A_1226] {strides = array<i32>} : memref<1024xi32, #tpu.memory_space<vmem>>, vector<16xi32>,
    %get3A_1228 = vector.shape_cast %get3A_1227 : vector<16xi32> to vector<16xi32>
    %mul3A_1229 = arith.constant 16 : i32
    %mul3A_1230 = vector.broadcast %mul3A_1229 : i32 to vector<16xi32>
    %mul3A_1231 = arith.muli %get3A_1228, %mul3A_1230 : vector<16xi32>
    %add3A_1232 = arith.addi %mul3A_1225, %mul3A_1231 : vector<16xi32>
    %get3A_1233 = arith.constant 848 : index
    %get3A_1234 = tpu.vector_load %arg9[%get3A_1233] {strides = array<i32>} : memref<1024xi32, #tpu.memory_space<vmem>>, vector<16xi32>,
    %get3A_1235 = vector.shape_cast %get3A_1234 : vector<16xi32> to vector<16xi32>
    %add3A_1236 = arith.addi %add3A_1232, %get3A_1235 : vector<16xi32>
    %swap3A_1237 = arith.constant 6 : i32
    %swap3A_1238 = arith.index_cast %swap3A_1237 : i32 to index
    %swap3A_1239 = arith.constant 80 : index
    %swap3A_1240 = tpu.vector_load %arg10[%swap3A_1238, %swap3A_1239] {strides = array<i32>} : memref<8x128xi32, #tpu.memory_space<vmem>>, vector<1x16xi32>,
    %swap3A_1241 = vector.shape_cast %swap3A_1240 : vector<1x16xi32> to vector<16xi32>
    %swap3A_1242 = vector.shape_cast %add3A_1236 : vector<16xi32> to vector<1x16xi32>
    tpu.vector_store %arg10[%swap3A_1238, %swap3A_1239], %swap3A_1242 {strides = array<i32>} : memref<8x128xi32, #tpu.memory_space<vmem>>, vector<1x16xi32>,
    %get3A_1243 = arith.constant 864 : index
    %get3A_1244 = tpu.vector_load %arg7[%get3A_1243] {strides = array<i32>} : memref<1024xi32, #tpu.memory_space<vmem>>, vector<16xi32>,
    %get3A_1245 = vector.shape_cast %get3A_1244 : vector<16xi32> to vector<16xi32>
    %mul3A_1246 = arith.constant 256 : i32
    %mul3A_1247 = vector.broadcast %mul3A_1246 : i32 to vector<16xi32>
    %mul3A_1248 = arith.muli %get3A_1245, %mul3A_1247 : vector<16xi32>
    %get3A_1249 = arith.constant 864 : index
    %get3A_1250 = tpu.vector_load %arg8[%get3A_1249] {strides = array<i32>} : memref<1024xi32, #tpu.memory_space<vmem>>, vector<16xi32>,
    %get3A_1251 = vector.shape_cast %get3A_1250 : vector<16xi32> to vector<16xi32>
    %mul3A_1252 = arith.constant 16 : i32
    %mul3A_1253 = vector.broadcast %mul3A_1252 : i32 to vector<16xi32>
    %mul3A_1254 = arith.muli %get3A_1251, %mul3A_1253 : vector<16xi32>
    %add3A_1255 = arith.addi %mul3A_1248, %mul3A_1254 : vector<16xi32>
    %get3A_1256 = arith.constant 864 : index
    %get3A_1257 = tpu.vector_load %arg9[%get3A_1256] {strides = array<i32>} : memref<1024xi32, #tpu.memory_space<vmem>>, vector<16xi32>,
    %get3A_1258 = vector.shape_cast %get3A_1257 : vector<16xi32> to vector<16xi32>
    %add3A_1259 = arith.addi %add3A_1255, %get3A_1258 : vector<16xi32>
    %swap3A_1260 = arith.constant 6 : i32
    %swap3A_1261 = arith.index_cast %swap3A_1260 : i32 to index
    %swap3A_1262 = arith.constant 96 : index
    %swap3A_1263 = tpu.vector_load %arg10[%swap3A_1261, %swap3A_1262] {strides = array<i32>} : memref<8x128xi32, #tpu.memory_space<vmem>>, vector<1x16xi32>,
    %swap3A_1264 = vector.shape_cast %swap3A_1263 : vector<1x16xi32> to vector<16xi32>
    %swap3A_1265 = vector.shape_cast %add3A_1259 : vector<16xi32> to vector<1x16xi32>
    tpu.vector_store %arg10[%swap3A_1261, %swap3A_1262], %swap3A_1265 {strides = array<i32>} : memref<8x128xi32, #tpu.memory_space<vmem>>, vector<1x16xi32>,
    %get3A_1266 = arith.constant 880 : index
    %get3A_1267 = tpu.vector_load %arg7[%get3A_1266] {strides = array<i32>} : memref<1024xi32, #tpu.memory_space<vmem>>, vector<16xi32>,
    %get3A_1268 = vector.shape_cast %get3A_1267 : vector<16xi32> to vector<16xi32>
    %mul3A_1269 = arith.constant 256 : i32
    %mul3A_1270 = vector.broadcast %mul3A_1269 : i32 to vector<16xi32>
    %mul3A_1271 = arith.muli %get3A_1268, %mul3A_1270 : vector<16xi32>
    %get3A_1272 = arith.constant 880 : index
    %get3A_1273 = tpu.vector_load %arg8[%get3A_1272] {strides = array<i32>} : memref<1024xi32, #tpu.memory_space<vmem>>, vector<16xi32>,
    %get3A_1274 = vector.shape_cast %get3A_1273 : vector<16xi32> to vector<16xi32>
    %mul3A_1275 = arith.constant 16 : i32
    %mul3A_1276 = vector.broadcast %mul3A_1275 : i32 to vector<16xi32>
    %mul3A_1277 = arith.muli %get3A_1274, %mul3A_1276 : vector<16xi32>
    %add3A_1278 = arith.addi %mul3A_1271, %mul3A_1277 : vector<16xi32>
    %get3A_1279 = arith.constant 880 : index
    %get3A_1280 = tpu.vector_load %arg9[%get3A_1279] {strides = array<i32>} : memref<1024xi32, #tpu.memory_space<vmem>>, vector<16xi32>,
    %get3A_1281 = vector.shape_cast %get3A_1280 : vector<16xi32> to vector<16xi32>
    %add3A_1282 = arith.addi %add3A_1278, %get3A_1281 : vector<16xi32>
    %swap3A_1283 = arith.constant 6 : i32
    %swap3A_1284 = arith.index_cast %swap3A_1283 : i32 to index
    %swap3A_1285 = arith.constant 112 : index
    %swap3A_1286 = tpu.vector_load %arg10[%swap3A_1284, %swap3A_1285] {strides = array<i32>} : memref<8x128xi32, #tpu.memory_space<vmem>>, vector<1x16xi32>,
    %swap3A_1287 = vector.shape_cast %swap3A_1286 : vector<1x16xi32> to vector<16xi32>
    %swap3A_1288 = vector.shape_cast %add3A_1282 : vector<16xi32> to vector<1x16xi32>
    tpu.vector_store %arg10[%swap3A_1284, %swap3A_1285], %swap3A_1288 {strides = array<i32>} : memref<8x128xi32, #tpu.memory_space<vmem>>, vector<1x16xi32>,
    %get3A_1289 = arith.constant 896 : index
    %get3A_1290 = tpu.vector_load %arg7[%get3A_1289] {strides = array<i32>} : memref<1024xi32, #tpu.memory_space<vmem>>, vector<16xi32>,
    %get3A_1291 = vector.shape_cast %get3A_1290 : vector<16xi32> to vector<16xi32>
    %mul3A_1292 = arith.constant 256 : i32
    %mul3A_1293 = vector.broadcast %mul3A_1292 : i32 to vector<16xi32>
    %mul3A_1294 = arith.muli %get3A_1291, %mul3A_1293 : vector<16xi32>
    %get3A_1295 = arith.constant 896 : index
    %get3A_1296 = tpu.vector_load %arg8[%get3A_1295] {strides = array<i32>} : memref<1024xi32, #tpu.memory_space<vmem>>, vector<16xi32>,
    %get3A_1297 = vector.shape_cast %get3A_1296 : vector<16xi32> to vector<16xi32>
    %mul3A_1298 = arith.constant 16 : i32
    %mul3A_1299 = vector.broadcast %mul3A_1298 : i32 to vector<16xi32>
    %mul3A_1300 = arith.muli %get3A_1297, %mul3A_1299 : vector<16xi32>
    %add3A_1301 = arith.addi %mul3A_1294, %mul3A_1300 : vector<16xi32>
    %get3A_1302 = arith.constant 896 : index
    %get3A_1303 = tpu.vector_load %arg9[%get3A_1302] {strides = array<i32>} : memref<1024xi32, #tpu.memory_space<vmem>>, vector<16xi32>,
    %get3A_1304 = vector.shape_cast %get3A_1303 : vector<16xi32> to vector<16xi32>
    %add3A_1305 = arith.addi %add3A_1301, %get3A_1304 : vector<16xi32>
    %swap3A_1306 = arith.constant 7 : i32
    %swap3A_1307 = arith.index_cast %swap3A_1306 : i32 to index
    %swap3A_1308 = arith.constant 0 : index
    %swap3A_1309 = tpu.vector_load %arg10[%swap3A_1307, %swap3A_1308] {strides = array<i32>} : memref<8x128xi32, #tpu.memory_space<vmem>>, vector<1x16xi32>,
    %swap3A_1310 = vector.shape_cast %swap3A_1309 : vector<1x16xi32> to vector<16xi32>
    %swap3A_1311 = vector.shape_cast %add3A_1305 : vector<16xi32> to vector<1x16xi32>
    tpu.vector_store %arg10[%swap3A_1307, %swap3A_1308], %swap3A_1311 {strides = array<i32>} : memref<8x128xi32, #tpu.memory_space<vmem>>, vector<1x16xi32>,
    %get3A_1312 = arith.constant 912 : index
    %get3A_1313 = tpu.vector_load %arg7[%get3A_1312] {strides = array<i32>} : memref<1024xi32, #tpu.memory_space<vmem>>, vector<16xi32>,
    %get3A_1314 = vector.shape_cast %get3A_1313 : vector<16xi32> to vector<16xi32>
    %mul3A_1315 = arith.constant 256 : i32
    %mul3A_1316 = vector.broadcast %mul3A_1315 : i32 to vector<16xi32>
    %mul3A_1317 = arith.muli %get3A_1314, %mul3A_1316 : vector<16xi32>
    %get3A_1318 = arith.constant 912 : index
    %get3A_1319 = tpu.vector_load %arg8[%get3A_1318] {strides = array<i32>} : memref<1024xi32, #tpu.memory_space<vmem>>, vector<16xi32>,
    %get3A_1320 = vector.shape_cast %get3A_1319 : vector<16xi32> to vector<16xi32>
    %mul3A_1321 = arith.constant 16 : i32
    %mul3A_1322 = vector.broadcast %mul3A_1321 : i32 to vector<16xi32>
    %mul3A_1323 = arith.muli %get3A_1320, %mul3A_1322 : vector<16xi32>
    %add3A_1324 = arith.addi %mul3A_1317, %mul3A_1323 : vector<16xi32>
    %get3A_1325 = arith.constant 912 : index
    %get3A_1326 = tpu.vector_load %arg9[%get3A_1325] {strides = array<i32>} : memref<1024xi32, #tpu.memory_space<vmem>>, vector<16xi32>,
    %get3A_1327 = vector.shape_cast %get3A_1326 : vector<16xi32> to vector<16xi32>
    %add3A_1328 = arith.addi %add3A_1324, %get3A_1327 : vector<16xi32>
    %swap3A_1329 = arith.constant 7 : i32
    %swap3A_1330 = arith.index_cast %swap3A_1329 : i32 to index
    %swap3A_1331 = arith.constant 16 : index
    %swap3A_1332 = tpu.vector_load %arg10[%swap3A_1330, %swap3A_1331] {strides = array<i32>} : memref<8x128xi32, #tpu.memory_space<vmem>>, vector<1x16xi32>,
    %swap3A_1333 = vector.shape_cast %swap3A_1332 : vector<1x16xi32> to vector<16xi32>
    %swap3A_1334 = vector.shape_cast %add3A_1328 : vector<16xi32> to vector<1x16xi32>
    tpu.vector_store %arg10[%swap3A_1330, %swap3A_1331], %swap3A_1334 {strides = array<i32>} : memref<8x128xi32, #tpu.memory_space<vmem>>, vector<1x16xi32>,
    %get3A_1335 = arith.constant 928 : index
    %get3A_1336 = tpu.vector_load %arg7[%get3A_1335] {strides = array<i32>} : memref<1024xi32, #tpu.memory_space<vmem>>, vector<16xi32>,
    %get3A_1337 = vector.shape_cast %get3A_1336 : vector<16xi32> to vector<16xi32>
    %mul3A_1338 = arith.constant 256 : i32
    %mul3A_1339 = vector.broadcast %mul3A_1338 : i32 to vector<16xi32>
    %mul3A_1340 = arith.muli %get3A_1337, %mul3A_1339 : vector<16xi32>
    %get3A_1341 = arith.constant 928 : index
    %get3A_1342 = tpu.vector_load %arg8[%get3A_1341] {strides = array<i32>} : memref<1024xi32, #tpu.memory_space<vmem>>, vector<16xi32>,
    %get3A_1343 = vector.shape_cast %get3A_1342 : vector<16xi32> to vector<16xi32>
    %mul3A_1344 = arith.constant 16 : i32
    %mul3A_1345 = vector.broadcast %mul3A_1344 : i32 to vector<16xi32>
    %mul3A_1346 = arith.muli %get3A_1343, %mul3A_1345 : vector<16xi32>
    %add3A_1347 = arith.addi %mul3A_1340, %mul3A_1346 : vector<16xi32>
    %get3A_1348 = arith.constant 928 : index
    %get3A_1349 = tpu.vector_load %arg9[%get3A_1348] {strides = array<i32>} : memref<1024xi32, #tpu.memory_space<vmem>>, vector<16xi32>,
    %get3A_1350 = vector.shape_cast %get3A_1349 : vector<16xi32> to vector<16xi32>
    %add3A_1351 = arith.addi %add3A_1347, %get3A_1350 : vector<16xi32>
    %swap3A_1352 = arith.constant 7 : i32
    %swap3A_1353 = arith.index_cast %swap3A_1352 : i32 to index
    %swap3A_1354 = arith.constant 32 : index
    %swap3A_1355 = tpu.vector_load %arg10[%swap3A_1353, %swap3A_1354] {strides = array<i32>} : memref<8x128xi32, #tpu.memory_space<vmem>>, vector<1x16xi32>,
    %swap3A_1356 = vector.shape_cast %swap3A_1355 : vector<1x16xi32> to vector<16xi32>
    %swap3A_1357 = vector.shape_cast %add3A_1351 : vector<16xi32> to vector<1x16xi32>
    tpu.vector_store %arg10[%swap3A_1353, %swap3A_1354], %swap3A_1357 {strides = array<i32>} : memref<8x128xi32, #tpu.memory_space<vmem>>, vector<1x16xi32>,
    %get3A_1358 = arith.constant 944 : index
    %get3A_1359 = tpu.vector_load %arg7[%get3A_1358] {strides = array<i32>} : memref<1024xi32, #tpu.memory_space<vmem>>, vector<16xi32>,
    %get3A_1360 = vector.shape_cast %get3A_1359 : vector<16xi32> to vector<16xi32>
    %mul3A_1361 = arith.constant 256 : i32
    %mul3A_1362 = vector.broadcast %mul3A_1361 : i32 to vector<16xi32>
    %mul3A_1363 = arith.muli %get3A_1360, %mul3A_1362 : vector<16xi32>
    %get3A_1364 = arith.constant 944 : index
    %get3A_1365 = tpu.vector_load %arg8[%get3A_1364] {strides = array<i32>} : memref<1024xi32, #tpu.memory_space<vmem>>, vector<16xi32>,
    %get3A_1366 = vector.shape_cast %get3A_1365 : vector<16xi32> to vector<16xi32>
    %mul3A_1367 = arith.constant 16 : i32
    %mul3A_1368 = vector.broadcast %mul3A_1367 : i32 to vector<16xi32>
    %mul3A_1369 = arith.muli %get3A_1366, %mul3A_1368 : vector<16xi32>
    %add3A_1370 = arith.addi %mul3A_1363, %mul3A_1369 : vector<16xi32>
    %get3A_1371 = arith.constant 944 : index
    %get3A_1372 = tpu.vector_load %arg9[%get3A_1371] {strides = array<i32>} : memref<1024xi32, #tpu.memory_space<vmem>>, vector<16xi32>,
    %get3A_1373 = vector.shape_cast %get3A_1372 : vector<16xi32> to vector<16xi32>
    %add3A_1374 = arith.addi %add3A_1370, %get3A_1373 : vector<16xi32>
    %swap3A_1375 = arith.constant 7 : i32
    %swap3A_1376 = arith.index_cast %swap3A_1375 : i32 to index
    %swap3A_1377 = arith.constant 48 : index
    %swap3A_1378 = tpu.vector_load %arg10[%swap3A_1376, %swap3A_1377] {strides = array<i32>} : memref<8x128xi32, #tpu.memory_space<vmem>>, vector<1x16xi32>,
    %swap3A_1379 = vector.shape_cast %swap3A_1378 : vector<1x16xi32> to vector<16xi32>
    %swap3A_1380 = vector.shape_cast %add3A_1374 : vector<16xi32> to vector<1x16xi32>
    tpu.vector_store %arg10[%swap3A_1376, %swap3A_1377], %swap3A_1380 {strides = array<i32>} : memref<8x128xi32, #tpu.memory_space<vmem>>, vector<1x16xi32>,
    %get3A_1381 = arith.constant 960 : index
    %get3A_1382 = tpu.vector_load %arg7[%get3A_1381] {strides = array<i32>} : memref<1024xi32, #tpu.memory_space<vmem>>, vector<16xi32>,
    %get3A_1383 = vector.shape_cast %get3A_1382 : vector<16xi32> to vector<16xi32>
    %mul3A_1384 = arith.constant 256 : i32
    %mul3A_1385 = vector.broadcast %mul3A_1384 : i32 to vector<16xi32>
    %mul3A_1386 = arith.muli %get3A_1383, %mul3A_1385 : vector<16xi32>
    %get3A_1387 = arith.constant 960 : index
    %get3A_1388 = tpu.vector_load %arg8[%get3A_1387] {strides = array<i32>} : memref<1024xi32, #tpu.memory_space<vmem>>, vector<16xi32>,
    %get3A_1389 = vector.shape_cast %get3A_1388 : vector<16xi32> to vector<16xi32>
    %mul3A_1390 = arith.constant 16 : i32
    %mul3A_1391 = vector.broadcast %mul3A_1390 : i32 to vector<16xi32>
    %mul3A_1392 = arith.muli %get3A_1389, %mul3A_1391 : vector<16xi32>
    %add3A_1393 = arith.addi %mul3A_1386, %mul3A_1392 : vector<16xi32>
    %get3A_1394 = arith.constant 960 : index
    %get3A_1395 = tpu.vector_load %arg9[%get3A_1394] {strides = array<i32>} : memref<1024xi32, #tpu.memory_space<vmem>>, vector<16xi32>,
    %get3A_1396 = vector.shape_cast %get3A_1395 : vector<16xi32> to vector<16xi32>
    %add3A_1397 = arith.addi %add3A_1393, %get3A_1396 : vector<16xi32>
    %swap3A_1398 = arith.constant 7 : i32
    %swap3A_1399 = arith.index_cast %swap3A_1398 : i32 to index
    %swap3A_1400 = arith.constant 64 : index
    %swap3A_1401 = tpu.vector_load %arg10[%swap3A_1399, %swap3A_1400] {strides = array<i32>} : memref<8x128xi32, #tpu.memory_space<vmem>>, vector<1x16xi32>,
    %swap3A_1402 = vector.shape_cast %swap3A_1401 : vector<1x16xi32> to vector<16xi32>
    %swap3A_1403 = vector.shape_cast %add3A_1397 : vector<16xi32> to vector<1x16xi32>
    tpu.vector_store %arg10[%swap3A_1399, %swap3A_1400], %swap3A_1403 {strides = array<i32>} : memref<8x128xi32, #tpu.memory_space<vmem>>, vector<1x16xi32>,
    %get3A_1404 = arith.constant 976 : index
    %get3A_1405 = tpu.vector_load %arg7[%get3A_1404] {strides = array<i32>} : memref<1024xi32, #tpu.memory_space<vmem>>, vector<16xi32>,
    %get3A_1406 = vector.shape_cast %get3A_1405 : vector<16xi32> to vector<16xi32>
    %mul3A_1407 = arith.constant 256 : i32
    %mul3A_1408 = vector.broadcast %mul3A_1407 : i32 to vector<16xi32>
    %mul3A_1409 = arith.muli %get3A_1406, %mul3A_1408 : vector<16xi32>
    %get3A_1410 = arith.constant 976 : index
    %get3A_1411 = tpu.vector_load %arg8[%get3A_1410] {strides = array<i32>} : memref<1024xi32, #tpu.memory_space<vmem>>, vector<16xi32>,
    %get3A_1412 = vector.shape_cast %get3A_1411 : vector<16xi32> to vector<16xi32>
    %mul3A_1413 = arith.constant 16 : i32
    %mul3A_1414 = vector.broadcast %mul3A_1413 : i32 to vector<16xi32>
    %mul3A_1415 = arith.muli %get3A_1412, %mul3A_1414 : vector<16xi32>
    %add3A_1416 = arith.addi %mul3A_1409, %mul3A_1415 : vector<16xi32>
    %get3A_1417 = arith.constant 976 : index
    %get3A_1418 = tpu.vector_load %arg9[%get3A_1417] {strides = array<i32>} : memref<1024xi32, #tpu.memory_space<vmem>>, vector<16xi32>,
    %get3A_1419 = vector.shape_cast %get3A_1418 : vector<16xi32> to vector<16xi32>
    %add3A_1420 = arith.addi %add3A_1416, %get3A_1419 : vector<16xi32>
    %swap3A_1421 = arith.constant 7 : i32
    %swap3A_1422 = arith.index_cast %swap3A_1421 : i32 to index
    %swap3A_1423 = arith.constant 80 : index
    %swap3A_1424 = tpu.vector_load %arg10[%swap3A_1422, %swap3A_1423] {strides = array<i32>} : memref<8x128xi32, #tpu.memory_space<vmem>>, vector<1x16xi32>,
    %swap3A_1425 = vector.shape_cast %swap3A_1424 : vector<1x16xi32> to vector<16xi32>
    %swap3A_1426 = vector.shape_cast %add3A_1420 : vector<16xi32> to vector<1x16xi32>
    tpu.vector_store %arg10[%swap3A_1422, %swap3A_1423], %swap3A_1426 {strides = array<i32>} : memref<8x128xi32, #tpu.memory_space<vmem>>, vector<1x16xi32>,
    %get3A_1427 = arith.constant 992 : index
    %get3A_1428 = tpu.vector_load %arg7[%get3A_1427] {strides = array<i32>} : memref<1024xi32, #tpu.memory_space<vmem>>, vector<16xi32>,
    %get3A_1429 = vector.shape_cast %get3A_1428 : vector<16xi32> to vector<16xi32>
    %mul3A_1430 = arith.constant 256 : i32
    %mul3A_1431 = vector.broadcast %mul3A_1430 : i32 to vector<16xi32>
    %mul3A_1432 = arith.muli %get3A_1429, %mul3A_1431 : vector<16xi32>
    %get3A_1433 = arith.constant 992 : index
    %get3A_1434 = tpu.vector_load %arg8[%get3A_1433] {strides = array<i32>} : memref<1024xi32, #tpu.memory_space<vmem>>, vector<16xi32>,
    %get3A_1435 = vector.shape_cast %get3A_1434 : vector<16xi32> to vector<16xi32>
    %mul3A_1436 = arith.constant 16 : i32
    %mul3A_1437 = vector.broadcast %mul3A_1436 : i32 to vector<16xi32>
    %mul3A_1438 = arith.muli %get3A_1435, %mul3A_1437 : vector<16xi32>
    %add3A_1439 = arith.addi %mul3A_1432, %mul3A_1438 : vector<16xi32>
    %get3A_1440 = arith.constant 992 : index
    %get3A_1441 = tpu.vector_load %arg9[%get3A_1440] {strides = array<i32>} : memref<1024xi32, #tpu.memory_space<vmem>>, vector<16xi32>,
    %get3A_1442 = vector.shape_cast %get3A_1441 : vector<16xi32> to vector<16xi32>
    %add3A_1443 = arith.addi %add3A_1439, %get3A_1442 : vector<16xi32>
    %swap3A_1444 = arith.constant 7 : i32
    %swap3A_1445 = arith.index_cast %swap3A_1444 : i32 to index
    %swap3A_1446 = arith.constant 96 : index
    %swap3A_1447 = tpu.vector_load %arg10[%swap3A_1445, %swap3A_1446] {strides = array<i32>} : memref<8x128xi32, #tpu.memory_space<vmem>>, vector<1x16xi32>,
    %swap3A_1448 = vector.shape_cast %swap3A_1447 : vector<1x16xi32> to vector<16xi32>
    %swap3A_1449 = vector.shape_cast %add3A_1443 : vector<16xi32> to vector<1x16xi32>
    tpu.vector_store %arg10[%swap3A_1445, %swap3A_1446], %swap3A_1449 {strides = array<i32>} : memref<8x128xi32, #tpu.memory_space<vmem>>, vector<1x16xi32>,
    %get3A_1450 = arith.constant 1008 : index
    %get3A_1451 = tpu.vector_load %arg7[%get3A_1450] {strides = array<i32>} : memref<1024xi32, #tpu.memory_space<vmem>>, vector<16xi32>,
    %get3A_1452 = vector.shape_cast %get3A_1451 : vector<16xi32> to vector<16xi32>
    %mul3A_1453 = arith.constant 256 : i32
    %mul3A_1454 = vector.broadcast %mul3A_1453 : i32 to vector<16xi32>
    %mul3A_1455 = arith.muli %get3A_1452, %mul3A_1454 : vector<16xi32>
    %get3A_1456 = arith.constant 1008 : index
    %get3A_1457 = tpu.vector_load %arg8[%get3A_1456] {strides = array<i32>} : memref<1024xi32, #tpu.memory_space<vmem>>, vector<16xi32>,
    %get3A_1458 = vector.shape_cast %get3A_1457 : vector<16xi32> to vector<16xi32>
    %mul3A_1459 = arith.constant 16 : i32
    %mul3A_1460 = vector.broadcast %mul3A_1459 : i32 to vector<16xi32>
    %mul3A_1461 = arith.muli %get3A_1458, %mul3A_1460 : vector<16xi32>
    %add3A_1462 = arith.addi %mul3A_1455, %mul3A_1461 : vector<16xi32>
    %get3A_1463 = arith.constant 1008 : index
    %get3A_1464 = tpu.vector_load %arg9[%get3A_1463] {strides = array<i32>} : memref<1024xi32, #tpu.memory_space<vmem>>, vector<16xi32>,
    %get3A_1465 = vector.shape_cast %get3A_1464 : vector<16xi32> to vector<16xi32>
    %add3A_1466 = arith.addi %add3A_1462, %get3A_1465 : vector<16xi32>
    %swap3A_1467 = arith.constant 7 : i32
    %swap3A_1468 = arith.index_cast %swap3A_1467 : i32 to index
    %swap3A_1469 = arith.constant 112 : index
    %swap3A_1470 = tpu.vector_load %arg10[%swap3A_1468, %swap3A_1469] {strides = array<i32>} : memref<8x128xi32, #tpu.memory_space<vmem>>, vector<1x16xi32>,
    %swap3A_1471 = vector.shape_cast %swap3A_1470 : vector<1x16xi32> to vector<16xi32>
    %swap3A_1472 = vector.shape_cast %add3A_1466 : vector<16xi32> to vector<1x16xi32>
    tpu.vector_store %arg10[%swap3A_1468, %swap3A_1469], %swap3A_1472 {strides = array<i32>} : memref<8x128xi32, #tpu.memory_space<vmem>>, vector<1x16xi32>,
    %dma_start3A = arith.constant 0 : i32
    %dma_start3A_1473 = arith.constant 0 : i32
    %dma_start3A_1474 = arith.constant 0 : i32
    %dma_start3A_1475 = arith.constant 0 : i32
    %dma_start3A_1476 = tpu.memref_slice %arg11[%dma_start3A_1473, %dma_start3A_1474, %dma_start3A_1475] : memref<2x128x256xf32, #tpu.memory_space<vmem>> -> memref<1x128x256xf32, #tpu.memory_space<vmem>>
    %dma_start3A_1477 = tpu.memref_squeeze %dma_start3A_1476 : memref<1x128x256xf32, #tpu.memory_space<vmem>> -> memref<128x256xf32, #tpu.memory_space<vmem>>
    %dma_start3A_1478 = arith.constant 0 : i32
    %dma_start3A_1479 = tpu.memref_slice %arg10[%dma_start3A, %dma_start3A_1478] : memref<8x128xi32, #tpu.memory_space<vmem>> -> memref<1x128xi32, #tpu.memory_space<vmem>>
    %dma_start3A_1480 = tpu.memref_squeeze %dma_start3A_1479 : memref<1x128xi32, #tpu.memory_space<vmem>> -> memref<128xi32, #tpu.memory_space<vmem>>
    %dma_start3A_1481 = arith.constant 0 : i32
    %dma_start3A_1482 = arith.constant 0 : i32
    %dma_start3A_1483 = tpu.memref_slice %arg2[%dma_start3A_1481, %dma_start3A_1482] : memref<4096x256xf32, #tpu.memory_space<hbm>> -> memref<4096x256xf32, #tpu.memory_space<hbm>>
    tpu.enqueue_indirect_dma source(%dma_start3A_1483 : memref<4096x256xf32, #tpu.memory_space<hbm>>) target(%dma_start3A_1477 : memref<128x256xf32, #tpu.memory_space<vmem>>) offsets(%dma_start3A_1480 : memref<128xi32, #tpu.memory_space<vmem>>) semaphore(%arg12 : memref<!tpu.dma_semaphore, #tpu.memory_space<semaphore_mem>>)
    %dma_wait3A = arith.constant 0 : i32
    %dma_wait3A_1484 = arith.constant 0 : i32
    %dma_wait3A_1485 = arith.constant 0 : i32
    %dma_wait3A_1486 = arith.constant 0 : i32
    %dma_wait3A_1487 = tpu.memref_slice %arg11[%dma_wait3A_1484, %dma_wait3A_1485, %dma_wait3A_1486] : memref<2x128x256xf32, #tpu.memory_space<vmem>> -> memref<1x128x256xf32, #tpu.memory_space<vmem>>
    %dma_wait3A_1488 = tpu.memref_squeeze %dma_wait3A_1487 : memref<1x128x256xf32, #tpu.memory_space<vmem>> -> memref<128x256xf32, #tpu.memory_space<vmem>>
    %dma_wait3A_1489 = arith.constant 0 : i32
    %dma_wait3A_1490 = tpu.memref_slice %arg10[%dma_wait3A, %dma_wait3A_1489] : memref<8x128xi32, #tpu.memory_space<vmem>> -> memref<1x128xi32, #tpu.memory_space<vmem>>
    %dma_wait3A_1491 = tpu.memref_squeeze %dma_wait3A_1490 : memref<1x128xi32, #tpu.memory_space<vmem>> -> memref<128xi32, #tpu.memory_space<vmem>>
    %dma_wait3A_1492 = arith.constant 0 : i32
    %dma_wait3A_1493 = arith.constant 0 : i32
    %dma_wait3A_1494 = tpu.memref_slice %arg2[%dma_wait3A_1492, %dma_wait3A_1493] : memref<4096x256xf32, #tpu.memory_space<hbm>> -> memref<4096x256xf32, #tpu.memory_space<hbm>>
    tpu.wait_indirect_dma semaphore(%arg12 : memref<!tpu.dma_semaphore, #tpu.memory_space<semaphore_mem>>) src(%dma_wait3A_1494 : memref<4096x256xf32, #tpu.memory_space<hbm>>) dst(%dma_wait3A_1488 : memref<128x256xf32, #tpu.memory_space<vmem>>)
    %add3A_1495 = arith.constant 0 : i32
    %add3A_1496 = arith.addi %mul3A_2, %add3A_1495 : i32
    %dma_start3A_1497 = arith.constant 0 : i32
    %dma_start3A_1498 = arith.constant 0 : i32
    %dma_start3A_1499 = arith.constant 0 : i32
    %dma_start3A_1500 = tpu.memref_slice %arg11[%dma_start3A_1497, %dma_start3A_1498, %dma_start3A_1499] : memref<2x128x256xf32, #tpu.memory_space<vmem>> -> memref<1x128x256xf32, #tpu.memory_space<vmem>>
    %dma_start3A_1501 = tpu.memref_squeeze %dma_start3A_1500 : memref<1x128x256xf32, #tpu.memory_space<vmem>> -> memref<128x256xf32, #tpu.memory_space<vmem>>
    %dma_start3A_1502 = arith.constant 0 : i32
    %dma_start3A_1503 = tpu.memref_slice %arg6[%add3A_1496, %dma_start3A_1502] : memref<32768x256xf32, #tpu.memory_space<hbm>> -> memref<128x256xf32, #tpu.memory_space<hbm>>
    %dma_start3A_1504 = arith.constant 0 : i32
    %dma_start3A_1505 = tpu.memref_slice %arg6[%add3A_1496, %dma_start3A_1504] : memref<32768x256xf32, #tpu.memory_space<hbm>> -> memref<128x256xf32, #tpu.memory_space<hbm>>
    %dma_start3A_1506 = arith.constant 0 : i32
    %dma_start3A_1507 = arith.constant 0 : i32
    %dma_start3A_1508 = tpu.memref_slice %arg11[%dma_start3A_1497, %dma_start3A_1506, %dma_start3A_1507] : memref<2x128x256xf32, #tpu.memory_space<vmem>> -> memref<1x128x256xf32, #tpu.memory_space<vmem>>
    %dma_start3A_1509 = tpu.memref_squeeze %dma_start3A_1508 : memref<1x128x256xf32, #tpu.memory_space<vmem>> -> memref<128x256xf32, #tpu.memory_space<vmem>>
    tpu.enqueue_dma source(%dma_start3A_1509 : memref<128x256xf32, #tpu.memory_space<vmem>>) target(%dma_start3A_1505 : memref<128x256xf32, #tpu.memory_space<hbm>>) target_semaphore(%arg13 : memref<!tpu.dma_semaphore, #tpu.memory_space<semaphore_mem>>)
    %dma_start3A_1510 = arith.constant 1 : i32
    %dma_start3A_1511 = arith.constant 1 : i32
    %dma_start3A_1512 = arith.constant 0 : i32
    %dma_start3A_1513 = arith.constant 0 : i32
    %dma_start3A_1514 = tpu.memref_slice %arg11[%dma_start3A_1511, %dma_start3A_1512, %dma_start3A_1513] : memref<2x128x256xf32, #tpu.memory_space<vmem>> -> memref<1x128x256xf32, #tpu.memory_space<vmem>>
    %dma_start3A_1515 = tpu.memref_squeeze %dma_start3A_1514 : memref<1x128x256xf32, #tpu.memory_space<vmem>> -> memref<128x256xf32, #tpu.memory_space<vmem>>
    %dma_start3A_1516 = arith.constant 0 : i32
    %dma_start3A_1517 = tpu.memref_slice %arg10[%dma_start3A_1510, %dma_start3A_1516] : memref<8x128xi32, #tpu.memory_space<vmem>> -> memref<1x128xi32, #tpu.memory_space<vmem>>
    %dma_start3A_1518 = tpu.memref_squeeze %dma_start3A_1517 : memref<1x128xi32, #tpu.memory_space<vmem>> -> memref<128xi32, #tpu.memory_space<vmem>>
    %dma_start3A_1519 = arith.constant 0 : i32
    %dma_start3A_1520 = arith.constant 0 : i32
    %dma_start3A_1521 = tpu.memref_slice %arg2[%dma_start3A_1519, %dma_start3A_1520] : memref<4096x256xf32, #tpu.memory_space<hbm>> -> memref<4096x256xf32, #tpu.memory_space<hbm>>
    tpu.enqueue_indirect_dma source(%dma_start3A_1521 : memref<4096x256xf32, #tpu.memory_space<hbm>>) target(%dma_start3A_1515 : memref<128x256xf32, #tpu.memory_space<vmem>>) offsets(%dma_start3A_1518 : memref<128xi32, #tpu.memory_space<vmem>>) semaphore(%arg12 : memref<!tpu.dma_semaphore, #tpu.memory_space<semaphore_mem>>)
    %dma_wait3A_1522 = arith.constant 1 : i32
    %dma_wait3A_1523 = arith.constant 1 : i32
    %dma_wait3A_1524 = arith.constant 0 : i32
    %dma_wait3A_1525 = arith.constant 0 : i32
    %dma_wait3A_1526 = tpu.memref_slice %arg11[%dma_wait3A_1523, %dma_wait3A_1524, %dma_wait3A_1525] : memref<2x128x256xf32, #tpu.memory_space<vmem>> -> memref<1x128x256xf32, #tpu.memory_space<vmem>>
    %dma_wait3A_1527 = tpu.memref_squeeze %dma_wait3A_1526 : memref<1x128x256xf32, #tpu.memory_space<vmem>> -> memref<128x256xf32, #tpu.memory_space<vmem>>
    %dma_wait3A_1528 = arith.constant 0 : i32
    %dma_wait3A_1529 = tpu.memref_slice %arg10[%dma_wait3A_1522, %dma_wait3A_1528] : memref<8x128xi32, #tpu.memory_space<vmem>> -> memref<1x128xi32, #tpu.memory_space<vmem>>
    %dma_wait3A_1530 = tpu.memref_squeeze %dma_wait3A_1529 : memref<1x128xi32, #tpu.memory_space<vmem>> -> memref<128xi32, #tpu.memory_space<vmem>>
    %dma_wait3A_1531 = arith.constant 0 : i32
    %dma_wait3A_1532 = arith.constant 0 : i32
    %dma_wait3A_1533 = tpu.memref_slice %arg2[%dma_wait3A_1531, %dma_wait3A_1532] : memref<4096x256xf32, #tpu.memory_space<hbm>> -> memref<4096x256xf32, #tpu.memory_space<hbm>>
    tpu.wait_indirect_dma semaphore(%arg12 : memref<!tpu.dma_semaphore, #tpu.memory_space<semaphore_mem>>) src(%dma_wait3A_1533 : memref<4096x256xf32, #tpu.memory_space<hbm>>) dst(%dma_wait3A_1527 : memref<128x256xf32, #tpu.memory_space<vmem>>)
    %add3A_1534 = arith.constant 128 : i32
    %add3A_1535 = arith.addi %mul3A_2, %add3A_1534 : i32
    %dma_start3A_1536 = arith.constant 1 : i32
    %dma_start3A_1537 = arith.constant 0 : i32
    %dma_start3A_1538 = arith.constant 0 : i32
    %dma_start3A_1539 = tpu.memref_slice %arg11[%dma_start3A_1536, %dma_start3A_1537, %dma_start3A_1538] : memref<2x128x256xf32, #tpu.memory_space<vmem>> -> memref<1x128x256xf32, #tpu.memory_space<vmem>>
    %dma_start3A_1540 = tpu.memref_squeeze %dma_start3A_1539 : memref<1x128x256xf32, #tpu.memory_space<vmem>> -> memref<128x256xf32, #tpu.memory_space<vmem>>
    %dma_start3A_1541 = arith.constant 0 : i32
    %dma_start3A_1542 = tpu.memref_slice %arg6[%add3A_1535, %dma_start3A_1541] : memref<32768x256xf32, #tpu.memory_space<hbm>> -> memref<128x256xf32, #tpu.memory_space<hbm>>
    %dma_start3A_1543 = arith.constant 0 : i32
    %dma_start3A_1544 = tpu.memref_slice %arg6[%add3A_1535, %dma_start3A_1543] : memref<32768x256xf32, #tpu.memory_space<hbm>> -> memref<128x256xf32, #tpu.memory_space<hbm>>
    %dma_start3A_1545 = arith.constant 0 : i32
    %dma_start3A_1546 = arith.constant 0 : i32
    %dma_start3A_1547 = tpu.memref_slice %arg11[%dma_start3A_1536, %dma_start3A_1545, %dma_start3A_1546] : memref<2x128x256xf32, #tpu.memory_space<vmem>> -> memref<1x128x256xf32, #tpu.memory_space<vmem>>
    %dma_start3A_1548 = tpu.memref_squeeze %dma_start3A_1547 : memref<1x128x256xf32, #tpu.memory_space<vmem>> -> memref<128x256xf32, #tpu.memory_space<vmem>>
    tpu.enqueue_dma source(%dma_start3A_1548 : memref<128x256xf32, #tpu.memory_space<vmem>>) target(%dma_start3A_1544 : memref<128x256xf32, #tpu.memory_space<hbm>>) target_semaphore(%arg13 : memref<!tpu.dma_semaphore, #tpu.memory_space<semaphore_mem>>)
    %dma_wait3A_1549 = arith.constant 0 : i32
    %dma_wait3A_1550 = arith.constant 0 : i32
    %dma_wait3A_1551 = arith.constant 0 : i32
    %dma_wait3A_1552 = tpu.memref_slice %arg11[%dma_wait3A_1549, %dma_wait3A_1550, %dma_wait3A_1551] : memref<2x128x256xf32, #tpu.memory_space<vmem>> -> memref<1x128x256xf32, #tpu.memory_space<vmem>>
    %dma_wait3A_1553 = tpu.memref_squeeze %dma_wait3A_1552 : memref<1x128x256xf32, #tpu.memory_space<vmem>> -> memref<128x256xf32, #tpu.memory_space<vmem>>
    %dma_wait3A_1554 = arith.constant 0 : i32
    %dma_wait3A_1555 = tpu.memref_slice %arg6[%add3A_1496, %dma_wait3A_1554] : memref<32768x256xf32, #tpu.memory_space<hbm>> -> memref<128x256xf32, #tpu.memory_space<hbm>>
    %dma_wait3A_1556 = arith.constant 0 : i32
    %dma_wait3A_1557 = tpu.memref_slice %arg6[%add3A_1496, %dma_wait3A_1556] : memref<32768x256xf32, #tpu.memory_space<hbm>> -> memref<128x256xf32, #tpu.memory_space<hbm>>
    %dma_wait3A_1558 = arith.constant 0 : i32
    %dma_wait3A_1559 = arith.constant 0 : i32
    %dma_wait3A_1560 = tpu.memref_slice %arg11[%dma_wait3A_1549, %dma_wait3A_1558, %dma_wait3A_1559] : memref<2x128x256xf32, #tpu.memory_space<vmem>> -> memref<1x128x256xf32, #tpu.memory_space<vmem>>
    %dma_wait3A_1561 = tpu.memref_squeeze %dma_wait3A_1560 : memref<1x128x256xf32, #tpu.memory_space<vmem>> -> memref<128x256xf32, #tpu.memory_space<vmem>>
    tpu.wait_dma2 semaphore(%arg13 : memref<!tpu.dma_semaphore, #tpu.memory_space<semaphore_mem>>) src(%dma_wait3A_1561 : memref<128x256xf32, #tpu.memory_space<vmem>>) dst(%dma_wait3A_1557 : memref<128x256xf32, #tpu.memory_space<hbm>>)
    %dma_start3A_1562 = arith.constant 2 : i32
    %dma_start3A_1563 = arith.constant 0 : i32
    %dma_start3A_1564 = arith.constant 0 : i32
    %dma_start3A_1565 = arith.constant 0 : i32
    %dma_start3A_1566 = tpu.memref_slice %arg11[%dma_start3A_1563, %dma_start3A_1564, %dma_start3A_1565] : memref<2x128x256xf32, #tpu.memory_space<vmem>> -> memref<1x128x256xf32, #tpu.memory_space<vmem>>
    %dma_start3A_1567 = tpu.memref_squeeze %dma_start3A_1566 : memref<1x128x256xf32, #tpu.memory_space<vmem>> -> memref<128x256xf32, #tpu.memory_space<vmem>>
    %dma_start3A_1568 = arith.constant 0 : i32
    %dma_start3A_1569 = tpu.memref_slice %arg10[%dma_start3A_1562, %dma_start3A_1568] : memref<8x128xi32, #tpu.memory_space<vmem>> -> memref<1x128xi32, #tpu.memory_space<vmem>>
    %dma_start3A_1570 = tpu.memref_squeeze %dma_start3A_1569 : memref<1x128xi32, #tpu.memory_space<vmem>> -> memref<128xi32, #tpu.memory_space<vmem>>
    %dma_start3A_1571 = arith.constant 0 : i32
    %dma_start3A_1572 = arith.constant 0 : i32
    %dma_start3A_1573 = tpu.memref_slice %arg2[%dma_start3A_1571, %dma_start3A_1572] : memref<4096x256xf32, #tpu.memory_space<hbm>> -> memref<4096x256xf32, #tpu.memory_space<hbm>>
    tpu.enqueue_indirect_dma source(%dma_start3A_1573 : memref<4096x256xf32, #tpu.memory_space<hbm>>) target(%dma_start3A_1567 : memref<128x256xf32, #tpu.memory_space<vmem>>) offsets(%dma_start3A_1570 : memref<128xi32, #tpu.memory_space<vmem>>) semaphore(%arg12 : memref<!tpu.dma_semaphore, #tpu.memory_space<semaphore_mem>>)
    %dma_wait3A_1574 = arith.constant 2 : i32
    %dma_wait3A_1575 = arith.constant 0 : i32
    %dma_wait3A_1576 = arith.constant 0 : i32
    %dma_wait3A_1577 = arith.constant 0 : i32
    %dma_wait3A_1578 = tpu.memref_slice %arg11[%dma_wait3A_1575, %dma_wait3A_1576, %dma_wait3A_1577] : memref<2x128x256xf32, #tpu.memory_space<vmem>> -> memref<1x128x256xf32, #tpu.memory_space<vmem>>
    %dma_wait3A_1579 = tpu.memref_squeeze %dma_wait3A_1578 : memref<1x128x256xf32, #tpu.memory_space<vmem>> -> memref<128x256xf32, #tpu.memory_space<vmem>>
    %dma_wait3A_1580 = arith.constant 0 : i32
    %dma_wait3A_1581 = tpu.memref_slice %arg10[%dma_wait3A_1574, %dma_wait3A_1580] : memref<8x128xi32, #tpu.memory_space<vmem>> -> memref<1x128xi32, #tpu.memory_space<vmem>>
    %dma_wait3A_1582 = tpu.memref_squeeze %dma_wait3A_1581 : memref<1x128xi32, #tpu.memory_space<vmem>> -> memref<128xi32, #tpu.memory_space<vmem>>
    %dma_wait3A_1583 = arith.constant 0 : i32
    %dma_wait3A_1584 = arith.constant 0 : i32
    %dma_wait3A_1585 = tpu.memref_slice %arg2[%dma_wait3A_1583, %dma_wait3A_1584] : memref<4096x256xf32, #tpu.memory_space<hbm>> -> memref<4096x256xf32, #tpu.memory_space<hbm>>
    tpu.wait_indirect_dma semaphore(%arg12 : memref<!tpu.dma_semaphore, #tpu.memory_space<semaphore_mem>>) src(%dma_wait3A_1585 : memref<4096x256xf32, #tpu.memory_space<hbm>>) dst(%dma_wait3A_1579 : memref<128x256xf32, #tpu.memory_space<vmem>>)
    %add3A_1586 = arith.constant 256 : i32
    %add3A_1587 = arith.addi %mul3A_2, %add3A_1586 : i32
    %dma_start3A_1588 = arith.constant 0 : i32
    %dma_start3A_1589 = arith.constant 0 : i32
    %dma_start3A_1590 = arith.constant 0 : i32
    %dma_start3A_1591 = tpu.memref_slice %arg11[%dma_start3A_1588, %dma_start3A_1589, %dma_start3A_1590] : memref<2x128x256xf32, #tpu.memory_space<vmem>> -> memref<1x128x256xf32, #tpu.memory_space<vmem>>
    %dma_start3A_1592 = tpu.memref_squeeze %dma_start3A_1591 : memref<1x128x256xf32, #tpu.memory_space<vmem>> -> memref<128x256xf32, #tpu.memory_space<vmem>>
    %dma_start3A_1593 = arith.constant 0 : i32
    %dma_start3A_1594 = tpu.memref_slice %arg6[%add3A_1587, %dma_start3A_1593] : memref<32768x256xf32, #tpu.memory_space<hbm>> -> memref<128x256xf32, #tpu.memory_space<hbm>>
    %dma_start3A_1595 = arith.constant 0 : i32
    %dma_start3A_1596 = tpu.memref_slice %arg6[%add3A_1587, %dma_start3A_1595] : memref<32768x256xf32, #tpu.memory_space<hbm>> -> memref<128x256xf32, #tpu.memory_space<hbm>>
    %dma_start3A_1597 = arith.constant 0 : i32
    %dma_start3A_1598 = arith.constant 0 : i32
    %dma_start3A_1599 = tpu.memref_slice %arg11[%dma_start3A_1588, %dma_start3A_1597, %dma_start3A_1598] : memref<2x128x256xf32, #tpu.memory_space<vmem>> -> memref<1x128x256xf32, #tpu.memory_space<vmem>>
    %dma_start3A_1600 = tpu.memref_squeeze %dma_start3A_1599 : memref<1x128x256xf32, #tpu.memory_space<vmem>> -> memref<128x256xf32, #tpu.memory_space<vmem>>
    tpu.enqueue_dma source(%dma_start3A_1600 : memref<128x256xf32, #tpu.memory_space<vmem>>) target(%dma_start3A_1596 : memref<128x256xf32, #tpu.memory_space<hbm>>) target_semaphore(%arg13 : memref<!tpu.dma_semaphore, #tpu.memory_space<semaphore_mem>>)
    %dma_wait3A_1601 = arith.constant 1 : i32
    %dma_wait3A_1602 = arith.constant 0 : i32
    %dma_wait3A_1603 = arith.constant 0 : i32
    %dma_wait3A_1604 = tpu.memref_slice %arg11[%dma_wait3A_1601, %dma_wait3A_1602, %dma_wait3A_1603] : memref<2x128x256xf32, #tpu.memory_space<vmem>> -> memref<1x128x256xf32, #tpu.memory_space<vmem>>
    %dma_wait3A_1605 = tpu.memref_squeeze %dma_wait3A_1604 : memref<1x128x256xf32, #tpu.memory_space<vmem>> -> memref<128x256xf32, #tpu.memory_space<vmem>>
    %dma_wait3A_1606 = arith.constant 0 : i32
    %dma_wait3A_1607 = tpu.memref_slice %arg6[%add3A_1535, %dma_wait3A_1606] : memref<32768x256xf32, #tpu.memory_space<hbm>> -> memref<128x256xf32, #tpu.memory_space<hbm>>
    %dma_wait3A_1608 = arith.constant 0 : i32
    %dma_wait3A_1609 = tpu.memref_slice %arg6[%add3A_1535, %dma_wait3A_1608] : memref<32768x256xf32, #tpu.memory_space<hbm>> -> memref<128x256xf32, #tpu.memory_space<hbm>>
    %dma_wait3A_1610 = arith.constant 0 : i32
    %dma_wait3A_1611 = arith.constant 0 : i32
    %dma_wait3A_1612 = tpu.memref_slice %arg11[%dma_wait3A_1601, %dma_wait3A_1610, %dma_wait3A_1611] : memref<2x128x256xf32, #tpu.memory_space<vmem>> -> memref<1x128x256xf32, #tpu.memory_space<vmem>>
    %dma_wait3A_1613 = tpu.memref_squeeze %dma_wait3A_1612 : memref<1x128x256xf32, #tpu.memory_space<vmem>> -> memref<128x256xf32, #tpu.memory_space<vmem>>
    tpu.wait_dma2 semaphore(%arg13 : memref<!tpu.dma_semaphore, #tpu.memory_space<semaphore_mem>>) src(%dma_wait3A_1613 : memref<128x256xf32, #tpu.memory_space<vmem>>) dst(%dma_wait3A_1609 : memref<128x256xf32, #tpu.memory_space<hbm>>)
    %dma_start3A_1614 = arith.constant 3 : i32
    %dma_start3A_1615 = arith.constant 1 : i32
    %dma_start3A_1616 = arith.constant 0 : i32
    %dma_start3A_1617 = arith.constant 0 : i32
    %dma_start3A_1618 = tpu.memref_slice %arg11[%dma_start3A_1615, %dma_start3A_1616, %dma_start3A_1617] : memref<2x128x256xf32, #tpu.memory_space<vmem>> -> memref<1x128x256xf32, #tpu.memory_space<vmem>>
    %dma_start3A_1619 = tpu.memref_squeeze %dma_start3A_1618 : memref<1x128x256xf32, #tpu.memory_space<vmem>> -> memref<128x256xf32, #tpu.memory_space<vmem>>
    %dma_start3A_1620 = arith.constant 0 : i32
    %dma_start3A_1621 = tpu.memref_slice %arg10[%dma_start3A_1614, %dma_start3A_1620] : memref<8x128xi32, #tpu.memory_space<vmem>> -> memref<1x128xi32, #tpu.memory_space<vmem>>
    %dma_start3A_1622 = tpu.memref_squeeze %dma_start3A_1621 : memref<1x128xi32, #tpu.memory_space<vmem>> -> memref<128xi32, #tpu.memory_space<vmem>>
    %dma_start3A_1623 = arith.constant 0 : i32
    %dma_start3A_1624 = arith.constant 0 : i32
    %dma_start3A_1625 = tpu.memref_slice %arg2[%dma_start3A_1623, %dma_start3A_1624] : memref<4096x256xf32, #tpu.memory_space<hbm>> -> memref<4096x256xf32, #tpu.memory_space<hbm>>
    tpu.enqueue_indirect_dma source(%dma_start3A_1625 : memref<4096x256xf32, #tpu.memory_space<hbm>>) target(%dma_start3A_1619 : memref<128x256xf32, #tpu.memory_space<vmem>>) offsets(%dma_start3A_1622 : memref<128xi32, #tpu.memory_space<vmem>>) semaphore(%arg12 : memref<!tpu.dma_semaphore, #tpu.memory_space<semaphore_mem>>)
    %dma_wait3A_1626 = arith.constant 3 : i32
    %dma_wait3A_1627 = arith.constant 1 : i32
    %dma_wait3A_1628 = arith.constant 0 : i32
    %dma_wait3A_1629 = arith.constant 0 : i32
    %dma_wait3A_1630 = tpu.memref_slice %arg11[%dma_wait3A_1627, %dma_wait3A_1628, %dma_wait3A_1629] : memref<2x128x256xf32, #tpu.memory_space<vmem>> -> memref<1x128x256xf32, #tpu.memory_space<vmem>>
    %dma_wait3A_1631 = tpu.memref_squeeze %dma_wait3A_1630 : memref<1x128x256xf32, #tpu.memory_space<vmem>> -> memref<128x256xf32, #tpu.memory_space<vmem>>
    %dma_wait3A_1632 = arith.constant 0 : i32
    %dma_wait3A_1633 = tpu.memref_slice %arg10[%dma_wait3A_1626, %dma_wait3A_1632] : memref<8x128xi32, #tpu.memory_space<vmem>> -> memref<1x128xi32, #tpu.memory_space<vmem>>
    %dma_wait3A_1634 = tpu.memref_squeeze %dma_wait3A_1633 : memref<1x128xi32, #tpu.memory_space<vmem>> -> memref<128xi32, #tpu.memory_space<vmem>>
    %dma_wait3A_1635 = arith.constant 0 : i32
    %dma_wait3A_1636 = arith.constant 0 : i32
    %dma_wait3A_1637 = tpu.memref_slice %arg2[%dma_wait3A_1635, %dma_wait3A_1636] : memref<4096x256xf32, #tpu.memory_space<hbm>> -> memref<4096x256xf32, #tpu.memory_space<hbm>>
    tpu.wait_indirect_dma semaphore(%arg12 : memref<!tpu.dma_semaphore, #tpu.memory_space<semaphore_mem>>) src(%dma_wait3A_1637 : memref<4096x256xf32, #tpu.memory_space<hbm>>) dst(%dma_wait3A_1631 : memref<128x256xf32, #tpu.memory_space<vmem>>)
    %add3A_1638 = arith.constant 384 : i32
    %add3A_1639 = arith.addi %mul3A_2, %add3A_1638 : i32
    %dma_start3A_1640 = arith.constant 1 : i32
    %dma_start3A_1641 = arith.constant 0 : i32
    %dma_start3A_1642 = arith.constant 0 : i32
    %dma_start3A_1643 = tpu.memref_slice %arg11[%dma_start3A_1640, %dma_start3A_1641, %dma_start3A_1642] : memref<2x128x256xf32, #tpu.memory_space<vmem>> -> memref<1x128x256xf32, #tpu.memory_space<vmem>>
    %dma_start3A_1644 = tpu.memref_squeeze %dma_start3A_1643 : memref<1x128x256xf32, #tpu.memory_space<vmem>> -> memref<128x256xf32, #tpu.memory_space<vmem>>
    %dma_start3A_1645 = arith.constant 0 : i32
    %dma_start3A_1646 = tpu.memref_slice %arg6[%add3A_1639, %dma_start3A_1645] : memref<32768x256xf32, #tpu.memory_space<hbm>> -> memref<128x256xf32, #tpu.memory_space<hbm>>
    %dma_start3A_1647 = arith.constant 0 : i32
    %dma_start3A_1648 = tpu.memref_slice %arg6[%add3A_1639, %dma_start3A_1647] : memref<32768x256xf32, #tpu.memory_space<hbm>> -> memref<128x256xf32, #tpu.memory_space<hbm>>
    %dma_start3A_1649 = arith.constant 0 : i32
    %dma_start3A_1650 = arith.constant 0 : i32
    %dma_start3A_1651 = tpu.memref_slice %arg11[%dma_start3A_1640, %dma_start3A_1649, %dma_start3A_1650] : memref<2x128x256xf32, #tpu.memory_space<vmem>> -> memref<1x128x256xf32, #tpu.memory_space<vmem>>
    %dma_start3A_1652 = tpu.memref_squeeze %dma_start3A_1651 : memref<1x128x256xf32, #tpu.memory_space<vmem>> -> memref<128x256xf32, #tpu.memory_space<vmem>>
    tpu.enqueue_dma source(%dma_start3A_1652 : memref<128x256xf32, #tpu.memory_space<vmem>>) target(%dma_start3A_1648 : memref<128x256xf32, #tpu.memory_space<hbm>>) target_semaphore(%arg13 : memref<!tpu.dma_semaphore, #tpu.memory_space<semaphore_mem>>)
    %dma_wait3A_1653 = arith.constant 0 : i32
    %dma_wait3A_1654 = arith.constant 0 : i32
    %dma_wait3A_1655 = arith.constant 0 : i32
    %dma_wait3A_1656 = tpu.memref_slice %arg11[%dma_wait3A_1653, %dma_wait3A_1654, %dma_wait3A_1655] : memref<2x128x256xf32, #tpu.memory_space<vmem>> -> memref<1x128x256xf32, #tpu.memory_space<vmem>>
    %dma_wait3A_1657 = tpu.memref_squeeze %dma_wait3A_1656 : memref<1x128x256xf32, #tpu.memory_space<vmem>> -> memref<128x256xf32, #tpu.memory_space<vmem>>
    %dma_wait3A_1658 = arith.constant 0 : i32
    %dma_wait3A_1659 = tpu.memref_slice %arg6[%add3A_1587, %dma_wait3A_1658] : memref<32768x256xf32, #tpu.memory_space<hbm>> -> memref<128x256xf32, #tpu.memory_space<hbm>>
    %dma_wait3A_1660 = arith.constant 0 : i32
    %dma_wait3A_1661 = tpu.memref_slice %arg6[%add3A_1587, %dma_wait3A_1660] : memref<32768x256xf32, #tpu.memory_space<hbm>> -> memref<128x256xf32, #tpu.memory_space<hbm>>
    %dma_wait3A_1662 = arith.constant 0 : i32
    %dma_wait3A_1663 = arith.constant 0 : i32
    %dma_wait3A_1664 = tpu.memref_slice %arg11[%dma_wait3A_1653, %dma_wait3A_1662, %dma_wait3A_1663] : memref<2x128x256xf32, #tpu.memory_space<vmem>> -> memref<1x128x256xf32, #tpu.memory_space<vmem>>
    %dma_wait3A_1665 = tpu.memref_squeeze %dma_wait3A_1664 : memref<1x128x256xf32, #tpu.memory_space<vmem>> -> memref<128x256xf32, #tpu.memory_space<vmem>>
    tpu.wait_dma2 semaphore(%arg13 : memref<!tpu.dma_semaphore, #tpu.memory_space<semaphore_mem>>) src(%dma_wait3A_1665 : memref<128x256xf32, #tpu.memory_space<vmem>>) dst(%dma_wait3A_1661 : memref<128x256xf32, #tpu.memory_space<hbm>>)
    %dma_start3A_1666 = arith.constant 4 : i32
    %dma_start3A_1667 = arith.constant 0 : i32
    %dma_start3A_1668 = arith.constant 0 : i32
    %dma_start3A_1669 = arith.constant 0 : i32
    %dma_start3A_1670 = tpu.memref_slice %arg11[%dma_start3A_1667, %dma_start3A_1668, %dma_start3A_1669] : memref<2x128x256xf32, #tpu.memory_space<vmem>> -> memref<1x128x256xf32, #tpu.memory_space<vmem>>
    %dma_start3A_1671 = tpu.memref_squeeze %dma_start3A_1670 : memref<1x128x256xf32, #tpu.memory_space<vmem>> -> memref<128x256xf32, #tpu.memory_space<vmem>>
    %dma_start3A_1672 = arith.constant 0 : i32
    %dma_start3A_1673 = tpu.memref_slice %arg10[%dma_start3A_1666, %dma_start3A_1672] : memref<8x128xi32, #tpu.memory_space<vmem>> -> memref<1x128xi32, #tpu.memory_space<vmem>>
    %dma_start3A_1674 = tpu.memref_squeeze %dma_start3A_1673 : memref<1x128xi32, #tpu.memory_space<vmem>> -> memref<128xi32, #tpu.memory_space<vmem>>
    %dma_start3A_1675 = arith.constant 0 : i32
    %dma_start3A_1676 = arith.constant 0 : i32
    %dma_start3A_1677 = tpu.memref_slice %arg2[%dma_start3A_1675, %dma_start3A_1676] : memref<4096x256xf32, #tpu.memory_space<hbm>> -> memref<4096x256xf32, #tpu.memory_space<hbm>>
    tpu.enqueue_indirect_dma source(%dma_start3A_1677 : memref<4096x256xf32, #tpu.memory_space<hbm>>) target(%dma_start3A_1671 : memref<128x256xf32, #tpu.memory_space<vmem>>) offsets(%dma_start3A_1674 : memref<128xi32, #tpu.memory_space<vmem>>) semaphore(%arg12 : memref<!tpu.dma_semaphore, #tpu.memory_space<semaphore_mem>>)
    %dma_wait3A_1678 = arith.constant 4 : i32
    %dma_wait3A_1679 = arith.constant 0 : i32
    %dma_wait3A_1680 = arith.constant 0 : i32
    %dma_wait3A_1681 = arith.constant 0 : i32
    %dma_wait3A_1682 = tpu.memref_slice %arg11[%dma_wait3A_1679, %dma_wait3A_1680, %dma_wait3A_1681] : memref<2x128x256xf32, #tpu.memory_space<vmem>> -> memref<1x128x256xf32, #tpu.memory_space<vmem>>
    %dma_wait3A_1683 = tpu.memref_squeeze %dma_wait3A_1682 : memref<1x128x256xf32, #tpu.memory_space<vmem>> -> memref<128x256xf32, #tpu.memory_space<vmem>>
    %dma_wait3A_1684 = arith.constant 0 : i32
    %dma_wait3A_1685 = tpu.memref_slice %arg10[%dma_wait3A_1678, %dma_wait3A_1684] : memref<8x128xi32, #tpu.memory_space<vmem>> -> memref<1x128xi32, #tpu.memory_space<vmem>>
    %dma_wait3A_1686 = tpu.memref_squeeze %dma_wait3A_1685 : memref<1x128xi32, #tpu.memory_space<vmem>> -> memref<128xi32, #tpu.memory_space<vmem>>
    %dma_wait3A_1687 = arith.constant 0 : i32
    %dma_wait3A_1688 = arith.constant 0 : i32
    %dma_wait3A_1689 = tpu.memref_slice %arg2[%dma_wait3A_1687, %dma_wait3A_1688] : memref<4096x256xf32, #tpu.memory_space<hbm>> -> memref<4096x256xf32, #tpu.memory_space<hbm>>
    tpu.wait_indirect_dma semaphore(%arg12 : memref<!tpu.dma_semaphore, #tpu.memory_space<semaphore_mem>>) src(%dma_wait3A_1689 : memref<4096x256xf32, #tpu.memory_space<hbm>>) dst(%dma_wait3A_1683 : memref<128x256xf32, #tpu.memory_space<vmem>>)
    %add3A_1690 = arith.constant 512 : i32
    %add3A_1691 = arith.addi %mul3A_2, %add3A_1690 : i32
    %dma_start3A_1692 = arith.constant 0 : i32
    %dma_start3A_1693 = arith.constant 0 : i32
    %dma_start3A_1694 = arith.constant 0 : i32
    %dma_start3A_1695 = tpu.memref_slice %arg11[%dma_start3A_1692, %dma_start3A_1693, %dma_start3A_1694] : memref<2x128x256xf32, #tpu.memory_space<vmem>> -> memref<1x128x256xf32, #tpu.memory_space<vmem>>
    %dma_start3A_1696 = tpu.memref_squeeze %dma_start3A_1695 : memref<1x128x256xf32, #tpu.memory_space<vmem>> -> memref<128x256xf32, #tpu.memory_space<vmem>>
    %dma_start3A_1697 = arith.constant 0 : i32
    %dma_start3A_1698 = tpu.memref_slice %arg6[%add3A_1691, %dma_start3A_1697] : memref<32768x256xf32, #tpu.memory_space<hbm>> -> memref<128x256xf32, #tpu.memory_space<hbm>>
    %dma_start3A_1699 = arith.constant 0 : i32
    %dma_start3A_1700 = tpu.memref_slice %arg6[%add3A_1691, %dma_start3A_1699] : memref<32768x256xf32, #tpu.memory_space<hbm>> -> memref<128x256xf32, #tpu.memory_space<hbm>>
    %dma_start3A_1701 = arith.constant 0 : i32
    %dma_start3A_1702 = arith.constant 0 : i32
    %dma_start3A_1703 = tpu.memref_slice %arg11[%dma_start3A_1692, %dma_start3A_1701, %dma_start3A_1702] : memref<2x128x256xf32, #tpu.memory_space<vmem>> -> memref<1x128x256xf32, #tpu.memory_space<vmem>>
    %dma_start3A_1704 = tpu.memref_squeeze %dma_start3A_1703 : memref<1x128x256xf32, #tpu.memory_space<vmem>> -> memref<128x256xf32, #tpu.memory_space<vmem>>
    tpu.enqueue_dma source(%dma_start3A_1704 : memref<128x256xf32, #tpu.memory_space<vmem>>) target(%dma_start3A_1700 : memref<128x256xf32, #tpu.memory_space<hbm>>) target_semaphore(%arg13 : memref<!tpu.dma_semaphore, #tpu.memory_space<semaphore_mem>>)
    %dma_wait3A_1705 = arith.constant 1 : i32
    %dma_wait3A_1706 = arith.constant 0 : i32
    %dma_wait3A_1707 = arith.constant 0 : i32
    %dma_wait3A_1708 = tpu.memref_slice %arg11[%dma_wait3A_1705, %dma_wait3A_1706, %dma_wait3A_1707] : memref<2x128x256xf32, #tpu.memory_space<vmem>> -> memref<1x128x256xf32, #tpu.memory_space<vmem>>
    %dma_wait3A_1709 = tpu.memref_squeeze %dma_wait3A_1708 : memref<1x128x256xf32, #tpu.memory_space<vmem>> -> memref<128x256xf32, #tpu.memory_space<vmem>>
    %dma_wait3A_1710 = arith.constant 0 : i32
    %dma_wait3A_1711 = tpu.memref_slice %arg6[%add3A_1639, %dma_wait3A_1710] : memref<32768x256xf32, #tpu.memory_space<hbm>> -> memref<128x256xf32, #tpu.memory_space<hbm>>
    %dma_wait3A_1712 = arith.constant 0 : i32
    %dma_wait3A_1713 = tpu.memref_slice %arg6[%add3A_1639, %dma_wait3A_1712] : memref<32768x256xf32, #tpu.memory_space<hbm>> -> memref<128x256xf32, #tpu.memory_space<hbm>>
    %dma_wait3A_1714 = arith.constant 0 : i32
    %dma_wait3A_1715 = arith.constant 0 : i32
    %dma_wait3A_1716 = tpu.memref_slice %arg11[%dma_wait3A_1705, %dma_wait3A_1714, %dma_wait3A_1715] : memref<2x128x256xf32, #tpu.memory_space<vmem>> -> memref<1x128x256xf32, #tpu.memory_space<vmem>>
    %dma_wait3A_1717 = tpu.memref_squeeze %dma_wait3A_1716 : memref<1x128x256xf32, #tpu.memory_space<vmem>> -> memref<128x256xf32, #tpu.memory_space<vmem>>
    tpu.wait_dma2 semaphore(%arg13 : memref<!tpu.dma_semaphore, #tpu.memory_space<semaphore_mem>>) src(%dma_wait3A_1717 : memref<128x256xf32, #tpu.memory_space<vmem>>) dst(%dma_wait3A_1713 : memref<128x256xf32, #tpu.memory_space<hbm>>)
    %dma_start3A_1718 = arith.constant 5 : i32
    %dma_start3A_1719 = arith.constant 1 : i32
    %dma_start3A_1720 = arith.constant 0 : i32
    %dma_start3A_1721 = arith.constant 0 : i32
    %dma_start3A_1722 = tpu.memref_slice %arg11[%dma_start3A_1719, %dma_start3A_1720, %dma_start3A_1721] : memref<2x128x256xf32, #tpu.memory_space<vmem>> -> memref<1x128x256xf32, #tpu.memory_space<vmem>>
    %dma_start3A_1723 = tpu.memref_squeeze %dma_start3A_1722 : memref<1x128x256xf32, #tpu.memory_space<vmem>> -> memref<128x256xf32, #tpu.memory_space<vmem>>
    %dma_start3A_1724 = arith.constant 0 : i32
    %dma_start3A_1725 = tpu.memref_slice %arg10[%dma_start3A_1718, %dma_start3A_1724] : memref<8x128xi32, #tpu.memory_space<vmem>> -> memref<1x128xi32, #tpu.memory_space<vmem>>
    %dma_start3A_1726 = tpu.memref_squeeze %dma_start3A_1725 : memref<1x128xi32, #tpu.memory_space<vmem>> -> memref<128xi32, #tpu.memory_space<vmem>>
    %dma_start3A_1727 = arith.constant 0 : i32
    %dma_start3A_1728 = arith.constant 0 : i32
    %dma_start3A_1729 = tpu.memref_slice %arg2[%dma_start3A_1727, %dma_start3A_1728] : memref<4096x256xf32, #tpu.memory_space<hbm>> -> memref<4096x256xf32, #tpu.memory_space<hbm>>
    tpu.enqueue_indirect_dma source(%dma_start3A_1729 : memref<4096x256xf32, #tpu.memory_space<hbm>>) target(%dma_start3A_1723 : memref<128x256xf32, #tpu.memory_space<vmem>>) offsets(%dma_start3A_1726 : memref<128xi32, #tpu.memory_space<vmem>>) semaphore(%arg12 : memref<!tpu.dma_semaphore, #tpu.memory_space<semaphore_mem>>)
    %dma_wait3A_1730 = arith.constant 5 : i32
    %dma_wait3A_1731 = arith.constant 1 : i32
    %dma_wait3A_1732 = arith.constant 0 : i32
    %dma_wait3A_1733 = arith.constant 0 : i32
    %dma_wait3A_1734 = tpu.memref_slice %arg11[%dma_wait3A_1731, %dma_wait3A_1732, %dma_wait3A_1733] : memref<2x128x256xf32, #tpu.memory_space<vmem>> -> memref<1x128x256xf32, #tpu.memory_space<vmem>>
    %dma_wait3A_1735 = tpu.memref_squeeze %dma_wait3A_1734 : memref<1x128x256xf32, #tpu.memory_space<vmem>> -> memref<128x256xf32, #tpu.memory_space<vmem>>
    %dma_wait3A_1736 = arith.constant 0 : i32
    %dma_wait3A_1737 = tpu.memref_slice %arg10[%dma_wait3A_1730, %dma_wait3A_1736] : memref<8x128xi32, #tpu.memory_space<vmem>> -> memref<1x128xi32, #tpu.memory_space<vmem>>
    %dma_wait3A_1738 = tpu.memref_squeeze %dma_wait3A_1737 : memref<1x128xi32, #tpu.memory_space<vmem>> -> memref<128xi32, #tpu.memory_space<vmem>>
    %dma_wait3A_1739 = arith.constant 0 : i32
    %dma_wait3A_1740 = arith.constant 0 : i32
    %dma_wait3A_1741 = tpu.memref_slice %arg2[%dma_wait3A_1739, %dma_wait3A_1740] : memref<4096x256xf32, #tpu.memory_space<hbm>> -> memref<4096x256xf32, #tpu.memory_space<hbm>>
    tpu.wait_indirect_dma semaphore(%arg12 : memref<!tpu.dma_semaphore, #tpu.memory_space<semaphore_mem>>) src(%dma_wait3A_1741 : memref<4096x256xf32, #tpu.memory_space<hbm>>) dst(%dma_wait3A_1735 : memref<128x256xf32, #tpu.memory_space<vmem>>)
    %add3A_1742 = arith.constant 640 : i32
    %add3A_1743 = arith.addi %mul3A_2, %add3A_1742 : i32
    %dma_start3A_1744 = arith.constant 1 : i32
    %dma_start3A_1745 = arith.constant 0 : i32
    %dma_start3A_1746 = arith.constant 0 : i32
    %dma_start3A_1747 = tpu.memref_slice %arg11[%dma_start3A_1744, %dma_start3A_1745, %dma_start3A_1746] : memref<2x128x256xf32, #tpu.memory_space<vmem>> -> memref<1x128x256xf32, #tpu.memory_space<vmem>>
    %dma_start3A_1748 = tpu.memref_squeeze %dma_start3A_1747 : memref<1x128x256xf32, #tpu.memory_space<vmem>> -> memref<128x256xf32, #tpu.memory_space<vmem>>
    %dma_start3A_1749 = arith.constant 0 : i32
    %dma_start3A_1750 = tpu.memref_slice %arg6[%add3A_1743, %dma_start3A_1749] : memref<32768x256xf32, #tpu.memory_space<hbm>> -> memref<128x256xf32, #tpu.memory_space<hbm>>
    %dma_start3A_1751 = arith.constant 0 : i32
    %dma_start3A_1752 = tpu.memref_slice %arg6[%add3A_1743, %dma_start3A_1751] : memref<32768x256xf32, #tpu.memory_space<hbm>> -> memref<128x256xf32, #tpu.memory_space<hbm>>
    %dma_start3A_1753 = arith.constant 0 : i32
    %dma_start3A_1754 = arith.constant 0 : i32
    %dma_start3A_1755 = tpu.memref_slice %arg11[%dma_start3A_1744, %dma_start3A_1753, %dma_start3A_1754] : memref<2x128x256xf32, #tpu.memory_space<vmem>> -> memref<1x128x256xf32, #tpu.memory_space<vmem>>
    %dma_start3A_1756 = tpu.memref_squeeze %dma_start3A_1755 : memref<1x128x256xf32, #tpu.memory_space<vmem>> -> memref<128x256xf32, #tpu.memory_space<vmem>>
    tpu.enqueue_dma source(%dma_start3A_1756 : memref<128x256xf32, #tpu.memory_space<vmem>>) target(%dma_start3A_1752 : memref<128x256xf32, #tpu.memory_space<hbm>>) target_semaphore(%arg13 : memref<!tpu.dma_semaphore, #tpu.memory_space<semaphore_mem>>)
    %dma_wait3A_1757 = arith.constant 0 : i32
    %dma_wait3A_1758 = arith.constant 0 : i32
    %dma_wait3A_1759 = arith.constant 0 : i32
    %dma_wait3A_1760 = tpu.memref_slice %arg11[%dma_wait3A_1757, %dma_wait3A_1758, %dma_wait3A_1759] : memref<2x128x256xf32, #tpu.memory_space<vmem>> -> memref<1x128x256xf32, #tpu.memory_space<vmem>>
    %dma_wait3A_1761 = tpu.memref_squeeze %dma_wait3A_1760 : memref<1x128x256xf32, #tpu.memory_space<vmem>> -> memref<128x256xf32, #tpu.memory_space<vmem>>
    %dma_wait3A_1762 = arith.constant 0 : i32
    %dma_wait3A_1763 = tpu.memref_slice %arg6[%add3A_1691, %dma_wait3A_1762] : memref<32768x256xf32, #tpu.memory_space<hbm>> -> memref<128x256xf32, #tpu.memory_space<hbm>>
    %dma_wait3A_1764 = arith.constant 0 : i32
    %dma_wait3A_1765 = tpu.memref_slice %arg6[%add3A_1691, %dma_wait3A_1764] : memref<32768x256xf32, #tpu.memory_space<hbm>> -> memref<128x256xf32, #tpu.memory_space<hbm>>
    %dma_wait3A_1766 = arith.constant 0 : i32
    %dma_wait3A_1767 = arith.constant 0 : i32
    %dma_wait3A_1768 = tpu.memref_slice %arg11[%dma_wait3A_1757, %dma_wait3A_1766, %dma_wait3A_1767] : memref<2x128x256xf32, #tpu.memory_space<vmem>> -> memref<1x128x256xf32, #tpu.memory_space<vmem>>
    %dma_wait3A_1769 = tpu.memref_squeeze %dma_wait3A_1768 : memref<1x128x256xf32, #tpu.memory_space<vmem>> -> memref<128x256xf32, #tpu.memory_space<vmem>>
    tpu.wait_dma2 semaphore(%arg13 : memref<!tpu.dma_semaphore, #tpu.memory_space<semaphore_mem>>) src(%dma_wait3A_1769 : memref<128x256xf32, #tpu.memory_space<vmem>>) dst(%dma_wait3A_1765 : memref<128x256xf32, #tpu.memory_space<hbm>>)
    %dma_start3A_1770 = arith.constant 6 : i32
    %dma_start3A_1771 = arith.constant 0 : i32
    %dma_start3A_1772 = arith.constant 0 : i32
    %dma_start3A_1773 = arith.constant 0 : i32
    %dma_start3A_1774 = tpu.memref_slice %arg11[%dma_start3A_1771, %dma_start3A_1772, %dma_start3A_1773] : memref<2x128x256xf32, #tpu.memory_space<vmem>> -> memref<1x128x256xf32, #tpu.memory_space<vmem>>
    %dma_start3A_1775 = tpu.memref_squeeze %dma_start3A_1774 : memref<1x128x256xf32, #tpu.memory_space<vmem>> -> memref<128x256xf32, #tpu.memory_space<vmem>>
    %dma_start3A_1776 = arith.constant 0 : i32
    %dma_start3A_1777 = tpu.memref_slice %arg10[%dma_start3A_1770, %dma_start3A_1776] : memref<8x128xi32, #tpu.memory_space<vmem>> -> memref<1x128xi32, #tpu.memory_space<vmem>>
    %dma_start3A_1778 = tpu.memref_squeeze %dma_start3A_1777 : memref<1x128xi32, #tpu.memory_space<vmem>> -> memref<128xi32, #tpu.memory_space<vmem>>
    %dma_start3A_1779 = arith.constant 0 : i32
    %dma_start3A_1780 = arith.constant 0 : i32
    %dma_start3A_1781 = tpu.memref_slice %arg2[%dma_start3A_1779, %dma_start3A_1780] : memref<4096x256xf32, #tpu.memory_space<hbm>> -> memref<4096x256xf32, #tpu.memory_space<hbm>>
    tpu.enqueue_indirect_dma source(%dma_start3A_1781 : memref<4096x256xf32, #tpu.memory_space<hbm>>) target(%dma_start3A_1775 : memref<128x256xf32, #tpu.memory_space<vmem>>) offsets(%dma_start3A_1778 : memref<128xi32, #tpu.memory_space<vmem>>) semaphore(%arg12 : memref<!tpu.dma_semaphore, #tpu.memory_space<semaphore_mem>>)
    %dma_wait3A_1782 = arith.constant 6 : i32
    %dma_wait3A_1783 = arith.constant 0 : i32
    %dma_wait3A_1784 = arith.constant 0 : i32
    %dma_wait3A_1785 = arith.constant 0 : i32
    %dma_wait3A_1786 = tpu.memref_slice %arg11[%dma_wait3A_1783, %dma_wait3A_1784, %dma_wait3A_1785] : memref<2x128x256xf32, #tpu.memory_space<vmem>> -> memref<1x128x256xf32, #tpu.memory_space<vmem>>
    %dma_wait3A_1787 = tpu.memref_squeeze %dma_wait3A_1786 : memref<1x128x256xf32, #tpu.memory_space<vmem>> -> memref<128x256xf32, #tpu.memory_space<vmem>>
    %dma_wait3A_1788 = arith.constant 0 : i32
    %dma_wait3A_1789 = tpu.memref_slice %arg10[%dma_wait3A_1782, %dma_wait3A_1788] : memref<8x128xi32, #tpu.memory_space<vmem>> -> memref<1x128xi32, #tpu.memory_space<vmem>>
    %dma_wait3A_1790 = tpu.memref_squeeze %dma_wait3A_1789 : memref<1x128xi32, #tpu.memory_space<vmem>> -> memref<128xi32, #tpu.memory_space<vmem>>
    %dma_wait3A_1791 = arith.constant 0 : i32
    %dma_wait3A_1792 = arith.constant 0 : i32
    %dma_wait3A_1793 = tpu.memref_slice %arg2[%dma_wait3A_1791, %dma_wait3A_1792] : memref<4096x256xf32, #tpu.memory_space<hbm>> -> memref<4096x256xf32, #tpu.memory_space<hbm>>
    tpu.wait_indirect_dma semaphore(%arg12 : memref<!tpu.dma_semaphore, #tpu.memory_space<semaphore_mem>>) src(%dma_wait3A_1793 : memref<4096x256xf32, #tpu.memory_space<hbm>>) dst(%dma_wait3A_1787 : memref<128x256xf32, #tpu.memory_space<vmem>>)
    %add3A_1794 = arith.constant 768 : i32
    %add3A_1795 = arith.addi %mul3A_2, %add3A_1794 : i32
    %dma_start3A_1796 = arith.constant 0 : i32
    %dma_start3A_1797 = arith.constant 0 : i32
    %dma_start3A_1798 = arith.constant 0 : i32
    %dma_start3A_1799 = tpu.memref_slice %arg11[%dma_start3A_1796, %dma_start3A_1797, %dma_start3A_1798] : memref<2x128x256xf32, #tpu.memory_space<vmem>> -> memref<1x128x256xf32, #tpu.memory_space<vmem>>
    %dma_start3A_1800 = tpu.memref_squeeze %dma_start3A_1799 : memref<1x128x256xf32, #tpu.memory_space<vmem>> -> memref<128x256xf32, #tpu.memory_space<vmem>>
    %dma_start3A_1801 = arith.constant 0 : i32
    %dma_start3A_1802 = tpu.memref_slice %arg6[%add3A_1795, %dma_start3A_1801] : memref<32768x256xf32, #tpu.memory_space<hbm>> -> memref<128x256xf32, #tpu.memory_space<hbm>>
    %dma_start3A_1803 = arith.constant 0 : i32
    %dma_start3A_1804 = tpu.memref_slice %arg6[%add3A_1795, %dma_start3A_1803] : memref<32768x256xf32, #tpu.memory_space<hbm>> -> memref<128x256xf32, #tpu.memory_space<hbm>>
    %dma_start3A_1805 = arith.constant 0 : i32
    %dma_start3A_1806 = arith.constant 0 : i32
    %dma_start3A_1807 = tpu.memref_slice %arg11[%dma_start3A_1796, %dma_start3A_1805, %dma_start3A_1806] : memref<2x128x256xf32, #tpu.memory_space<vmem>> -> memref<1x128x256xf32, #tpu.memory_space<vmem>>
    %dma_start3A_1808 = tpu.memref_squeeze %dma_start3A_1807 : memref<1x128x256xf32, #tpu.memory_space<vmem>> -> memref<128x256xf32, #tpu.memory_space<vmem>>
    tpu.enqueue_dma source(%dma_start3A_1808 : memref<128x256xf32, #tpu.memory_space<vmem>>) target(%dma_start3A_1804 : memref<128x256xf32, #tpu.memory_space<hbm>>) target_semaphore(%arg13 : memref<!tpu.dma_semaphore, #tpu.memory_space<semaphore_mem>>)
    %dma_wait3A_1809 = arith.constant 1 : i32
    %dma_wait3A_1810 = arith.constant 0 : i32
    %dma_wait3A_1811 = arith.constant 0 : i32
    %dma_wait3A_1812 = tpu.memref_slice %arg11[%dma_wait3A_1809, %dma_wait3A_1810, %dma_wait3A_1811] : memref<2x128x256xf32, #tpu.memory_space<vmem>> -> memref<1x128x256xf32, #tpu.memory_space<vmem>>
    %dma_wait3A_1813 = tpu.memref_squeeze %dma_wait3A_1812 : memref<1x128x256xf32, #tpu.memory_space<vmem>> -> memref<128x256xf32, #tpu.memory_space<vmem>>
    %dma_wait3A_1814 = arith.constant 0 : i32
    %dma_wait3A_1815 = tpu.memref_slice %arg6[%add3A_1743, %dma_wait3A_1814] : memref<32768x256xf32, #tpu.memory_space<hbm>> -> memref<128x256xf32, #tpu.memory_space<hbm>>
    %dma_wait3A_1816 = arith.constant 0 : i32
    %dma_wait3A_1817 = tpu.memref_slice %arg6[%add3A_1743, %dma_wait3A_1816] : memref<32768x256xf32, #tpu.memory_space<hbm>> -> memref<128x256xf32, #tpu.memory_space<hbm>>
    %dma_wait3A_1818 = arith.constant 0 : i32
    %dma_wait3A_1819 = arith.constant 0 : i32
    %dma_wait3A_1820 = tpu.memref_slice %arg11[%dma_wait3A_1809, %dma_wait3A_1818, %dma_wait3A_1819] : memref<2x128x256xf32, #tpu.memory_space<vmem>> -> memref<1x128x256xf32, #tpu.memory_space<vmem>>
    %dma_wait3A_1821 = tpu.memref_squeeze %dma_wait3A_1820 : memref<1x128x256xf32, #tpu.memory_space<vmem>> -> memref<128x256xf32, #tpu.memory_space<vmem>>
    tpu.wait_dma2 semaphore(%arg13 : memref<!tpu.dma_semaphore, #tpu.memory_space<semaphore_mem>>) src(%dma_wait3A_1821 : memref<128x256xf32, #tpu.memory_space<vmem>>) dst(%dma_wait3A_1817 : memref<128x256xf32, #tpu.memory_space<hbm>>)
    %dma_start3A_1822 = arith.constant 7 : i32
    %dma_start3A_1823 = arith.constant 1 : i32
    %dma_start3A_1824 = arith.constant 0 : i32
    %dma_start3A_1825 = arith.constant 0 : i32
    %dma_start3A_1826 = tpu.memref_slice %arg11[%dma_start3A_1823, %dma_start3A_1824, %dma_start3A_1825] : memref<2x128x256xf32, #tpu.memory_space<vmem>> -> memref<1x128x256xf32, #tpu.memory_space<vmem>>
    %dma_start3A_1827 = tpu.memref_squeeze %dma_start3A_1826 : memref<1x128x256xf32, #tpu.memory_space<vmem>> -> memref<128x256xf32, #tpu.memory_space<vmem>>
    %dma_start3A_1828 = arith.constant 0 : i32
    %dma_start3A_1829 = tpu.memref_slice %arg10[%dma_start3A_1822, %dma_start3A_1828] : memref<8x128xi32, #tpu.memory_space<vmem>> -> memref<1x128xi32, #tpu.memory_space<vmem>>
    %dma_start3A_1830 = tpu.memref_squeeze %dma_start3A_1829 : memref<1x128xi32, #tpu.memory_space<vmem>> -> memref<128xi32, #tpu.memory_space<vmem>>
    %dma_start3A_1831 = arith.constant 0 : i32
    %dma_start3A_1832 = arith.constant 0 : i32
    %dma_start3A_1833 = tpu.memref_slice %arg2[%dma_start3A_1831, %dma_start3A_1832] : memref<4096x256xf32, #tpu.memory_space<hbm>> -> memref<4096x256xf32, #tpu.memory_space<hbm>>
    tpu.enqueue_indirect_dma source(%dma_start3A_1833 : memref<4096x256xf32, #tpu.memory_space<hbm>>) target(%dma_start3A_1827 : memref<128x256xf32, #tpu.memory_space<vmem>>) offsets(%dma_start3A_1830 : memref<128xi32, #tpu.memory_space<vmem>>) semaphore(%arg12 : memref<!tpu.dma_semaphore, #tpu.memory_space<semaphore_mem>>)
    %dma_wait3A_1834 = arith.constant 7 : i32
    %dma_wait3A_1835 = arith.constant 1 : i32
    %dma_wait3A_1836 = arith.constant 0 : i32
    %dma_wait3A_1837 = arith.constant 0 : i32
    %dma_wait3A_1838 = tpu.memref_slice %arg11[%dma_wait3A_1835, %dma_wait3A_1836, %dma_wait3A_1837] : memref<2x128x256xf32, #tpu.memory_space<vmem>> -> memref<1x128x256xf32, #tpu.memory_space<vmem>>
    %dma_wait3A_1839 = tpu.memref_squeeze %dma_wait3A_1838 : memref<1x128x256xf32, #tpu.memory_space<vmem>> -> memref<128x256xf32, #tpu.memory_space<vmem>>
    %dma_wait3A_1840 = arith.constant 0 : i32
    %dma_wait3A_1841 = tpu.memref_slice %arg10[%dma_wait3A_1834, %dma_wait3A_1840] : memref<8x128xi32, #tpu.memory_space<vmem>> -> memref<1x128xi32, #tpu.memory_space<vmem>>
    %dma_wait3A_1842 = tpu.memref_squeeze %dma_wait3A_1841 : memref<1x128xi32, #tpu.memory_space<vmem>> -> memref<128xi32, #tpu.memory_space<vmem>>
    %dma_wait3A_1843 = arith.constant 0 : i32
    %dma_wait3A_1844 = arith.constant 0 : i32
    %dma_wait3A_1845 = tpu.memref_slice %arg2[%dma_wait3A_1843, %dma_wait3A_1844] : memref<4096x256xf32, #tpu.memory_space<hbm>> -> memref<4096x256xf32, #tpu.memory_space<hbm>>
    tpu.wait_indirect_dma semaphore(%arg12 : memref<!tpu.dma_semaphore, #tpu.memory_space<semaphore_mem>>) src(%dma_wait3A_1845 : memref<4096x256xf32, #tpu.memory_space<hbm>>) dst(%dma_wait3A_1839 : memref<128x256xf32, #tpu.memory_space<vmem>>)
    %add3A_1846 = arith.constant 896 : i32
    %add3A_1847 = arith.addi %mul3A_2, %add3A_1846 : i32
    %dma_start3A_1848 = arith.constant 1 : i32
    %dma_start3A_1849 = arith.constant 0 : i32
    %dma_start3A_1850 = arith.constant 0 : i32
    %dma_start3A_1851 = tpu.memref_slice %arg11[%dma_start3A_1848, %dma_start3A_1849, %dma_start3A_1850] : memref<2x128x256xf32, #tpu.memory_space<vmem>> -> memref<1x128x256xf32, #tpu.memory_space<vmem>>
    %dma_start3A_1852 = tpu.memref_squeeze %dma_start3A_1851 : memref<1x128x256xf32, #tpu.memory_space<vmem>> -> memref<128x256xf32, #tpu.memory_space<vmem>>
    %dma_start3A_1853 = arith.constant 0 : i32
    %dma_start3A_1854 = tpu.memref_slice %arg6[%add3A_1847, %dma_start3A_1853] : memref<32768x256xf32, #tpu.memory_space<hbm>> -> memref<128x256xf32, #tpu.memory_space<hbm>>
    %dma_start3A_1855 = arith.constant 0 : i32
    %dma_start3A_1856 = tpu.memref_slice %arg6[%add3A_1847, %dma_start3A_1855] : memref<32768x256xf32, #tpu.memory_space<hbm>> -> memref<128x256xf32, #tpu.memory_space<hbm>>
    %dma_start3A_1857 = arith.constant 0 : i32
    %dma_start3A_1858 = arith.constant 0 : i32
    %dma_start3A_1859 = tpu.memref_slice %arg11[%dma_start3A_1848, %dma_start3A_1857, %dma_start3A_1858] : memref<2x128x256xf32, #tpu.memory_space<vmem>> -> memref<1x128x256xf32, #tpu.memory_space<vmem>>
    %dma_start3A_1860 = tpu.memref_squeeze %dma_start3A_1859 : memref<1x128x256xf32, #tpu.memory_space<vmem>> -> memref<128x256xf32, #tpu.memory_space<vmem>>
    tpu.enqueue_dma source(%dma_start3A_1860 : memref<128x256xf32, #tpu.memory_space<vmem>>) target(%dma_start3A_1856 : memref<128x256xf32, #tpu.memory_space<hbm>>) target_semaphore(%arg13 : memref<!tpu.dma_semaphore, #tpu.memory_space<semaphore_mem>>)
    %dma_wait3A_1861 = arith.constant 0 : i32
    %dma_wait3A_1862 = arith.constant 0 : i32
    %dma_wait3A_1863 = arith.constant 0 : i32
    %dma_wait3A_1864 = tpu.memref_slice %arg11[%dma_wait3A_1861, %dma_wait3A_1862, %dma_wait3A_1863] : memref<2x128x256xf32, #tpu.memory_space<vmem>> -> memref<1x128x256xf32, #tpu.memory_space<vmem>>
    %dma_wait3A_1865 = tpu.memref_squeeze %dma_wait3A_1864 : memref<1x128x256xf32, #tpu.memory_space<vmem>> -> memref<128x256xf32, #tpu.memory_space<vmem>>
    %dma_wait3A_1866 = arith.constant 0 : i32
    %dma_wait3A_1867 = tpu.memref_slice %arg6[%add3A_1795, %dma_wait3A_1866] : memref<32768x256xf32, #tpu.memory_space<hbm>> -> memref<128x256xf32, #tpu.memory_space<hbm>>
    %dma_wait3A_1868 = arith.constant 0 : i32
    %dma_wait3A_1869 = tpu.memref_slice %arg6[%add3A_1795, %dma_wait3A_1868] : memref<32768x256xf32, #tpu.memory_space<hbm>> -> memref<128x256xf32, #tpu.memory_space<hbm>>
    %dma_wait3A_1870 = arith.constant 0 : i32
    %dma_wait3A_1871 = arith.constant 0 : i32
    %dma_wait3A_1872 = tpu.memref_slice %arg11[%dma_wait3A_1861, %dma_wait3A_1870, %dma_wait3A_1871] : memref<2x128x256xf32, #tpu.memory_space<vmem>> -> memref<1x128x256xf32, #tpu.memory_space<vmem>>
    %dma_wait3A_1873 = tpu.memref_squeeze %dma_wait3A_1872 : memref<1x128x256xf32, #tpu.memory_space<vmem>> -> memref<128x256xf32, #tpu.memory_space<vmem>>
    tpu.wait_dma2 semaphore(%arg13 : memref<!tpu.dma_semaphore, #tpu.memory_space<semaphore_mem>>) src(%dma_wait3A_1873 : memref<128x256xf32, #tpu.memory_space<vmem>>) dst(%dma_wait3A_1869 : memref<128x256xf32, #tpu.memory_space<hbm>>)
    %dma_wait3A_1874 = arith.constant 1 : i32
    %dma_wait3A_1875 = arith.constant 0 : i32
    %dma_wait3A_1876 = arith.constant 0 : i32
    %dma_wait3A_1877 = tpu.memref_slice %arg11[%dma_wait3A_1874, %dma_wait3A_1875, %dma_wait3A_1876] : memref<2x128x256xf32, #tpu.memory_space<vmem>> -> memref<1x128x256xf32, #tpu.memory_space<vmem>>
    %dma_wait3A_1878 = tpu.memref_squeeze %dma_wait3A_1877 : memref<1x128x256xf32, #tpu.memory_space<vmem>> -> memref<128x256xf32, #tpu.memory_space<vmem>>
    %dma_wait3A_1879 = arith.constant 0 : i32
    %dma_wait3A_1880 = tpu.memref_slice %arg6[%add3A_1847, %dma_wait3A_1879] : memref<32768x256xf32, #tpu.memory_space<hbm>> -> memref<128x256xf32, #tpu.memory_space<hbm>>
    %dma_wait3A_1881 = arith.constant 0 : i32
    %dma_wait3A_1882 = tpu.memref_slice %arg6[%add3A_1847, %dma_wait3A_1881] : memref<32768x256xf32, #tpu.memory_space<hbm>> -> memref<128x256xf32, #tpu.memory_space<hbm>>
    %dma_wait3A_1883 = arith.constant 0 : i32
    %dma_wait3A_1884 = arith.constant 0 : i32
    %dma_wait3A_1885 = tpu.memref_slice %arg11[%dma_wait3A_1874, %dma_wait3A_1883, %dma_wait3A_1884] : memref<2x128x256xf32, #tpu.memory_space<vmem>> -> memref<1x128x256xf32, #tpu.memory_space<vmem>>
    %dma_wait3A_1886 = tpu.memref_squeeze %dma_wait3A_1885 : memref<1x128x256xf32, #tpu.memory_space<vmem>> -> memref<128x256xf32, #tpu.memory_space<vmem>>
    tpu.wait_dma2 semaphore(%arg13 : memref<!tpu.dma_semaphore, #tpu.memory_space<semaphore_mem>>) src(%dma_wait3A_1886 : memref<128x256xf32, #tpu.memory_space<vmem>>) dst(%dma_wait3A_1882 : memref<128x256xf32, #tpu.memory_space<hbm>>)
    return
  }
}

module attributes {stable_mosaic.version = 14 : i64} {
  func.func @_combo_body(%arg0: memref<16x1xf32, #tpu.memory_space<vmem>>, %arg1: memref<16x1xf32, #tpu.memory_space<vmem>>, %arg2: memref<16x1xf32, #tpu.memory_space<vmem>>, %arg3: memref<4096x256xf32, #tpu.memory_space<vmem>>) attributes {dimension_semantics = [], scalar_prefetch = 0 : i64, scratch_operands = 0 : i64, tpu.core_type = #tpu.core_type<tc>} {
    %get3A = arith.constant 0 : index
    %get3A_0 = arith.constant 0 : index
    %get3A_1 = vector.load %arg0[%get3A, %get3A_0] : memref<16x1xf32, #tpu.memory_space<vmem>>, vector<16x1xf32>
    %iota3A = tpu.iota {dimensions = array<i32: 1>} : vector<16x64xi32>
    %shift_right_arithmetic3A = arith.constant 1 : i32
    %shift_right_arithmetic3A_2 = vector.broadcast %shift_right_arithmetic3A : i32 to vector<16x64xi32>
    %shift_right_arithmetic3A_3 = arith.shrsi %iota3A, %shift_right_arithmetic3A_2 : vector<16x64xi32>
    %convert_element_type3A = arith.sitofp %shift_right_arithmetic3A_3 : vector<16x64xi32> to vector<16x64xf32>
    %mul3A = arith.constant -0.287823141 : f32
    %mul3A_4 = vector.broadcast %mul3A : f32 to vector<16x64xf32>
    %mul3A_5 = arith.mulf %convert_element_type3A, %mul3A_4 : vector<16x64xf32>
    %exp3A = math.exp %mul3A_5 : vector<16x64xf32>
    %mul3A_6 = vector.broadcast %get3A_1 : vector<16x1xf32> to vector<16x64xf32>
    %mul3A_7 = arith.mulf %mul3A_6, %exp3A : vector<16x64xf32>
    %and3A = arith.constant 1 : i32
    %and3A_8 = vector.broadcast %and3A : i32 to vector<16x64xi32>
    %and3A_9 = arith.andi %iota3A, %and3A_8 : vector<16x64xi32>
    %eq3A = arith.constant 0 : i32
    %eq3A_10 = vector.broadcast %eq3A : i32 to vector<16x64xi32>
    %eq3A_11 = arith.cmpi eq, %and3A_9, %eq3A_10 : vector<16x64xi32>
    %sin3A = math.sin %mul3A_7 : vector<16x64xf32>
    %cos3A = math.cos %mul3A_7 : vector<16x64xf32>
    %select_n3A = arith.select %eq3A_11, %sin3A, %cos3A : vector<16x64xi1>, vector<16x64xf32>
    %get3A_12 = arith.constant 0 : index
    %get3A_13 = arith.constant 0 : index
    %get3A_14 = vector.load %arg1[%get3A_12, %get3A_13] : memref<16x1xf32, #tpu.memory_space<vmem>>, vector<16x1xf32>
    %iota3A_15 = tpu.iota {dimensions = array<i32: 1>} : vector<16x64xi32>
    %shift_right_arithmetic3A_16 = arith.constant 1 : i32
    %shift_right_arithmetic3A_17 = vector.broadcast %shift_right_arithmetic3A_16 : i32 to vector<16x64xi32>
    %shift_right_arithmetic3A_18 = arith.shrsi %iota3A_15, %shift_right_arithmetic3A_17 : vector<16x64xi32>
    %convert_element_type3A_19 = arith.sitofp %shift_right_arithmetic3A_18 : vector<16x64xi32> to vector<16x64xf32>
    %mul3A_20 = arith.constant -0.287823141 : f32
    %mul3A_21 = vector.broadcast %mul3A_20 : f32 to vector<16x64xf32>
    %mul3A_22 = arith.mulf %convert_element_type3A_19, %mul3A_21 : vector<16x64xf32>
    %exp3A_23 = math.exp %mul3A_22 : vector<16x64xf32>
    %mul3A_24 = vector.broadcast %get3A_14 : vector<16x1xf32> to vector<16x64xf32>
    %mul3A_25 = arith.mulf %mul3A_24, %exp3A_23 : vector<16x64xf32>
    %and3A_26 = arith.constant 1 : i32
    %and3A_27 = vector.broadcast %and3A_26 : i32 to vector<16x64xi32>
    %and3A_28 = arith.andi %iota3A_15, %and3A_27 : vector<16x64xi32>
    %eq3A_29 = arith.constant 0 : i32
    %eq3A_30 = vector.broadcast %eq3A_29 : i32 to vector<16x64xi32>
    %eq3A_31 = arith.cmpi eq, %and3A_28, %eq3A_30 : vector<16x64xi32>
    %sin3A_32 = math.sin %mul3A_25 : vector<16x64xf32>
    %cos3A_33 = math.cos %mul3A_25 : vector<16x64xf32>
    %select_n3A_34 = arith.select %eq3A_31, %sin3A_32, %cos3A_33 : vector<16x64xi1>, vector<16x64xf32>
    %get3A_35 = arith.constant 0 : index
    %get3A_36 = arith.constant 0 : index
    %get3A_37 = vector.load %arg2[%get3A_35, %get3A_36] : memref<16x1xf32, #tpu.memory_space<vmem>>, vector<16x1xf32>
    %iota3A_38 = tpu.iota {dimensions = array<i32: 1>} : vector<16x64xi32>
    %shift_right_arithmetic3A_39 = arith.constant 1 : i32
    %shift_right_arithmetic3A_40 = vector.broadcast %shift_right_arithmetic3A_39 : i32 to vector<16x64xi32>
    %shift_right_arithmetic3A_41 = arith.shrsi %iota3A_38, %shift_right_arithmetic3A_40 : vector<16x64xi32>
    %convert_element_type3A_42 = arith.sitofp %shift_right_arithmetic3A_41 : vector<16x64xi32> to vector<16x64xf32>
    %mul3A_43 = arith.constant -0.287823141 : f32
    %mul3A_44 = vector.broadcast %mul3A_43 : f32 to vector<16x64xf32>
    %mul3A_45 = arith.mulf %convert_element_type3A_42, %mul3A_44 : vector<16x64xf32>
    %exp3A_46 = math.exp %mul3A_45 : vector<16x64xf32>
    %mul3A_47 = vector.broadcast %get3A_37 : vector<16x1xf32> to vector<16x64xf32>
    %mul3A_48 = arith.mulf %mul3A_47, %exp3A_46 : vector<16x64xf32>
    %and3A_49 = arith.constant 1 : i32
    %and3A_50 = vector.broadcast %and3A_49 : i32 to vector<16x64xi32>
    %and3A_51 = arith.andi %iota3A_38, %and3A_50 : vector<16x64xi32>
    %eq3A_52 = arith.constant 0 : i32
    %eq3A_53 = vector.broadcast %eq3A_52 : i32 to vector<16x64xi32>
    %eq3A_54 = arith.cmpi eq, %and3A_51, %eq3A_53 : vector<16x64xi32>
    %sin3A_55 = math.sin %mul3A_48 : vector<16x64xf32>
    %cos3A_56 = math.cos %mul3A_48 : vector<16x64xf32>
    %select_n3A_57 = arith.select %eq3A_54, %sin3A_55, %cos3A_56 : vector<16x64xi1>, vector<16x64xf32>
    %broadcast_in_dim3A = vector.shape_cast %select_n3A : vector<16x64xf32> to vector<16x1x64xf32>
    %broadcast_in_dim3A_58 = vector.shape_cast %broadcast_in_dim3A : vector<16x1x64xf32> to vector<16x1x64xf32>
    %broadcast_in_dim3A_59 = vector.broadcast %broadcast_in_dim3A_58 : vector<16x1x64xf32> to vector<16x256x64xf32>
    %reshape3A = vector.shape_cast %broadcast_in_dim3A_59 : vector<16x256x64xf32> to vector<4096x64xf32>
    %broadcast_in_dim3A_60 = vector.shape_cast %select_n3A_34 : vector<16x64xf32> to vector<16x1x64xf32>
    %broadcast_in_dim3A_61 = vector.shape_cast %broadcast_in_dim3A_60 : vector<16x1x64xf32> to vector<16x1x64xf32>
    %broadcast_in_dim3A_62 = vector.broadcast %broadcast_in_dim3A_61 : vector<16x1x64xf32> to vector<16x16x64xf32>
    %reshape3A_63 = vector.shape_cast %broadcast_in_dim3A_62 : vector<16x16x64xf32> to vector<256x64xf32>
    %broadcast_in_dim3A_64 = vector.shape_cast %reshape3A_63 : vector<256x64xf32> to vector<1x256x64xf32>
    %broadcast_in_dim3A_65 = vector.shape_cast %broadcast_in_dim3A_64 : vector<1x256x64xf32> to vector<1x256x64xf32>
    %broadcast_in_dim3A_66 = vector.broadcast %broadcast_in_dim3A_65 : vector<1x256x64xf32> to vector<16x256x64xf32>
    %reshape3A_67 = vector.shape_cast %broadcast_in_dim3A_66 : vector<16x256x64xf32> to vector<4096x64xf32>
    %broadcast_in_dim3A_68 = vector.shape_cast %select_n3A_57 : vector<16x64xf32> to vector<1x16x64xf32>
    %broadcast_in_dim3A_69 = vector.shape_cast %broadcast_in_dim3A_68 : vector<1x16x64xf32> to vector<1x16x64xf32>
    %broadcast_in_dim3A_70 = vector.broadcast %broadcast_in_dim3A_69 : vector<1x16x64xf32> to vector<256x16x64xf32>
    %reshape3A_71 = vector.shape_cast %broadcast_in_dim3A_70 : vector<256x16x64xf32> to vector<4096x64xf32>
    %swap3A = arith.constant 0 : index
    %swap3A_72 = arith.constant 0 : index
    %swap3A_73 = vector.load %arg3[%swap3A, %swap3A_72] : memref<4096x256xf32, #tpu.memory_space<vmem>>, vector<4096x64xf32>
    tpu.vector_store %arg3[%swap3A, %swap3A_72], %reshape3A {strides = array<i32>} : memref<4096x256xf32, #tpu.memory_space<vmem>>, vector<4096x64xf32>,
    %swap3A_74 = arith.constant 0 : index
    %swap3A_75 = arith.constant 64 : index
    %swap3A_76 = vector.load %arg3[%swap3A_74, %swap3A_75] : memref<4096x256xf32, #tpu.memory_space<vmem>>, vector<4096x64xf32>
    tpu.vector_store %arg3[%swap3A_74, %swap3A_75], %reshape3A_67 {strides = array<i32>} : memref<4096x256xf32, #tpu.memory_space<vmem>>, vector<4096x64xf32>,
    %swap3A_77 = arith.constant 0 : index
    %swap3A_78 = arith.constant 128 : index
    %swap3A_79 = vector.load %arg3[%swap3A_77, %swap3A_78] : memref<4096x256xf32, #tpu.memory_space<vmem>>, vector<4096x64xf32>
    tpu.vector_store %arg3[%swap3A_77, %swap3A_78], %reshape3A_71 {strides = array<i32>} : memref<4096x256xf32, #tpu.memory_space<vmem>>, vector<4096x64xf32>,
    %broadcast_in_dim3A_80 = arith.constant 0.000000e+00 : f32
    %broadcast_in_dim3A_81 = vector.broadcast %broadcast_in_dim3A_80 : f32 to vector<4096x64xf32>
    %swap3A_82 = arith.constant 0 : index
    %swap3A_83 = arith.constant 192 : index
    %swap3A_84 = vector.load %arg3[%swap3A_82, %swap3A_83] : memref<4096x256xf32, #tpu.memory_space<vmem>>, vector<4096x64xf32>
    tpu.vector_store %arg3[%swap3A_82, %swap3A_83], %broadcast_in_dim3A_81 {strides = array<i32>} : memref<4096x256xf32, #tpu.memory_space<vmem>>, vector<4096x64xf32>,
    return
  }
}

</mosaic_0001>

<sc_bundles>
// kernel: kernel.4.cloned.1.call-start
scs
__scs_entry_jumppad:
0x0: {  	(pc) =	sbr.rel $0x88, $3  }
0x1: {  	(tag) =	ssettag $0x0;
	lr =	simm.s32 $0x1  }
0x2: {  	[smem:$0x3F9D] =	sst lr;
	_ =	strace $0xD0000000  }
0x3: {  	_ = 	snop  }
0x4: {  	_ = 	snop  }
0x5: {  	_ = 	snop  }
0x6: {  	_ = 	snop  }
0x7: {  	_ = 	snop  }
__scs_overlays_trampoline_lowered:
0x8: {  	[smem:$0x3FAC] =	sst s0  }
0x9: {  	[smem:$0x3FAD] =	sst s1  }
0xa: {  	[smem:$0x3FAE] =	sst s2  }
0xb: {  	[smem:$0x3FAF] =	sst s3  }
0xc: {  	[smem:$0x3FB0] =	sst s4  }
0xd: {  	[smem:$0x3FB1] =	sst s5  }
0xe: {  	[smem:$0x3FB2] =	sst s6  }
0xf: {  	[smem:$0x3FB3] =	sst s7  }
0x10: {  	[smem:$0x3FB4] =	sst s8  }
0x11: {  	[smem:$0x3FB5] =	sst s9;
	s0 =	simm.s32 @!p0 $0x0  }
0x12: {  	s1 =	sld [smem:$0x3F9B];
	s0 =	simm.s32 @p0 $0x1  }
0x13: {  	[smem:$0x3FB6] =	sst s0;
	s0 =	simm.s32 @!p1 $0x0  }
0x14: {  	s2 =	sld [smem:$0x3F9A];
	s0 =	simm.s32 @p1 $0x1  }
0x15: {  	[smem:$0x3FB7] =	sst s0;
	s0 =	simm.s32 @!p2 $0x0  }
0x16: {  	s3 =	sld [smem:$0x3FDB];
	s0 =	simm.s32 @p2 $0x1  }
0x17: {  	s4 =	simm.s32 $0x1BF5;
	[smem:$0x3FB9] =	sst s0  }
0x18: {  	s0 =	sld [smem:$0x3F9C];
	_ =	swait.ge [sflag:s4], $0x0  }
0x19: {  	s7 =	sld [smem:$0x3F9D]  }
0x1a: {  	s8 =	sadd.s32 $0xFFFFE003, lr  }
0x1b: {  	s9 =	sadd.s32 $0xFFFFFEF7, lr;
	s5 =	simm.s32 $0xFFFFFFFF;
	p2 =	slt.u32 s8, $0xFFFFF086  }
0x1c: {  	p1 =	slt.u32 s9, $0xF7A;
	s5 =	simm.s32 @!p2 $0x0  }
0x1d: {  	s5 =	simm.s32 @p1 $0x1;
	p0 =	seq.s32 s7, s2  }
0x1e: {  	s7 =	smul.u32 @!p0 $0xF7A, s2;
	p2 =	seq.s32 @!p0 s5, $0x0  }
0x1f: {  	s9 =	smul.u32 $0xF7A, s1;
	s8 =	simm.s32 @!p0 $0x1BF5;
	p2 =	por !p2, p0  }
0x20: {  	[sflag:s8] =	ssyncset.s32 @!p0 $0xFFFFF086;
	s6 =	sadd.s32 @!p0 s3, s7;
	s7 =	simm.s32 @!p0 $0x108  }
0x21: {  	s3 =	sadd.s32 s3, s9;
	s6 =	sadd.s32 @!p0 $0x88, s6;
	s7 =	simm.s32 @p2 $0x1082  }
0x22: {  	[simem:s7], [sflag:s8] =	dma.local @!p0 [hbm:s6], $0xF7A  }
0x23: {  	s9 =	sor.u32 $0xD0000000, s2;
	s6 =	simm.s32 $0x108;
	_ =	swait.ge @!p0 [sflag:s8], $0x0  }
0x24: {  	s3 =	sadd.s32 $0x88, s3;
	s6 =	simm.s32 @!p1 $0x1082;
	[sflag:s4] =	ssyncset.s32 $0xFFFFF086  }
0x25: {  	[simem:s6], [sflag:s4] =	dma.local [hbm:s3], $0xF7A  }
0x26: {  	[smem:$0x3F9D] =	sst s1;
	(tag) =	ssettag s2;
	_ =	strace s9  }
0x27: {  	s1 =	sld [smem:$0x3FAD]  }
0x28: {  	s2 =	sld [smem:$0x3FAE]  }
0x29: {  	s4 =	sld [smem:$0x3FB0]  }
0x2a: {  	p0 =	seq.s32 s5, $0x0;
	s5 =	sld [smem:$0x3FB1]  }
0x2b: {  	s6 =	sld [smem:$0x3FB2]  }
0x2c: {  	s7 =	sld [smem:$0x3FB3]  }
0x2d: {  	s3 =	simm.s32 $0x108;
	s8 =	sld [smem:$0x3FB4]  }
0x2e: {  	s3 =	simm.s32 @!p0 $0x1082;
	s9 =	sld [smem:$0x3FB5]  }
0x2f: {  	lr =	sadd.s32 s0, s3;
	s0 =	sld [smem:$0x3FAC]  }
0x30: {  	s3 =	sld [smem:$0x3FAF]  }
0x31: {  	[smem:$0x3FB8] =	sst s10  }
0x32: {  	s10 =	sld [smem:$0x3FB6];
	_ =	sdelay $0x3  }
0x33: {  	p0 =	seq.s32 s10, $0x1;
	s10 =	sld [smem:$0x3FB8];
	_ =	sdelay $0x3  }
0x34: {  	[smem:$0x3FB8] =	sst s10  }
0x35: {  	s10 =	sld [smem:$0x3FB7];
	_ =	sdelay $0x3  }
0x36: {  	p1 =	seq.s32 s10, $0x1;
	s10 =	sld [smem:$0x3FB8];
	_ =	sdelay $0x3  }
0x37: {  	[smem:$0x3FB8] =	sst s10  }
0x38: {  	s10 =	sld [smem:$0x3FB9]  }
0x39: {  	_ = 	snop;
	(pc) =	sbr.ind lr, $3  }
0x3a: {  	_ = 	snop  }
0x3b: {  	_ = 	snop  }
0x3c: {  	p2 =	seq.s32 s10, $0x1;
	s10 =	sld [smem:$0x3FB8]  }
0x3d: {  	_ =	shalt  }
0x3e: {  	_ =	shalt  }
0x3f: {  	_ =	shalt  }
0x40: {  	_ =	shalt  }
0x41: {  	_ =	shalt  }
0x42: {  	_ =	shalt  }
0x43: {  	_ =	shalt  }
0x44: {  	_ =	shalt  }
0x45: {  	_ =	shalt  }
0x46: {  	_ =	shalt  }
0x47: {  	_ =	shalt  }
0x48: {  	_ =	shalt  }
0x49: {  	_ =	shalt  }
0x4a: {  	_ =	shalt  }
0x4b: {  	_ =	shalt  }
0x4c: {  	_ =	shalt  }
0x4d: {  	_ =	shalt  }
0x4e: {  	_ =	shalt  }
0x4f: {  	_ =	shalt  }
0x50: {  	_ =	shalt  }
0x51: {  	_ =	shalt  }
0x52: {  	_ =	shalt  }
0x53: {  	_ =	shalt  }
0x54: {  	_ =	shalt  }
0x55: {  	_ =	shalt  }
0x56: {  	_ =	shalt  }
0x57: {  	_ =	shalt  }
0x58: {  	_ =	shalt  }
0x59: {  	_ =	shalt  }
0x5a: {  	_ =	shalt  }
0x5b: {  	_ =	shalt  }
0x5c: {  	_ =	shalt  }
0x5d: {  	_ =	shalt  }
0x5e: {  	_ =	shalt  }
0x5f: {  	_ =	shalt  }
0x60: {  	_ =	shalt  }
0x61: {  	_ =	shalt  }
0x62: {  	_ =	shalt  }
0x63: {  	_ =	shalt  }
0x64: {  	_ =	shalt  }
0x65: {  	_ =	shalt  }
0x66: {  	_ =	shalt  }
0x67: {  	_ =	shalt  }
0x68: {  	_ =	shalt  }
0x69: {  	_ =	shalt  }
0x6a: {  	_ =	shalt  }
0x6b: {  	_ =	shalt  }
0x6c: {  	_ =	shalt  }
0x6d: {  	_ =	shalt  }
0x6e: {  	_ =	shalt  }
0x6f: {  	_ =	shalt  }
0x70: {  	_ =	shalt  }
0x71: {  	_ =	shalt  }
0x72: {  	_ =	shalt  }
0x73: {  	_ =	shalt  }
0x74: {  	_ =	shalt  }
0x75: {  	_ =	shalt  }
0x76: {  	_ =	shalt  }
0x77: {  	_ =	shalt  }
0x78: {  	_ =	shalt  }
0x79: {  	_ =	shalt  }
0x7a: {  	_ =	shalt  }
0x7b: {  	_ =	shalt  }
0x7c: {  	_ =	shalt  }
0x7d: {  	_ =	shalt  }
0x7e: {  	_ =	shalt  }
0x7f: {  	_ =	shalt  }
0x80: {  	_ =	shalt  }
0x81: {  	_ =	shalt  }
0x82: {  	_ =	shalt  }
0x83: {  	_ =	shalt  }
0x84: {  	_ =	shalt  }
0x85: {  	_ =	shalt  }
0x86: {  	_ =	shalt  }
0x87: {  	_ =	shalt  }
.Lfunc_end0:
.L_simem_size_0:
called_computation_lowered:
.L_overlay_start_0:
0x88: {  	s2 =	sld [smem:$0x3FD9]  }
0x89: {  	s3 =	sld [smem:$0x3FFE];
	_ =	sdelay $0x1  }
0x8a: {  	s1 =	srdreg.scid  }
0x8b: {  	s0 =	sand.u32 $0x1, s1  }
0x8c: {  	s17 =	sshll.u32 s0, $0xA;
	s2 =	sadd.s32 s3, s2  }
0x8d: {  	s2 =	sadd.s32 s2, s17  }
0x8e: {  	[smem:$0x3FC4] =	sst s2  }
0x8f: {  	_ = 	snop  }
0x90: {  	s2 =	sld [smem:$0x3FD0];
	(tm) =	ssettm $0x1  }
0x91: {  	s18 =	sld [smem:$0x3FFB];
	_ =	sdelay $0x3  }
0x92: {  	_ =	strace s18  }
0x93: {  	s3 =	sld [smem:$0x3FFC];
	_ =	sdelay $0x3  }
0x94: {  	_ =	strace s3  }
0x95: {  	s3 =	sld [smem:$0x3FFD];
	_ =	sdelay $0x3  }
0x96: {  	_ =	strace s3  }
0x97: {  	_ =	strace $0x8FFFFFFF  }
0x98: {  	s19 =	sld [smem:$0x3FDB];
	_ =	sdelay $0x1  }
0x99: {  	s4 =	simm.s32 $_scs_section_size  }
0x9a: {  	s5 =	simm.s32 $_size__tile_overlayer_lowered;
	s6 =	simm.s32 $_tile_overlayer_lowered  }
0x9b: {  	s22 =	simm.s32 $0x1BFF;
	s21 =	sshll.u32 s6, $0x1;
	s3 =	sadd.s32 s4, s19  }
0x9c: {  	s7 =	simm.s32 $0x0;
	s20 =	sshll.u32 s5, $0x1;
	s5 =	sadd.s32 s21, s3  }
0x9d: {  	[timem:s7], [sflag:s22] =	dma.local [hbm:s5], s20  }
0x9e: {  	_ =	swait.ge [sflag:s22], s20  }
0x9f: {  	s4 =	ssub.s32 $0x0, s20;
	[sflag:s22] =	ssyncset.done $0x0  }
0xa0: {  	[sflag:s22] =	ssyncadd.s32 s4;
	_ =	sdelay $0x1  }
0xa1: {  	s23 =	simm.s32 $0x1B8B  }
0xa2: {  	_ =	swait.ge [sflag:s23], $0x1  }
0xa3: {  	[sflag:s23] =	ssyncset.done $0x0  }
0xa4: {  	s25 =	simm.s32 $0x1B8E;
	s24 =	sld [smem:$0x3FFE];
	[sflag:s23] =	ssyncadd.s32 $0xFFFFFFFF  }
0xa5: {  	s26 =	simm.s32 $execute0_lowered;
	[smem:$0x3FD2] =	sst s25  }
0xa6: {  	s5 =	sshll.u32 s26, $0x1;
	_ =	strace $0x80000046;
	[dreg:$0x1] =	wrdreg $0xFFFFFFFF  }
0xa7: {  	s28 =	simm.s32 $_size_execute0_lowered;
	s3 =	sadd.s32 s3, s5;
	[dreg:$0x0] =	wrdreg $0x0  }
0xa8: {  	s5 =	sshll.u32 s28, $0x1;
	[dreg:$0x2] =	wrdreg s3  }
0xa9: {  	[dreg:$0x3] =	wrdreg s5  }
0xaa: {  	[dreg:$0x4] =	wrdreg $0xC0  }
0xab: {  	_ =	task [dreg:s7], $0x5FFFF  }
0xac: {  	[dreg:$0x1] =	wrdreg $0xFFFFFFFF  }
0xad: {  	[dreg:$0x0] =	wrdreg $0x60  }
0xae: {  	[dreg:$0x2] =	wrdreg s2  }
0xaf: {  	[dreg:$0x3] =	wrdreg s24  }
0xb0: {  	[dreg:$0x4] =	wrdreg $0x9  }
0xb1: {  	_ =	task.clear_ibuf [dreg:s7], $0x5FFFF;
	_ =	strace $0x90000046  }
0xb2: {  	s29 =	simm.s32 $0x9;
	_ =	strace $0x80000048  }
0xb3: {  	_ =	swait.ge [sflag:s29], $0x1  }
0xb4: {  	[sflag:s29] =	ssyncadd.s32 $0xFFFFFFFF  }
0xb5: {  	_ =	strace $0x90000048  }
0xb6: {  	_ =	sfence  }
0xb7: {  	s30 =	sld [smem:$0x0];
	_ =	sdelay $0x2  }
0xb8: {  	s31 =	sshll.u32 s1, $0xD;
	s1 =	sshrl.u32 s1, $0x2  }
0xb9: {  	s3 =	sand.u32 $0x4000, s31;
	s1 =	sadd.s32 s1, s30  }
0xba: {  	s0 =	sor.u32 s3, s0;
	s1 =	sshll.u32 s1, $0x11  }
0xbb: {  	s0 =	sor.u32 s1, s0  }
0xbc: {  	s0 =	sadd.s32 $0x8F2B, s0  }
0xbd: {  	[sflag:s0] =	ssyncadd.remote.s32 $0x1  }
0xbe: {  	_ =	sfence.sel $0xFFFF  }
0xbf: {  	[dreg:$0x0] =	wrdreg $0xFFFFFFFF;
	(pc) =	sbr.abs _section_cstart, $3  }
0xc0: {  	[dreg:$0x1] =	wrdreg $0xFFFFFFFF  }
0xc1: {  	_ =	task.clear_ibuf [dreg:s7], $0x2FFFF;
	_ =	strace $0x9FFFFFFF  }
0xc2: {  	(tm) =	ssettm $0x7FFFFFFF  }
0xc3: {  	_ =	shalt  }
tec
execute0_lowered:
.L_overlay_start_1:
0x0: {  	(tag) =	ssettag $0x1  }
0x1: {  	s0 =	srdreg.scid  }
0x2: {  	s1 =	stileid.u32;
	s2 =	rddreg [dreg:$0x0];
	s0 =	sand.u32 $0x1, s0  }
0x3: {  	s4 =	rddreg [dreg:$0x1];
	s1 =	sshll.u32 s1, $0xB;
	s3 =	sshll.u32 s0, $0xA  }
0x4: {  	s30 =	simm.s32 $0x400;
	s1 =	sor.u32 s3, s1;
	s3 =	simm.s32 $0x0  }
0x5: {  	s31 =	simm.s32 $0x800;
	s5 =	sshrl.u32 s1, $0x3;
	[smem:$0x7FF] =	sst s3  }
0x6: {  	s5 =	sadd.s32 s5, s4;
	_ =	strace $0x80000047;
	[dreg:$0xe] =	wrdreg s30  }
0x7: {  	[dreg:$0xf] =	wrdreg s31;
	s6 =	sadd.s32 $0x2800, s5  }
0x8: {  	s1 =	sshll.u32 s1, $0x5;
	s19 =	sadd.s32 $0x1800, s5;
	[dreg:$0x3] =	wrdreg s6  }
0x9: {  	s1 =	sadd.s32 s1, s4;
	s20 =	sadd.s32 $0x800, s5;
	[dreg:$0x4] =	wrdreg s19  }
0xa: {  	s21 =	sadd.s32 $0x3800, s1;
	[dreg:$0x5] =	wrdreg s20  }
0xb: {  	s22 =	sadd.s32 $0x4800, s1;
	[dreg:$0x6] =	wrdreg s21  }
0xc: {  	s13 =	simm.s32 $0x2;
	s23 =	sadd.s32 $0x5800, s1;
	[dreg:$0x7] =	wrdreg s22  }
0xd: {  	s0 =	ssub.s32 $0x2, s0;
	s24 =	sadd.s32 $0x6800, s1;
	[dreg:$0x8] =	wrdreg s23  }
0xe: {  	s29 =	sshrl.u32 s0, $0x1;
	s25 =	sadd.s32 $0x7800, s1;
	[dreg:$0x9] =	wrdreg s24  }
0xf: {  	s0 =	ssub.s32 s0, s29;
	s26 =	sadd.s32 $0x8800, s1;
	[dreg:$0xa] =	wrdreg s25  }
0x10: {  	v2 =	vlaneseq.u32;
	s11 =	smax.u32 s0, $0x1;
	s28 =	sadd.s32 $0x9800, s1;
	[dreg:$0xb] =	wrdreg s26  }
0x11: {  	vm0 =	vmmov $0xffff;
	v1 =	vshrl.u32 v2, $0x3;
	s1 =	sadd.s32 $0xA800, s1;
	s5 =	simm.s32 $0x9000;
	[dreg:$0xc] =	wrdreg s28  }
0x12: {  	v0 =	vand.u32 $0x7, v2;
	v2 =	vor.u32 $0x8, v2;
	v1 =	vmul.u32 $0x8, v1;
	[dreg:$0xd] =	wrdreg s1;
	s22 =	simm.s32 $0x1;
	s23 =	simm.s32 $0x1000  }
.LBB2_1:
0x13: {  	s14 =	rddreg [dreg:$0x3];
	s0 =	simm.s32 $0x3  }
0x14: {  	[tilespmem:s3], [sflag:$0x3] =	stream.linear.gather [hbm4b:s14+s3], $0x400, $0x38;
	[tilespmem:$0x11000] =	vst v63  }
0x15: {  	_ =	swait.ge [sflag:s0], $0x400  }
0x16: {  	s16 =	rddreg [dreg:$0x4];
	[sflag:s0] =	ssyncset.done $0x0  }
0x17: {  	s15 =	rddreg [dreg:$0xe];
	[sflag:s0] =	ssyncadd.s32 $0xFFFFFC00  }
0x18: {  	[tilespmem:s15], [sflag:$0x3] =	stream.linear.gather [hbm4b:s16+s3], $0x400, $0x38;
	[tilespmem:$0x11000] =	vst v63  }
0x19: {  	_ =	swait.ge [sflag:s0], $0x400  }
0x1a: {  	[sflag:s0] =	ssyncset.done $0x0;
	s17 =	rddreg [dreg:$0x5]  }
0x1b: {  	s18 =	rddreg [dreg:$0xf];
	[sflag:s0] =	ssyncadd.s32 $0xFFFFFC00  }
0x1c: {  	[tilespmem:s18], [sflag:$0x3] =	stream.linear.gather [hbm4b:s17+s3], $0x400, $0x38;
	[tilespmem:$0x11000] =	vst v63  }
0x1d: {  	_ =	swait.ge [sflag:s0], $0x400  }
0x1e: {  	[sflag:s0] =	ssyncset.done $0x0  }
0x1f: {  	[sflag:s0] =	ssyncadd.s32 $0xFFFFFC00  }
0x20: {  	v63 =	vld [tilespmem:$0x940];
	_ =	sdelay $0x4  }
0x21: {  	[tilespmem:$0x1FC60] =	vst v63;
	v63 =	vld [tilespmem:$0x150];
	_ =	sdelay $0x4  }
0x22: {  	[tilespmem:$0x1FC30] =	vst v63;
	v63 =	vld [tilespmem:$0x550];
	_ =	sdelay $0x4  }
0x23: {  	[tilespmem:$0x1FC40] =	vst v63;
	v63 =	vld [tilespmem:$0x950];
	_ =	sdelay $0x4  }
0x24: {  	[tilespmem:$0x1FC70] =	vst v63;
	v63 =	vld [tilespmem:$0x160];
	_ =	sdelay $0x4  }
0x25: {  	[tilespmem:$0x1FC80] =	vst v63;
	v63 =	vld [tilespmem:$0x560];
	_ =	sdelay $0x4  }
0x26: {  	[tilespmem:$0x1FC90] =	vst v63;
	v63 =	vld [tilespmem:$0x960];
	_ =	sdelay $0x4  }
0x27: {  	[tilespmem:$0x1FCE0] =	vst v63;
	v63 =	vld [tilespmem:$0x170];
	_ =	sdelay $0x4  }
0x28: {  	[tilespmem:$0x1FCA0] =	vst v63;
	v63 =	vld [tilespmem:$0x570];
	_ =	sdelay $0x4  }
0x29: {  	[tilespmem:$0x1FCB0] =	vst v63;
	v63 =	vld [tilespmem:$0x970];
	_ =	sdelay $0x4  }
0x2a: {  	[tilespmem:$0x1FCF0] =	vst v63;
	v63 =	vld [tilespmem:$0x180];
	_ =	sdelay $0x4  }
0x2b: {  	[tilespmem:$0x1FCC0] =	vst v63;
	v63 =	vld [tilespmem:$0x580];
	_ =	sdelay $0x3  }
0x2c: {  	v3 =	vld [tilespmem:$0x0]  }
0x2d: {  	[tilespmem:$0x1FCD0] =	vst v63;
	v63 =	vld [tilespmem:$0x980]  }
0x2e: {  	v4 =	vld [tilespmem:$0x400]  }
0x2f: {  	v5 =	vld [tilespmem:$0x800]  }
0x30: {  	v6 =	vld [tilespmem:$0x410]  }
0x31: {  	v17 =	vld [tilespmem:$0x810]  }
0x32: {  	[tilespmem:$0x1FD00] =	vst v63;
	v63 =	vld [tilespmem:$0x190]  }
0x33: {  	v7 =	vld [tilespmem:$0x20]  }
0x34: {  	v8 =	vld [tilespmem:$0x420]  }
0x35: {  	v11 =	vld [tilespmem:$0x820]  }
0x36: {  	v9 =	vld [tilespmem:$0x30]  }
0x37: {  	[tilespmem:$0x1FD10] =	vst v63;
	v63 =	vld [tilespmem:$0x590]  }
0x38: {  	v10 =	vld [tilespmem:$0x430]  }
0x39: {  	v12 =	vld [tilespmem:$0x830]  }
0x3a: {  	v13 =	vld [tilespmem:$0x40]  }
0x3b: {  	v14 =	vld [tilespmem:$0x440]  }
0x3c: {  	[tilespmem:$0x1FD20] =	vst v63;
	v63 =	vld [tilespmem:$0x990]  }
0x3d: {  	v26 =	vld [tilespmem:$0x840]  }
0x3e: {  	v15 =	vld [tilespmem:$0x50]  }
0x3f: {  	v16 =	vld [tilespmem:$0x450]  }
0x40: {  	v20 =	vld [tilespmem:$0x850]  }
0x41: {  	[tilespmem:$0x1FD70] =	vst v63;
	v63 =	vld [tilespmem:$0x1A0]  }
0x42: {  	v18 =	vld [tilespmem:$0x60]  }
0x43: {  	v19 =	vld [tilespmem:$0x460]  }
0x44: {  	v21 =	vld [tilespmem:$0x860]  }
0x45: {  	v22 =	vld [tilespmem:$0x70]  }
0x46: {  	[tilespmem:$0x1FD30] =	vst v63;
	v63 =	vld [tilespmem:$0x5A0]  }
0x47: {  	v23 =	vld [tilespmem:$0x470]  }
0x48: {  	v35 =	vld [tilespmem:$0x870]  }
0x49: {  	v24 =	vld [tilespmem:$0x80]  }
0x4a: {  	v25 =	vld [tilespmem:$0x480]  }
0x4b: {  	[tilespmem:$0x1FD40] =	vst v63;
	v63 =	vld [tilespmem:$0x9A0]  }
0x4c: {  	v39 =	vld [tilespmem:$0x880]  }
0x4d: {  	v27 =	vld [tilespmem:$0x90]  }
0x4e: {  	v28 =	vld [tilespmem:$0x490]  }
0x4f: {  	v30 =	vld [tilespmem:$0x890]  }
0x50: {  	[tilespmem:$0x1FD80] =	vst v63;
	v63 =	vld [tilespmem:$0x1B0]  }
0x51: {  	v31 =	vld [tilespmem:$0xA0]  }
0x52: {  	v29 =	vld [tilespmem:$0x4A0]  }
0x53: {  	v43 =	vld [tilespmem:$0x8A0]  }
0x54: {  	v33 =	vld [tilespmem:$0xB0]  }
0x55: {  	[tilespmem:$0x1FD50] =	vst v63;
	v63 =	vld [tilespmem:$0x5B0]  }
0x56: {  	v32 =	vld [tilespmem:$0x4B0]  }
0x57: {  	v49 =	vld [tilespmem:$0x8B0]  }
0x58: {  	v48 =	vld [tilespmem:$0xC0]  }
0x59: {  	v34 =	vld [tilespmem:$0x4C0]  }
0x5a: {  	[tilespmem:$0x1FD60] =	vst v63;
	v63 =	vld [tilespmem:$0x9B0]  }
0x5b: {  	v37 =	vld [tilespmem:$0x8C0]  }
0x5c: {  	v38 =	vld [tilespmem:$0xD0]  }
0x5d: {  	v36 =	vld [tilespmem:$0x4D0]  }
0x5e: {  	v51 =	vld [tilespmem:$0x8D0]  }
0x5f: {  	[tilespmem:$0x1FD90] =	vst v63;
	v63 =	vld [tilespmem:$0x1C0]  }
0x60: {  	v54 =	vld [tilespmem:$0xE0]  }
0x61: {  	v40 =	vld [tilespmem:$0x4E0]  }
0x62: {  	v53 =	vld [tilespmem:$0x8E0]  }
0x63: {  	v62 =	vld [tilespmem:$0xF0]  }
0x64: {  	[tilespmem:$0x1FDA0] =	vst v63;
	v63 =	vld [tilespmem:$0x5C0]  }
0x65: {  	v41 =	vld [tilespmem:$0x4F0]  }
0x66: {  	v58 =	vld [tilespmem:$0x8F0]  }
0x67: {  	v44 =	vld [tilespmem:$0x100]  }
0x68: {  	v42 =	vld [tilespmem:$0x500]  }
0x69: {  	[tilespmem:$0x1FDB0] =	vst v63;
	v63 =	vld [tilespmem:$0x9C0]  }
0x6a: {  	v59 =	vld [tilespmem:$0x900]  }
0x6b: {  	v46 =	vld [tilespmem:$0x110]  }
0x6c: {  	v45 =	vld [tilespmem:$0x510]  }
0x6d: {  	v52 =	vld [tilespmem:$0x910]  }
0x6e: {  	[tilespmem:$0x1FE00] =	vst v63;
	v63 =	vld [tilespmem:$0x1D0]  }
0x6f: {  	v50 =	vld [tilespmem:$0x120]  }
0x70: {  	v47 =	vld [tilespmem:$0x520]  }
0x71: {  	v56 =	vld [tilespmem:$0x920]  }
0x72: {  	v60 =	vld [tilespmem:$0x930]  }
0x73: {  	[tilespmem:$0x1FDC0] =	vst v63;
	v63 =	vld [tilespmem:$0x5D0]  }
0x74: {  	[tilespmem:$0x1FFE0] =	vst v5;
	v5 =	vld [tilespmem:$0x10]  }
0x75: {  	v57 =	vld [tilespmem:$0x130]  }
0x76: {  	v55 =	vld [tilespmem:$0x530];
	v3 =	vshll.u32 v3, $0x8  }
0x77: {  	v61 =	vld [tilespmem:$0x540];
	[tilespmem:$0x1FC50] =	vst v60;
	v4 =	vshll.u32 v4, $0x4;
	v15 =	vshll.u32 v15, $0x8;
	v16 =	vshll.u32 v16, $0x4  }
0x78: {  	v60 =	vld [tilespmem:$0x140];
	v18 =	vshll.u32 v18, $0x8;
	v19 =	vshll.u32 v19, $0x4;
	v3 =	vadd.s32 v3, v4;
	[tilespmem:$0x1FDD0] =	vst v63  }
0x79: {  	v4 =	vshll.u32 v6, $0x4;
	[tilespmem:$0x1FFF0] =	vst v3;
	v3 =	vshll.u32 v5, $0x8;
	v5 =	vshll.u32 v8, $0x4;
	v63 =	vld [tilespmem:$0x9D0]  }
0x7a: {  	v3 =	vadd.s32 v3, v4;
	v4 =	vshll.u32 v7, $0x8;
	v7 =	vadd.s32 v15, v16;
	v16 =	vld [tilespmem:$0x270]  }
0x7b: {  	v8 =	vadd.s32 v18, v19;
	v18 =	vshll.u32 v25, $0x4;
	v25 =	vshll.u32 v29, $0x4;
	v19 =	vld [tilespmem:$0x670]  }
0x7c: {  	v29 =	vshll.u32 v48, $0x8;
	v8 =	vadd.s32 v21, v8;
	v21 =	vshll.u32 v28, $0x4;
	v28 =	vld [tilespmem:$0xA80]  }
0x7d: {  	v48 =	vld [tilespmem:$0x290];
	v3 =	vadd.s32 v17, v3;
	v7 =	vadd.s32 v20, v7;
	v20 =	vshll.u32 v27, $0x8  }
0x7e: {  	v17 =	vld [tilespmem:$0x260];
	v27 =	vshll.u32 v32, $0x4;
	v32 =	vshll.u32 v38, $0x8;
	v38 =	vshll.u32 v41, $0x4  }
0x7f: {  	v41 =	vshll.u32 v44, $0x8;
	v44 =	vshll.u32 v46, $0x8;
	v46 =	vshll.u32 v50, $0x8;
	v50 =	vld [tilespmem:$0xAB0]  }
0x80: {  	v9 =	vshll.u32 v9, $0x8;
	v10 =	vshll.u32 v10, $0x4;
	v4 =	vadd.s32 v4, v5;
	[tilespmem:$0xC60] =	vst v8;
	v8 =	vld [tilespmem:$0x2F0]  }
0x81: {  	v5 =	vadd.s32 v9, v10;
	v4 =	vadd.s32 v11, v4;
	v11 =	vld [tilespmem:$0x650]  }
0x82: {  	v5 =	vadd.s32 v12, v5;
	v12 =	vshll.u32 v13, $0x8;
	v13 =	vshll.u32 v14, $0x4;
	v14 =	vld [tilespmem:$0xA50]  }
0x83: {  	v15 =	vshll.u32 v23, $0x4;
	v23 =	vadd.s32 v20, v21;
	v21 =	vld [tilespmem:$0x6B0]  }
0x84: {  	[tilespmem:$0xC50] =	vst v7;
	v7 =	vld [tilespmem:$0x6E0]  }
0x85: {  	v6 =	vadd.s32 v12, v13;
	v12 =	vld [tilespmem:$0x660]  }
0x86: {  	v13 =	vld [tilespmem:$0xA60];
	[tilespmem:$0xC20] =	vst v4  }
0x87: {  	v4 =	vld [tilespmem:$0xAD0];
	[tilespmem:$0x1FE10] =	vst v63  }
0x88: {  	v6 =	vadd.s32 v26, v6;
	v63 =	vld [tilespmem:$0x1E0];
	[tilespmem:$0x1FF80] =	vst v16  }
0x89: {  	v16 =	vld [tilespmem:$0xAC0];
	[tilespmem:$0xC40] =	vst v6  }
0x8a: {  	v6 =	vld [tilespmem:$0x2E0];
	[tilespmem:$0x1FF60] =	vst v17  }
0x8b: {  	v17 =	vshll.u32 v24, $0x8;
	[tilespmem:$0x1FFA0] =	vst v14;
	v14 =	vshll.u32 v22, $0x8;
	v22 =	vld [tilespmem:$0xA70]  }
0x8c: {  	v26 =	vshll.u32 v33, $0x8;
	v10 =	vadd.s32 v17, v18;
	v17 =	vld [tilespmem:$0x2C0]  }
0x8d: {  	[tilespmem:$0x1FF50] =	vst v11;
	v11 =	vadd.s32 v26, v27;
	v10 =	vadd.s32 v39, v10;
	v39 =	vld [tilespmem:$0x680]  }
0x8e: {  	[tilespmem:$0x1FF90] =	vst v19;
	v9 =	vadd.s32 v14, v15;
	v19 =	vadd.s32 v49, v11;
	v49 =	vld [tilespmem:$0x690]  }
0x8f: {  	[tilespmem:$0x1FF70] =	vst v12;
	v12 =	vadd.s32 v30, v23;
	v30 =	vshll.u32 v34, $0x4;
	v34 =	vshll.u32 v54, $0x8;
	v54 =	vld [tilespmem:$0x2A0]  }
0x90: {  	v33 =	vshll.u32 v36, $0x4;
	[tilespmem:$0x1FFB0] =	vst v13;
	v13 =	vadd.s32 v35, v9;
	v35 =	vld [tilespmem:$0x280]  }
0x91: {  	v36 =	vshll.u32 v40, $0x4;
	v24 =	vshll.u32 v31, $0x8;
	v31 =	vadd.s32 v29, v30;
	v30 =	vld [tilespmem:$0x1FC50]  }
0x92: {  	v11 =	vadd.s32 v34, v36;
	v34 =	vld [tilespmem:$0x1FC80]  }
0x93: {  	[tilespmem:$0xC90] =	vst v12;
	v12 =	vld [tilespmem:$0x6F0]  }
0x94: {  	v9 =	vadd.s32 v24, v25;
	[tilespmem:$0x1FDE0] =	vst v63;
	v63 =	vld [tilespmem:$0x5E0]  }
0x95: {  	v18 =	vadd.s32 v43, v9;
	v43 =	vld [tilespmem:$0xA90]  }
0x96: {  	v14 =	vadd.s32 v37, v31;
	v37 =	vshll.u32 v62, $0x8;
	v62 =	vld [tilespmem:$0x6A0]  }
0x97: {  	v31 =	vld [tilespmem:$0x1FC60]  }
0x98: {  	v9 =	vadd.s32 v32, v33;
	v33 =	vld [tilespmem:$0x1FC70]  }
0x99: {  	[tilespmem:$0xC70] =	vst v13;
	v13 =	vld [tilespmem:$0x1FD20]  }
0x9a: {  	[tilespmem:$0x1FDF0] =	vst v63;
	v63 =	vld [tilespmem:$0x9E0]  }
0x9b: {  	v42 =	vshll.u32 v42, $0x4;
	v40 =	vadd.s32 v37, v38;
	v37 =	vld [tilespmem:$0x1FC90]  }
0x9c: {  	v47 =	vshll.u32 v47, $0x4;
	v20 =	vadd.s32 v51, v9;
	v9 =	vadd.s32 v41, v42;
	v42 =	vld [tilespmem:$0x1FCB0]  }
0x9d: {  	v51 =	vadd.s32 v46, v47;
	v46 =	vld [tilespmem:$0x1FCC0]  }
0x9e: {  	[tilespmem:$0xCA0] =	vst v18;
	v18 =	vld [tilespmem:$0x700]  }
0x9f: {  	[tilespmem:$0x1FE20] =	vst v63;
	v63 =	vld [tilespmem:$0x1F0]  }
0xa0: {  	[tilespmem:$0x1FFC0] =	vst v22;
	v22 =	vadd.s32 v53, v11;
	v53 =	vld [tilespmem:$0xAA0]  }
0xa1: {  	v15 =	vadd.s32 v58, v40;
	v58 =	vld [tilespmem:$0x2B0]  }
0xa2: {  	v40 =	vld [tilespmem:$0x1FCA0]  }
0xa3: {  	v25 =	vadd.s32 v56, v51;
	v51 =	vld [tilespmem:$0x1FCD0]  }
0xa4: {  	v45 =	vshll.u32 v45, $0x4;
	[tilespmem:$0x1FE30] =	vst v63;
	v63 =	vld [tilespmem:$0x5F0]  }
0xa5: {  	v11 =	vadd.s32 v44, v45;
	v56 =	vshll.u32 v55, $0x4;
	v55 =	vld [tilespmem:$0x1FCE0]  }
0xa6: {  	[tilespmem:$0xC10] =	vst v3;
	v24 =	vadd.s32 v52, v11;
	v11 =	vld [tilespmem:$0x6C0]  }
0xa7: {  	v3 =	vshll.u32 v60, $0x8;
	v52 =	vshll.u32 v57, $0x8;
	v57 =	vshll.u32 v61, $0x4;
	[tilespmem:$0xCF0] =	vst v15;
	v15 =	vld [tilespmem:$0xB10]  }
0xa8: {  	v23 =	vadd.s32 v59, v9;
	v59 =	vadd.s32 v3, v57;
	v3 =	vld [tilespmem:$0x1FC30]  }
0xa9: {  	[tilespmem:$0x1FE40] =	vst v63;
	v63 =	vld [tilespmem:$0x9F0]  }
0xaa: {  	v9 =	vadd.s32 v52, v56;
	v56 =	vld [tilespmem:$0x1FCF0]  }
0xab: {  	v36 =	vshll.u32 v34, $0x8;
	v34 =	vld [tilespmem:$0x1FD40]  }
0xac: {  	[tilespmem:$0x1FFD0] =	vst v28;
	v28 =	vadd.s32 v30, v9;
	v9 =	vld [tilespmem:$0x6D0]  }
0xad: {  	v29 =	vadd.s32 v31, v59;
	v59 =	vld [tilespmem:$0x1FD00]  }
0xae: {  	v38 =	vshll.u32 v37, $0x4;
	[tilespmem:$0x1FE90] =	vst v63;
	v63 =	vld [tilespmem:$0x200]  }
0xaf: {  	[tilespmem:$0xC30] =	vst v5;
	v5 =	vadd.s32 v36, v38;
	v38 =	vld [tilespmem:$0x1FD50]  }
0xb0: {  	v52 =	vshll.u32 v51, $0x4;
	v51 =	vld [tilespmem:$0x1FDA0]  }
0xb1: {  	v44 =	vshll.u32 v42, $0x4;
	v41 =	vshll.u32 v40, $0x8;
	v31 =	vadd.s32 v55, v5;
	v5 =	vld [tilespmem:$0xAE0]  }
0xb2: {  	v45 =	vadd.s32 v41, v44;
	v41 =	vld [tilespmem:$0x1FD60]  }
0xb3: {  	[tilespmem:$0x1FE50] =	vst v63;
	v63 =	vld [tilespmem:$0x600]  }
0xb4: {  	v47 =	vshll.u32 v46, $0x8;
	v44 =	vld [tilespmem:$0x1FD70]  }
0xb5: {  	v57 =	vadd.s32 v47, v52;
	v47 =	vld [tilespmem:$0x1FD90]  }
0xb6: {  	v52 =	vld [tilespmem:$0x1FDB0]  }
0xb7: {  	v60 =	vshll.u32 v3, $0x8;
	v3 =	vld [tilespmem:$0x1FC40]  }
0xb8: {  	v17 =	vshll.u32 v17, $0x8;
	v11 =	vshll.u32 v11, $0x4;
	[tilespmem:$0x1FE60] =	vst v63;
	v63 =	vld [tilespmem:$0xA00]  }
0xb9: {  	v11 =	vadd.s32 v17, v11;
	v17 =	vld [tilespmem:$0xB70]  }
0xba: {  	v27 =	vadd.s32 v59, v57;
	v57 =	vld [tilespmem:$0x1FDC0]  }
0xbb: {  	v11 =	vadd.s32 v16, v11;
	v16 =	vld [tilespmem:$0x390]  }
0xbc: {  	v42 =	vshll.u32 v41, $0x4;
	v41 =	vld [tilespmem:$0x1FDE0]  }
0xbd: {  	[tilespmem:$0x1FEA0] =	vst v63;
	v63 =	vld [tilespmem:$0x210]  }
0xbe: {  	v40 =	vshll.u32 v38, $0x8;
	v61 =	vshll.u32 v3, $0x4;
	v3 =	vld [tilespmem:$0x2D0]  }
0xbf: {  	v46 =	vadd.s32 v40, v42;
	v42 =	vld [tilespmem:$0x1FDF0]  }
0xc0: {  	v32 =	vadd.s32 v60, v61;
	v60 =	vld [tilespmem:$0x1FD10]  }
0xc1: {  	v26 =	vadd.s32 v33, v32;
	v33 =	vld [tilespmem:$0x1FD30]  }
0xc2: {  	[tilespmem:$0x1FE70] =	vst v63;
	v63 =	vld [tilespmem:$0x610]  }
0xc3: {  	[tilespmem:$0xCC0] =	vst v14;
	v14 =	vshll.u32 v51, $0x8;
	v55 =	vshll.u32 v52, $0x4;
	v32 =	vadd.s32 v56, v45;
	v45 =	vld [tilespmem:$0x1FD80]  }
0xc4: {  	v56 =	vadd.s32 v14, v55;
	v14 =	vld [tilespmem:$0xB00]  }
0xc5: {  	v51 =	vld [tilespmem:$0x1FE30]  }
0xc6: {  	[tilespmem:$0xD70] =	vst v32;
	v32 =	vld [tilespmem:$0x340]  }
0xc7: {  	[tilespmem:$0x1FE80] =	vst v63;
	v63 =	vld [tilespmem:$0xA10]  }
0xc8: {  	v9 =	vshll.u32 v9, $0x4;
	v3 =	vshll.u32 v3, $0x8;
	v61 =	vshll.u32 v60, $0x8;
	v60 =	vld [tilespmem:$0x1FDD0]  }
0xc9: {  	v30 =	vshll.u32 v13, $0x4;
	v3 =	vadd.s32 v3, v9;
	v9 =	vld [tilespmem:$0x380]  }
0xca: {  	v13 =	vadd.s32 v61, v30;
	v30 =	vadd.s32 v47, v46;
	v47 =	vld [tilespmem:$0x1FE20]  }
0xcb: {  	[tilespmem:$0xC80] =	vst v10;
	v55 =	vld [tilespmem:$0x1FE40]  }
0xcc: {  	v36 =	vshll.u32 v34, $0x4;
	v10 =	vshll.u32 v33, $0x8;
	[tilespmem:$0x1FEB0] =	vst v63;
	v63 =	vld [tilespmem:$0x220]  }
0xcd: {  	v37 =	vadd.s32 v10, v36;
	v10 =	vld [tilespmem:$0xAF0]  }
0xce: {  	[tilespmem:$0xCB0] =	vst v19;
	v19 =	vadd.s32 v44, v13;
	v44 =	vld [tilespmem:$0x1FE00]  }
0xcf: {  	v13 =	vld [tilespmem:$0x300]  }
0xd0: {  	v34 =	vadd.s32 v45, v37;
	v37 =	vld [tilespmem:$0x310]  }
0xd1: {  	[tilespmem:$0x1FEC0] =	vst v63;
	v63 =	vld [tilespmem:$0x620]  }
0xd2: {  	v45 =	vld [tilespmem:$0x1FE10]  }
0xd3: {  	[tilespmem:$0xCD0] =	vst v20;
	v59 =	vshll.u32 v57, $0x8;
	v61 =	vshll.u32 v60, $0x4;
	v20 =	vadd.s32 v44, v56;
	v44 =	vld [tilespmem:$0x1FE90]  }
0xd4: {  	v40 =	vadd.s32 v59, v61;
	v59 =	vld [tilespmem:$0x1FE50]  }
0xd5: {  	v60 =	vld [tilespmem:$0x1FE60]  }
0xd6: {  	v33 =	vshll.u32 v41, $0x8;
	v36 =	vshll.u32 v42, $0x4;
	[tilespmem:$0x1FED0] =	vst v63;
	v63 =	vld [tilespmem:$0xA20]  }
0xd7: {  	v46 =	vadd.s32 v33, v36;
	v33 =	vld [tilespmem:$0x710]  }
0xd8: {  	[tilespmem:$0xCE0] =	vst v22;
	v52 =	vshll.u32 v51, $0x8;
	v56 =	vshll.u32 v55, $0x4;
	v22 =	vadd.s32 v45, v40;
	v45 =	vld [tilespmem:$0x1FEA0]  }
0xd9: {  	v57 =	vadd.s32 v52, v56;
	v40 =	vld [tilespmem:$0x320]  }
0xda: {  	[tilespmem:$0xD10] =	vst v24;
	v24 =	vadd.s32 v44, v57;
	v44 =	vld [tilespmem:$0x730]  }
0xdb: {  	v36 =	vshll.u32 v59, $0x8;
	v38 =	vshll.u32 v60, $0x4;
	[tilespmem:$0x1FF20] =	vst v63;
	v63 =	vld [tilespmem:$0x230]  }
0xdc: {  	v61 =	vadd.s32 v36, v38;
	v41 =	vld [tilespmem:$0x1FE70]  }
0xdd: {  	[tilespmem:$0xD20] =	vst v25;
	v25 =	vadd.s32 v45, v61;
	v45 =	vld [tilespmem:$0xB30]  }
0xde: {  	v42 =	vld [tilespmem:$0x1FE80]  }
0xdf: {  	[tilespmem:$0xE00] =	vst v25;
	v25 =	vld [tilespmem:$0x770]  }
0xe0: {  	[tilespmem:$0x1FEE0] =	vst v63;
	v63 =	vld [tilespmem:$0x630]  }
0xe1: {  	v36 =	vshll.u32 v41, $0x8;
	v41 =	vld [tilespmem:$0x720]  }
0xe2: {  	[tilespmem:$0xD00] =	vst v23;
	v23 =	vadd.s32 v47, v46;
	v47 =	vld [tilespmem:$0x1FEB0]  }
0xe3: {  	v38 =	vshll.u32 v42, $0x4;
	v42 =	vld [tilespmem:$0x330]  }
0xe4: {  	v51 =	vld [tilespmem:$0x1FEC0]  }
0xe5: {  	[tilespmem:$0x1FEF0] =	vst v63;
	v63 =	vld [tilespmem:$0xA30]  }
0xe6: {  	v52 =	vld [tilespmem:$0x1FED0]  }
0xe7: {  	v46 =	vadd.s32 v36, v38;
	v36 =	vld [tilespmem:$0xB20]  }
0xe8: {  	[tilespmem:$0xD30] =	vst v28;
	v28 =	vadd.s32 v47, v46;
	v61 =	vld [tilespmem:$0x1FF20]  }
0xe9: {  	[tilespmem:$0xE10] =	vst v28;
	v28 =	vshll.u32 v37, $0x8;
	v37 =	vld [tilespmem:$0x3A0]  }
0xea: {  	[tilespmem:$0x1FF30] =	vst v63;
	v63 =	vld [tilespmem:$0x240]  }
0xeb: {  	[tilespmem:$0xD40] =	vst v29;
	v29 =	vshll.u32 v51, $0x8;
	v38 =	vshll.u32 v52, $0x4;
	v52 =	vld [tilespmem:$0x1FF50]  }
0xec: {  	v55 =	vadd.s32 v29, v38;
	v56 =	vld [tilespmem:$0x1FEE0]  }
0xed: {  	[tilespmem:$0xD50] =	vst v26;
	v26 =	vadd.s32 v61, v55;
	v61 =	vld [tilespmem:$0x1FFA0]  }
0xee: {  	v57 =	vld [tilespmem:$0x1FEF0]  }
0xef: {  	[tilespmem:$0x1FF00] =	vst v63;
	v63 =	vld [tilespmem:$0x640]  }
0xf0: {  	v46 =	vld [tilespmem:$0x1FF30]  }
0xf1: {  	v29 =	vshll.u32 v56, $0x8;
	v56 =	vld [tilespmem:$0x1FF60]  }
0xf2: {  	v59 =	vld [tilespmem:$0x1FF00]  }
0xf3: {  	v38 =	vshll.u32 v57, $0x4;
	v57 =	vld [tilespmem:$0x1FF70]  }
0xf4: {  	v29 =	vadd.s32 v29, v38;
	[tilespmem:$0x1FF10] =	vst v63;
	v63 =	vld [tilespmem:$0xA40]  }
0xf5: {  	v29 =	vadd.s32 v46, v29;
	v46 =	vld [tilespmem:$0x740]  }
0xf6: {  	v60 =	vld [tilespmem:$0x1FF10]  }
0xf7: {  	[tilespmem:$0xD60] =	vst v31;
	v31 =	vshll.u32 v59, $0x8;
	v59 =	vld [tilespmem:$0x1FF80]  }
0xf8: {  	[tilespmem:$0xE30] =	vst v29;
	v29 =	vshll.u32 v33, $0x4;
	v33 =	vshll.u32 v41, $0x4;
	v41 =	vshll.u32 v44, $0x4;
	v44 =	vld [tilespmem:$0xBA0]  }
0xf9: {  	[tilespmem:$0x1FF40] =	vst v63;
	v63 =	vld [tilespmem:$0x250]  }
0xfa: {  	v47 =	vld [tilespmem:$0x1FF40]  }
0xfb: {  	v38 =	vshll.u32 v60, $0x4;
	v60 =	vld [tilespmem:$0x1FF90]  }
0xfc: {  	[tilespmem:$0xDA0] =	vst v34;
	v34 =	vshll.u32 v59, $0x8;
	v59 =	vshll.u32 v48, $0x8;
	v48 =	vld [tilespmem:$0x760]  }
0xfd: {  	v31 =	vadd.s32 v31, v38;
	v38 =	vshll.u32 v52, $0x4;
	v52 =	vld [tilespmem:$0x1FFC0]  }
0xfe: {  	[tilespmem:$0xD80] =	vst v27;
	v51 =	vshll.u32 v63, $0x8;
	v63 =	vld [tilespmem:$0x1FFB0]  }
0xff: {  	v21 =	vshll.u32 v21, $0x4;
	[tilespmem:$0xEC0] =	vst v11;
	v3 =	vadd.s32 v4, v3;
	v27 =	vadd.s32 v47, v31;
	v47 =	vld [tilespmem:$0xB40]  }
0x100: {  	[tilespmem:$0xDB0] =	vst v30;
	v55 =	vadd.s32 v51, v38;
	v31 =	vshll.u32 v56, $0x8;
	v38 =	vshll.u32 v57, $0x4;
	v51 =	vld [tilespmem:$0x350]  }
0x101: {  	[tilespmem:$0xED0] =	vst v3;
	v9 =	vshll.u32 v9, $0x8;
	v56 =	vshll.u32 v39, $0x4;
	v39 =	vld [tilespmem:$0x360];
	v31 =	vadd.s32 v31, v38  }
0x102: {  	[tilespmem:$0xD90] =	vst v19;
	v38 =	vshll.u32 v60, $0x4;
	v19 =	vadd.s32 v61, v55;
	v55 =	vshll.u32 v35, $0x8;
	v35 =	vld [tilespmem:$0x370]  }
0x103: {  	[tilespmem:$0xDE0] =	vst v23;
	v60 =	vshll.u32 v49, $0x4;
	v49 =	vshll.u32 v32, $0x8;
	v32 =	vld [tilespmem:$0x7D0];
	v38 =	vadd.s32 v34, v38  }
0x104: {  	[tilespmem:$0xDC0] =	vst v20;
	v34 =	vld [tilespmem:$0x750];
	v57 =	vadd.s32 v55, v56;
	v61 =	vadd.s32 v59, v60;
	v56 =	vshll.u32 v58, $0x8  }
0x105: {  	[tilespmem:$0xDD0] =	vst v22;
	v58 =	vshll.u32 v7, $0x4;
	v7 =	vld [tilespmem:$0x780];
	v59 =	vshll.u32 v8, $0x8;
	v60 =	vshll.u32 v12, $0x4  }
0x106: {  	[tilespmem:$0xDF0] =	vst v24;
	v12 =	vld [tilespmem:$0xB80];
	v20 =	vadd.s32 v52, v38;
	v52 =	vshll.u32 v62, $0x4;
	v23 =	vadd.s32 v43, v61  }
0x107: {  	[tilespmem:$0xE20] =	vst v26;
	v8 =	vld [tilespmem:$0x790];
	v21 =	vadd.s32 v56, v21;
	v61 =	vshll.u32 v13, $0x8;
	v62 =	vshll.u32 v18, $0x4  }
0x108: {  	[tilespmem:$0xE40] =	vst v27;
	v38 =	vld [tilespmem:$0xB50];
	v30 =	vadd.s32 v63, v31;
	v63 =	vshll.u32 v54, $0x8;
	v21 =	vadd.s32 v50, v21  }
0x109: {  	[tilespmem:$0xE50] =	vst v19;
	v54 =	vld [tilespmem:$0x1FFD0];
	v27 =	vadd.s32 v61, v62;
	v50 =	vshll.u32 v46, $0x4;
	v55 =	vadd.s32 v63, v52  }
0x10a: {  	v31 =	vld [tilespmem:$0xB60];
	[tilespmem:$0xE60] =	vst v30;
	v30 =	vshll.u32 v40, $0x8;
	v40 =	vshll.u32 v42, $0x8;
	v3 =	vadd.s32 v49, v50  }
0x10b: {  	[tilespmem:$0xE70] =	vst v20;
	v61 =	vld [tilespmem:$0x3C0];
	v24 =	vadd.s32 v53, v55;
	v13 =	vadd.s32 v30, v33;
	v43 =	vadd.s32 v40, v41  }
0x10c: {  	[tilespmem:$0xE90] =	vst v23;
	v42 =	vld [tilespmem:$0x7A0];
	v53 =	vshll.u32 v51, $0x8;
	v3 =	vadd.s32 v47, v3;
	v62 =	vshll.u32 v35, $0x8  }
0x10d: {  	[tilespmem:$0xEB0] =	vst v21;
	v52 =	vld [tilespmem:$0x3B0];
	v30 =	vshll.u32 v16, $0x8;
	v33 =	vshll.u32 v37, $0x8;
	v13 =	vadd.s32 v36, v13  }
0x10e: {  	v55 =	vld [tilespmem:$0x7B0];
	[tilespmem:$0xEA0] =	vst v24;
	v45 =	vadd.s32 v45, v43;
	v7 =	vshll.u32 v7, $0x4;
	v8 =	vshll.u32 v8, $0x4  }
0x10f: {  	v40 =	vld [tilespmem:$0x1FFE0];
	[tilespmem:$0xF40] =	vst v3;
	v7 =	vadd.s32 v9, v7;
	v8 =	vadd.s32 v30, v8;
	v9 =	vshll.u32 v32, $0x4  }
0x110: {  	v41 =	vld [tilespmem:$0x1FFF0];
	[tilespmem:$0xF20] =	vst v13;
	v22 =	vadd.s32 v54, v57;
	v57 =	vshll.u32 v6, $0x8;
	v6 =	vadd.s32 v59, v60  }
0x111: {  	v43 =	vld [tilespmem:$0x3F0];
	[tilespmem:$0xF30] =	vst v45;
	v54 =	vshll.u32 v34, $0x4;
	v7 =	vadd.s32 v12, v7;
	v4 =	vadd.s32 v57, v58  }
0x112: {  	v59 =	vld [tilespmem:$0xBB0];
	v63 =	vadd.s32 v10, v6;
	[tilespmem:$0xE80] =	vst v22;
	v6 =	vadd.s32 v14, v27;
	v10 =	vadd.s32 v28, v29  }
0x113: {  	v14 =	vld [tilespmem:$0xB90];
	v56 =	vadd.s32 v53, v54;
	v57 =	vshll.u32 v39, $0x8;
	v58 =	vshll.u32 v48, $0x4;
	[tilespmem:$0xF80] =	vst v7  }
0x114: {  	v28 =	vld [tilespmem:$0x7C0];
	v34 =	vshll.u32 v42, $0x4;
	v37 =	vshll.u32 v52, $0x8;
	v4 =	vadd.s32 v5, v4;
	[tilespmem:$0xEF0] =	vst v63  }
0x115: {  	v29 =	vld [tilespmem:$0xBC0];
	v10 =	vadd.s32 v15, v10;
	v60 =	vadd.s32 v57, v58;
	[tilespmem:$0xF00] =	vst v6;
	v63 =	vshll.u32 v25, $0x4  }
0x116: {  	v39 =	vld [tilespmem:$0x3E0];
	v36 =	vadd.s32 v33, v34;
	v15 =	vshll.u32 v61, $0x8;
	[tilespmem:$0xEE0] =	vst v4;
	v4 =	vadd.s32 v38, v56  }
0x117: {  	v42 =	vld [tilespmem:$0x7E0];
	v18 =	vand.u32 $0x7, v40;
	v5 =	vadd.s32 v31, v60;
	v6 =	vadd.s32 v62, v63;
	[tilespmem:$0xF50] =	vst v4  }
0x118: {  	v31 =	vld [tilespmem:$0x3D0];
	v38 =	vshll.u32 v55, $0x4;
	v54 =	vshll.u32 v43, $0x8;
	[tilespmem:$0xF60] =	vst v5;
	v5 =	vadd.s32 v40, v41  }
0x119: {  	v35 =	vld [tilespmem:$0xBD0];
	v6 =	vadd.s32 v17, v6;
	v4 =	vadd.s32 v44, v36;
	[tilespmem:$0xC00] =	vst v5;
	v5 =	vshll.u32 v5, $0x1  }
0x11a: {  	v45 =	vld [tilespmem:$0x7F0];
	[tilespmem:$0xF10] =	vst v10;
	v3 =	vadd.s32 v14, v8;
	v8 =	vadd.s32 v37, v38;
	v5 =	vand.u32 $0xFFFFFFF0, v5  }
0x11b: {  	v47 =	vld [tilespmem:$0xBE0];
	[tilespmem:$0xF70] =	vst v6;
	v44 =	vshll.u32 v28, $0x4;
	v52 =	vshll.u32 v39, $0x8;
	v5 =	vor.u32 v18, v5  }
0x11c: {  	v49 =	vld [tilespmem:$0xBF0];
	v53 =	vshll.u32 v42, $0x4;
	[tilespmem:$0xF90] =	vst v3;
	v3 =	vadd.s32 v15, v44;
	v50 =	vperm.xlane v5, v0  }
0x11d: {  	[tilespmem:$0xFA0] =	vst v4;
	v8 =	vadd.s32 v59, v8;
	v46 =	vshll.u32 v31, $0x8;
	v3 =	vadd.s32 v29, v3  }
0x11e: {  	[tilespmem:$0xFB0] =	vst v8;
	v5 =	vperm.xlane v5, v2;
	v48 =	vadd.s32 v46, v9;
	v9 =	vadd.s32 v1, v50  }
0x11f: {  	v55 =	vshll.u32 v45, $0x4;
	[tilespmem:$0xFC0] =	vst v3;
	v3 =	vadd.s32 v52, v53;
	v51 =	vadd.s32 v35, v48  }
0x120: {  	v56 =	vadd.s32 v54, v55;
	v3 =	vadd.s32 v47, v3;
	v5 =	vadd.s32 v1, v5;
	[tilespmem:$0xFD0] =	vst v51  }
0x121: {  	[tilespmem:$0xFE0] =	vst v3;
	v3 =	vadd.s32 v49, v56  }
0x122: {  	[tilespmem:$0xFF0] =	vst v3  }
0x123: {  	[tilespmem:s23], [sflag:$0x1] =	stream.indirect_vreg.gather [hbm4b:s2+s3], $0x80, v9, vm0, $0xb8;
	[tilespmem:$0x11000] =	vst v63  }
0x124: {  	s19 =	simm.s32 $0x1800  }
0x125: {  	[tilespmem:s19], [sflag:$0x1] =	stream.indirect_vreg.gather [hbm4b:s2+s3], $0x80, v5, vm0, $0xb8;
	[tilespmem:$0x11000] =	vst v63  }
0x126: {  	v3 =	vld [tilespmem:$0xC10];
	_ =	sdelay $0x4  }
0x127: {  	v57 =	vshll.u32 v3, $0x1  }
0x128: {  	v3 =	vand.u32 $0x7, v3;
	v4 =	vand.u32 $0xFFFFFFF0, v57  }
0x129: {  	v3 =	vor.u32 v3, v4  }
0x12a: {  	v4 =	vperm.xlane v3, v0;
	_ =	sdelay $0x1  }
0x12b: {  	v3 =	vperm.xlane v3, v2;
	v4 =	vadd.s32 v1, v4;
	_ =	sdelay $0x1  }
0x12c: {  	v3 =	vadd.s32 v1, v3;
	_ =	sdelay $0x1  }
0x12d: {  	s20 =	simm.s32 $0x2000  }
0x12e: {  	[tilespmem:s20], [sflag:$0x1] =	stream.indirect_vreg.gather [hbm4b:s2+s3], $0x80, v4, vm0, $0xb8;
	[tilespmem:$0x11000] =	vst v63  }
0x12f: {  	s21 =	simm.s32 $0x2800  }
0x130: {  	[tilespmem:s21], [sflag:$0x1] =	stream.indirect_vreg.gather [hbm4b:s2+s3], $0x80, v3, vm0, $0xb8;
	[tilespmem:$0x11000] =	vst v63  }
0x131: {  	v3 =	vld [tilespmem:$0xC20];
	_ =	sdelay $0x4  }
0x132: {  	v58 =	vshll.u32 v3, $0x1  }
0x133: {  	v3 =	vand.u32 $0x7, v3;
	v4 =	vand.u32 $0xFFFFFFF0, v58  }
0x134: {  	v3 =	vor.u32 v3, v4  }
0x135: {  	v4 =	vperm.xlane v3, v0;
	_ =	sdelay $0x1  }
0x136: {  	v3 =	vperm.xlane v3, v2;
	v4 =	vadd.s32 v1, v4;
	_ =	sdelay $0x1  }
0x137: {  	v3 =	vadd.s32 v1, v3;
	_ =	sdelay $0x1  }
0x138: {  	s24 =	simm.s32 $0x3000  }
0x139: {  	[tilespmem:s24], [sflag:$0x1] =	stream.indirect_vreg.gather [hbm4b:s2+s3], $0x80, v4, vm0, $0xb8;
	[tilespmem:$0x11000] =	vst v63  }
0x13a: {  	s25 =	simm.s32 $0x3800  }
0x13b: {  	[tilespmem:s25], [sflag:$0x1] =	stream.indirect_vreg.gather [hbm4b:s2+s3], $0x80, v3, vm0, $0xb8;
	[tilespmem:$0x11000] =	vst v63  }
0x13c: {  	v3 =	vld [tilespmem:$0xC30];
	_ =	sdelay $0x4  }
0x13d: {  	v59 =	vshll.u32 v3, $0x1  }
0x13e: {  	v3 =	vand.u32 $0x7, v3;
	v4 =	vand.u32 $0xFFFFFFF0, v59  }
0x13f: {  	v3 =	vor.u32 v3, v4  }
0x140: {  	v4 =	vperm.xlane v3, v0;
	_ =	sdelay $0x1  }
0x141: {  	v3 =	vperm.xlane v3, v2;
	v4 =	vadd.s32 v1, v4;
	_ =	sdelay $0x1  }
0x142: {  	v3 =	vadd.s32 v1, v3;
	_ =	sdelay $0x1  }
0x143: {  	s26 =	simm.s32 $0x4000  }
0x144: {  	[tilespmem:s26], [sflag:$0x1] =	stream.indirect_vreg.gather [hbm4b:s2+s3], $0x80, v4, vm0, $0xb8;
	[tilespmem:$0x11000] =	vst v63  }
0x145: {  	s28 =	simm.s32 $0x4800  }
0x146: {  	[tilespmem:s28], [sflag:$0x1] =	stream.indirect_vreg.gather [hbm4b:s2+s3], $0x80, v3, vm0, $0xb8;
	[tilespmem:$0x11000] =	vst v63  }
0x147: {  	v3 =	vld [tilespmem:$0xC40];
	_ =	sdelay $0x4  }
0x148: {  	v60 =	vshll.u32 v3, $0x1  }
0x149: {  	v3 =	vand.u32 $0x7, v3;
	v4 =	vand.u32 $0xFFFFFFF0, v60  }
0x14a: {  	v3 =	vor.u32 v3, v4  }
0x14b: {  	v4 =	vperm.xlane v3, v0;
	_ =	sdelay $0x1  }
0x14c: {  	v3 =	vperm.xlane v3, v2;
	v4 =	vadd.s32 v1, v4;
	_ =	sdelay $0x1  }
0x14d: {  	v3 =	vadd.s32 v1, v3;
	_ =	sdelay $0x1  }
0x14e: {  	s29 =	simm.s32 $0x5000  }
0x14f: {  	[tilespmem:s29], [sflag:$0x1] =	stream.indirect_vreg.gather [hbm4b:s2+s3], $0x80, v4, vm0, $0xb8;
	[tilespmem:$0x11000] =	vst v63  }
0x150: {  	s30 =	simm.s32 $0x5800  }
0x151: {  	[tilespmem:s30], [sflag:$0x1] =	stream.indirect_vreg.gather [hbm4b:s2+s3], $0x80, v3, vm0, $0xb8;
	[tilespmem:$0x11000] =	vst v63  }
0x152: {  	v3 =	vld [tilespmem:$0xC50];
	_ =	sdelay $0x4  }
0x153: {  	v61 =	vshll.u32 v3, $0x1  }
0x154: {  	v3 =	vand.u32 $0x7, v3;
	v4 =	vand.u32 $0xFFFFFFF0, v61  }
0x155: {  	v3 =	vor.u32 v3, v4  }
0x156: {  	v4 =	vperm.xlane v3, v0;
	_ =	sdelay $0x1  }
0x157: {  	v3 =	vperm.xlane v3, v2;
	v4 =	vadd.s32 v1, v4;
	_ =	sdelay $0x1  }
0x158: {  	v3 =	vadd.s32 v1, v3;
	_ =	sdelay $0x1  }
0x159: {  	s31 =	simm.s32 $0x6000  }
0x15a: {  	[tilespmem:s31], [sflag:$0x1] =	stream.indirect_vreg.gather [hbm4b:s2+s3], $0x80, v4, vm0, $0xb8;
	[tilespmem:$0x11000] =	vst v63  }
0x15b: {  	s1 =	simm.s32 $0x6800  }
0x15c: {  	[tilespmem:s1], [sflag:$0x1] =	stream.indirect_vreg.gather [hbm4b:s2+s3], $0x80, v3, vm0, $0xb8;
	[tilespmem:$0x11000] =	vst v63  }
0x15d: {  	v3 =	vld [tilespmem:$0xC60];
	_ =	sdelay $0x4  }
0x15e: {  	v62 =	vshll.u32 v3, $0x1  }
0x15f: {  	v3 =	vand.u32 $0x7, v3;
	v4 =	vand.u32 $0xFFFFFFF0, v62  }
0x160: {  	v3 =	vor.u32 v3, v4  }
0x161: {  	v4 =	vperm.xlane v3, v0;
	_ =	sdelay $0x1  }
0x162: {  	v3 =	vperm.xlane v3, v2;
	v4 =	vadd.s32 v1, v4;
	_ =	sdelay $0x1  }
0x163: {  	v3 =	vadd.s32 v1, v3;
	_ =	sdelay $0x1  }
0x164: {  	s4 =	simm.s32 $0x7000  }
0x165: {  	[tilespmem:s4], [sflag:$0x1] =	stream.indirect_vreg.gather [hbm4b:s2+s3], $0x80, v4, vm0, $0xb8;
	[tilespmem:$0x11000] =	vst v63  }
0x166: {  	s6 =	simm.s32 $0x7800  }
0x167: {  	[tilespmem:s6], [sflag:$0x1] =	stream.indirect_vreg.gather [hbm4b:s2+s3], $0x80, v3, vm0, $0xb8;
	[tilespmem:$0x11000] =	vst v63  }
0x168: {  	v3 =	vld [tilespmem:$0xC70];
	_ =	sdelay $0x4  }
0x169: {  	v63 =	vshll.u32 v3, $0x1  }
0x16a: {  	v3 =	vand.u32 $0x7, v3;
	v4 =	vand.u32 $0xFFFFFFF0, v63  }
0x16b: {  	v3 =	vor.u32 v3, v4  }
0x16c: {  	v4 =	vperm.xlane v3, v0;
	_ =	sdelay $0x1  }
0x16d: {  	v3 =	vperm.xlane v3, v2;
	v4 =	vadd.s32 v1, v4;
	_ =	sdelay $0x1  }
0x16e: {  	v3 =	vadd.s32 v1, v3;
	_ =	sdelay $0x1  }
0x16f: {  	s7 =	simm.s32 $0x8000  }
0x170: {  	[tilespmem:s7], [sflag:$0x1] =	stream.indirect_vreg.gather [hbm4b:s2+s3], $0x80, v4, vm0, $0xb8;
	[tilespmem:$0x11000] =	vst v63  }
0x171: {  	s8 =	simm.s32 $0x8800  }
0x172: {  	[tilespmem:s8], [sflag:$0x1] =	stream.indirect_vreg.gather [hbm4b:s2+s3], $0x80, v3, vm0, $0xb8;
	[tilespmem:$0x11000] =	vst v63  }
0x173: {  	_ =	swait.ge [sflag:s22], $0x8000  }
0x174: {  	[sflag:s22] =	ssyncset.done $0x0  }
0x175: {  	s9 =	rddreg [dreg:$0x6];
	[sflag:s22] =	ssyncadd.s32 $0xFFFF8000  }
0x176: {  	[hbm4b:s9+s3] =	stream.linear.scatter [tilespmem:s23], [sflag:$0x2], $0x8000, $0x38;
	[tilespmem:$0x11000] =	vst v63  }
0x177: {  	v3 =	vld [tilespmem:$0xC80];
	_ =	sdelay $0x4  }
0x178: {  	v8 =	vshll.u32 v3, $0x1  }
0x179: {  	v3 =	vand.u32 $0x7, v3;
	v4 =	vand.u32 $0xFFFFFFF0, v8  }
0x17a: {  	v3 =	vor.u32 v3, v4  }
0x17b: {  	v4 =	vperm.xlane v3, v0;
	_ =	sdelay $0x1  }
0x17c: {  	v3 =	vperm.xlane v3, v2;
	v4 =	vadd.s32 v1, v4;
	_ =	sdelay $0x1  }
0x17d: {  	v3 =	vadd.s32 v1, v3;
	_ =	sdelay $0x2  }
0x17e: {  	[tilespmem:s5], [sflag:$0x1] =	stream.indirect_vreg.gather [hbm4b:s2+s3], $0x80, v4, vm0, $0xb8;
	[tilespmem:$0x11000] =	vst v63  }
0x17f: {  	s10 =	simm.s32 $0x9800  }
0x180: {  	[tilespmem:s10], [sflag:$0x1] =	stream.indirect_vreg.gather [hbm4b:s2+s3], $0x80, v3, vm0, $0xb8;
	[tilespmem:$0x11000] =	vst v63  }
0x181: {  	v3 =	vld [tilespmem:$0xC90];
	_ =	sdelay $0x4  }
0x182: {  	v9 =	vshll.u32 v3, $0x1  }
0x183: {  	v3 =	vand.u32 $0x7, v3;
	v4 =	vand.u32 $0xFFFFFFF0, v9  }
0x184: {  	v3 =	vor.u32 v3, v4  }
0x185: {  	v4 =	vperm.xlane v3, v0;
	_ =	sdelay $0x1  }
0x186: {  	v3 =	vperm.xlane v3, v2;
	v4 =	vadd.s32 v1, v4;
	_ =	sdelay $0x1  }
0x187: {  	v3 =	vadd.s32 v1, v3;
	_ =	sdelay $0x1  }
0x188: {  	s14 =	simm.s32 $0xA000  }
0x189: {  	[tilespmem:s14], [sflag:$0x1] =	stream.indirect_vreg.gather [hbm4b:s2+s3], $0x80, v4, vm0, $0xb8;
	[tilespmem:$0x11000] =	vst v63  }
0x18a: {  	s15 =	simm.s32 $0xA800  }
0x18b: {  	[tilespmem:s15], [sflag:$0x1] =	stream.indirect_vreg.gather [hbm4b:s2+s3], $0x80, v3, vm0, $0xb8;
	[tilespmem:$0x11000] =	vst v63  }
0x18c: {  	v3 =	vld [tilespmem:$0xCA0];
	_ =	sdelay $0x4  }
0x18d: {  	v10 =	vshll.u32 v3, $0x1  }
0x18e: {  	v3 =	vand.u32 $0x7, v3;
	v4 =	vand.u32 $0xFFFFFFF0, v10  }
0x18f: {  	v3 =	vor.u32 v3, v4  }
0x190: {  	v4 =	vperm.xlane v3, v0;
	_ =	sdelay $0x1  }
0x191: {  	v3 =	vperm.xlane v3, v2;
	v4 =	vadd.s32 v1, v4;
	_ =	sdelay $0x1  }
0x192: {  	v3 =	vadd.s32 v1, v3;
	_ =	sdelay $0x1  }
0x193: {  	s16 =	simm.s32 $0xB000  }
0x194: {  	[tilespmem:s16], [sflag:$0x1] =	stream.indirect_vreg.gather [hbm4b:s2+s3], $0x80, v4, vm0, $0xb8;
	[tilespmem:$0x11000] =	vst v63  }
0x195: {  	s18 =	simm.s32 $0xB800  }
0x196: {  	[tilespmem:s18], [sflag:$0x1] =	stream.indirect_vreg.gather [hbm4b:s2+s3], $0x80, v3, vm0, $0xb8;
	[tilespmem:$0x11000] =	vst v63  }
0x197: {  	v3 =	vld [tilespmem:$0xCB0];
	_ =	sdelay $0x4  }
0x198: {  	v11 =	vshll.u32 v3, $0x1  }
0x199: {  	v3 =	vand.u32 $0x7, v3;
	v4 =	vand.u32 $0xFFFFFFF0, v11  }
0x19a: {  	v3 =	vor.u32 v3, v4  }
0x19b: {  	v4 =	vperm.xlane v3, v0;
	_ =	sdelay $0x1  }
0x19c: {  	v3 =	vperm.xlane v3, v2;
	v4 =	vadd.s32 v1, v4;
	_ =	sdelay $0x1  }
0x19d: {  	v3 =	vadd.s32 v1, v3;
	_ =	sdelay $0x1  }
0x19e: {  	s19 =	simm.s32 $0xC000  }
0x19f: {  	[tilespmem:s19], [sflag:$0x1] =	stream.indirect_vreg.gather [hbm4b:s2+s3], $0x80, v4, vm0, $0xb8;
	[tilespmem:$0x11000] =	vst v63  }
0x1a0: {  	s24 =	simm.s32 $0xC800  }
0x1a1: {  	[tilespmem:s24], [sflag:$0x1] =	stream.indirect_vreg.gather [hbm4b:s2+s3], $0x80, v3, vm0, $0xb8;
	[tilespmem:$0x11000] =	vst v63  }
0x1a2: {  	v3 =	vld [tilespmem:$0xCC0];
	_ =	sdelay $0x4  }
0x1a3: {  	v12 =	vshll.u32 v3, $0x1  }
0x1a4: {  	v3 =	vand.u32 $0x7, v3;
	v4 =	vand.u32 $0xFFFFFFF0, v12  }
0x1a5: {  	v3 =	vor.u32 v3, v4  }
0x1a6: {  	v4 =	vperm.xlane v3, v0;
	_ =	sdelay $0x1  }
0x1a7: {  	v3 =	vperm.xlane v3, v2;
	v4 =	vadd.s32 v1, v4;
	_ =	sdelay $0x1  }
0x1a8: {  	v3 =	vadd.s32 v1, v3;
	_ =	sdelay $0x1  }
0x1a9: {  	s25 =	simm.s32 $0xD000  }
0x1aa: {  	[tilespmem:s25], [sflag:$0x1] =	stream.indirect_vreg.gather [hbm4b:s2+s3], $0x80, v4, vm0, $0xb8;
	[tilespmem:$0x11000] =	vst v63  }
0x1ab: {  	s26 =	simm.s32 $0xD800  }
0x1ac: {  	[tilespmem:s26], [sflag:$0x1] =	stream.indirect_vreg.gather [hbm4b:s2+s3], $0x80, v3, vm0, $0xb8;
	[tilespmem:$0x11000] =	vst v63  }
0x1ad: {  	v3 =	vld [tilespmem:$0xCD0];
	_ =	sdelay $0x4  }
0x1ae: {  	v13 =	vshll.u32 v3, $0x1  }
0x1af: {  	v3 =	vand.u32 $0x7, v3;
	v4 =	vand.u32 $0xFFFFFFF0, v13  }
0x1b0: {  	v3 =	vor.u32 v3, v4  }
0x1b1: {  	v4 =	vperm.xlane v3, v0;
	_ =	sdelay $0x1  }
0x1b2: {  	v3 =	vperm.xlane v3, v2;
	v4 =	vadd.s32 v1, v4;
	_ =	sdelay $0x1  }
0x1b3: {  	v3 =	vadd.s32 v1, v3;
	_ =	sdelay $0x1  }
0x1b4: {  	s28 =	simm.s32 $0xE000  }
0x1b5: {  	[tilespmem:s28], [sflag:$0x1] =	stream.indirect_vreg.gather [hbm4b:s2+s3], $0x80, v4, vm0, $0xb8;
	[tilespmem:$0x11000] =	vst v63  }
0x1b6: {  	s29 =	simm.s32 $0xE800  }
0x1b7: {  	[tilespmem:s29], [sflag:$0x1] =	stream.indirect_vreg.gather [hbm4b:s2+s3], $0x80, v3, vm0, $0xb8;
	[tilespmem:$0x11000] =	vst v63  }
0x1b8: {  	v3 =	vld [tilespmem:$0xCE0];
	_ =	sdelay $0x4  }
0x1b9: {  	v14 =	vshll.u32 v3, $0x1  }
0x1ba: {  	v3 =	vand.u32 $0x7, v3;
	v4 =	vand.u32 $0xFFFFFFF0, v14  }
0x1bb: {  	v3 =	vor.u32 v3, v4  }
0x1bc: {  	v4 =	vperm.xlane v3, v0;
	_ =	sdelay $0x1  }
0x1bd: {  	v3 =	vperm.xlane v3, v2;
	v4 =	vadd.s32 v1, v4;
	_ =	sdelay $0x1  }
0x1be: {  	v3 =	vadd.s32 v1, v3;
	_ =	sdelay $0x1  }
0x1bf: {  	s30 =	simm.s32 $0xF000  }
0x1c0: {  	[tilespmem:s30], [sflag:$0x1] =	stream.indirect_vreg.gather [hbm4b:s2+s3], $0x80, v4, vm0, $0xb8;
	[tilespmem:$0x11000] =	vst v63  }
0x1c1: {  	s31 =	simm.s32 $0xF800  }
0x1c2: {  	[tilespmem:s31], [sflag:$0x1] =	stream.indirect_vreg.gather [hbm4b:s2+s3], $0x80, v3, vm0, $0xb8;
	[tilespmem:$0x11000] =	vst v63  }
0x1c3: {  	v3 =	vld [tilespmem:$0xCF0];
	_ =	sdelay $0x4  }
0x1c4: {  	v15 =	vshll.u32 v3, $0x1  }
0x1c5: {  	v3 =	vand.u32 $0x7, v3;
	v4 =	vand.u32 $0xFFFFFFF0, v15  }
0x1c6: {  	v3 =	vor.u32 v3, v4  }
0x1c7: {  	v4 =	vperm.xlane v3, v0;
	_ =	sdelay $0x1  }
0x1c8: {  	v3 =	vperm.xlane v3, v2;
	v4 =	vadd.s32 v1, v4;
	_ =	sdelay $0x1  }
0x1c9: {  	v3 =	vadd.s32 v1, v3;
	_ =	sdelay $0x1  }
0x1ca: {  	s0 =	simm.s32 $0x10000  }
0x1cb: {  	[tilespmem:s0], [sflag:$0x1] =	stream.indirect_vreg.gather [hbm4b:s2+s3], $0x80, v4, vm0, $0xb8;
	[tilespmem:$0x11000] =	vst v63  }
0x1cc: {  	s9 =	simm.s32 $0x10800  }
0x1cd: {  	[tilespmem:s9], [sflag:$0x1] =	stream.indirect_vreg.gather [hbm4b:s2+s3], $0x80, v3, vm0, $0xb8;
	[tilespmem:$0x11000] =	vst v63  }
0x1ce: {  	_ =	swait.ge [sflag:s22], $0x8000  }
0x1cf: {  	[sflag:s22] =	ssyncset.done $0x0  }
0x1d0: {  	s10 =	rddreg [dreg:$0x7];
	[sflag:s22] =	ssyncadd.s32 $0xFFFF8000  }
0x1d1: {  	[hbm4b:s10+s3] =	stream.linear.scatter [tilespmem:s5], [sflag:$0x2], $0x8000, $0x38;
	[tilespmem:$0x11000] =	vst v63  }
0x1d2: {  	_ =	swait.ge [sflag:s13], $0x8000  }
0x1d3: {  	[sflag:s13] =	ssyncset.done $0x0  }
0x1d4: {  	[sflag:s13] =	ssyncadd.s32 $0xFFFF8000  }
0x1d5: {  	v3 =	vld [tilespmem:$0xD00];
	_ =	sdelay $0x4  }
0x1d6: {  	v16 =	vshll.u32 v3, $0x1  }
0x1d7: {  	v3 =	vand.u32 $0x7, v3;
	v4 =	vand.u32 $0xFFFFFFF0, v16  }
0x1d8: {  	v3 =	vor.u32 v3, v4  }
0x1d9: {  	v4 =	vperm.xlane v3, v0;
	_ =	sdelay $0x1  }
0x1da: {  	v3 =	vperm.xlane v3, v2;
	v4 =	vadd.s32 v1, v4;
	_ =	sdelay $0x1  }
0x1db: {  	v3 =	vadd.s32 v1, v3;
	_ =	sdelay $0x2  }
0x1dc: {  	[tilespmem:s23], [sflag:$0x1] =	stream.indirect_vreg.gather [hbm4b:s2+s3], $0x80, v4, vm0, $0xb8;
	[tilespmem:$0x11000] =	vst v63  }
0x1dd: {  	s18 =	simm.s32 $0x1800  }
0x1de: {  	[tilespmem:s18], [sflag:$0x1] =	stream.indirect_vreg.gather [hbm4b:s2+s3], $0x80, v3, vm0, $0xb8;
	[tilespmem:$0x11000] =	vst v63  }
0x1df: {  	v3 =	vld [tilespmem:$0xD10];
	_ =	sdelay $0x4  }
0x1e0: {  	v17 =	vshll.u32 v3, $0x1  }
0x1e1: {  	v3 =	vand.u32 $0x7, v3;
	v4 =	vand.u32 $0xFFFFFFF0, v17  }
0x1e2: {  	v3 =	vor.u32 v3, v4  }
0x1e3: {  	v4 =	vperm.xlane v3, v0;
	_ =	sdelay $0x1  }
0x1e4: {  	v3 =	vperm.xlane v3, v2;
	v4 =	vadd.s32 v1, v4;
	_ =	sdelay $0x1  }
0x1e5: {  	v3 =	vadd.s32 v1, v3;
	_ =	sdelay $0x1  }
0x1e6: {  	s12 =	simm.s32 $0x2000  }
0x1e7: {  	[tilespmem:s12], [sflag:$0x1] =	stream.indirect_vreg.gather [hbm4b:s2+s3], $0x80, v4, vm0, $0xb8;
	[tilespmem:$0x11000] =	vst v63  }
0x1e8: {  	s19 =	simm.s32 $0x2800  }
0x1e9: {  	[tilespmem:s19], [sflag:$0x1] =	stream.indirect_vreg.gather [hbm4b:s2+s3], $0x80, v3, vm0, $0xb8;
	[tilespmem:$0x11000] =	vst v63  }
0x1ea: {  	v3 =	vld [tilespmem:$0xD20];
	_ =	sdelay $0x4  }
0x1eb: {  	v18 =	vshll.u32 v3, $0x1  }
0x1ec: {  	v3 =	vand.u32 $0x7, v3;
	v4 =	vand.u32 $0xFFFFFFF0, v18  }
0x1ed: {  	v3 =	vor.u32 v3, v4  }
0x1ee: {  	v4 =	vperm.xlane v3, v0;
	_ =	sdelay $0x1  }
0x1ef: {  	v3 =	vperm.xlane v3, v2;
	v4 =	vadd.s32 v1, v4;
	_ =	sdelay $0x1  }
0x1f0: {  	v3 =	vadd.s32 v1, v3;
	_ =	sdelay $0x1  }
0x1f1: {  	s17 =	simm.s32 $0x3000  }
0x1f2: {  	[tilespmem:s17], [sflag:$0x1] =	stream.indirect_vreg.gather [hbm4b:s2+s3], $0x80, v4, vm0, $0xb8;
	[tilespmem:$0x11000] =	vst v63  }
0x1f3: {  	s20 =	simm.s32 $0x3800  }
0x1f4: {  	[tilespmem:s20], [sflag:$0x1] =	stream.indirect_vreg.gather [hbm4b:s2+s3], $0x80, v3, vm0, $0xb8;
	[tilespmem:$0x11000] =	vst v63  }
0x1f5: {  	v3 =	vld [tilespmem:$0xD30];
	_ =	sdelay $0x4  }
0x1f6: {  	v19 =	vshll.u32 v3, $0x1  }
0x1f7: {  	v3 =	vand.u32 $0x7, v3;
	v4 =	vand.u32 $0xFFFFFFF0, v19  }
0x1f8: {  	v3 =	vor.u32 v3, v4  }
0x1f9: {  	v4 =	vperm.xlane v3, v0;
	_ =	sdelay $0x1  }
0x1fa: {  	v3 =	vperm.xlane v3, v2;
	v4 =	vadd.s32 v1, v4;
	_ =	sdelay $0x1  }
0x1fb: {  	v3 =	vadd.s32 v1, v3;
	_ =	sdelay $0x1  }
0x1fc: {  	s20 =	simm.s32 $0x4000  }
0x1fd: {  	[tilespmem:s20], [sflag:$0x1] =	stream.indirect_vreg.gather [hbm4b:s2+s3], $0x80, v4, vm0, $0xb8;
	[tilespmem:$0x11000] =	vst v63  }
0x1fe: {  	s24 =	simm.s32 $0x4800  }
0x1ff: {  	[tilespmem:s24], [sflag:$0x1] =	stream.indirect_vreg.gather [hbm4b:s2+s3], $0x80, v3, vm0, $0xb8;
	[tilespmem:$0x11000] =	vst v63  }
0x200: {  	v3 =	vld [tilespmem:$0xD40];
	_ =	sdelay $0x4  }
0x201: {  	v20 =	vshll.u32 v3, $0x1  }
0x202: {  	v3 =	vand.u32 $0x7, v3;
	v4 =	vand.u32 $0xFFFFFFF0, v20  }
0x203: {  	v3 =	vor.u32 v3, v4  }
0x204: {  	v4 =	vperm.xlane v3, v0;
	_ =	sdelay $0x1  }
0x205: {  	v3 =	vperm.xlane v3, v2;
	v4 =	vadd.s32 v1, v4;
	_ =	sdelay $0x1  }
0x206: {  	v3 =	vadd.s32 v1, v3;
	_ =	sdelay $0x1  }
0x207: {  	s21 =	simm.s32 $0x5000  }
0x208: {  	[tilespmem:s21], [sflag:$0x1] =	stream.indirect_vreg.gather [hbm4b:s2+s3], $0x80, v4, vm0, $0xb8;
	[tilespmem:$0x11000] =	vst v63  }
0x209: {  	s25 =	simm.s32 $0x5800  }
0x20a: {  	[tilespmem:s25], [sflag:$0x1] =	stream.indirect_vreg.gather [hbm4b:s2+s3], $0x80, v3, vm0, $0xb8;
	[tilespmem:$0x11000] =	vst v63  }
0x20b: {  	v3 =	vld [tilespmem:$0xD50];
	_ =	sdelay $0x4  }
0x20c: {  	v21 =	vshll.u32 v3, $0x1  }
0x20d: {  	v3 =	vand.u32 $0x7, v3;
	v4 =	vand.u32 $0xFFFFFFF0, v21  }
0x20e: {  	v3 =	vor.u32 v3, v4  }
0x20f: {  	v4 =	vperm.xlane v3, v0;
	_ =	sdelay $0x1  }
0x210: {  	v3 =	vperm.xlane v3, v2;
	v4 =	vadd.s32 v1, v4;
	_ =	sdelay $0x1  }
0x211: {  	v3 =	vadd.s32 v1, v3;
	_ =	sdelay $0x1  }
0x212: {  	s26 =	simm.s32 $0x6000  }
0x213: {  	[tilespmem:s26], [sflag:$0x1] =	stream.indirect_vreg.gather [hbm4b:s2+s3], $0x80, v4, vm0, $0xb8;
	[tilespmem:$0x11000] =	vst v63  }
0x214: {  	s28 =	simm.s32 $0x6800  }
0x215: {  	[tilespmem:s28], [sflag:$0x1] =	stream.indirect_vreg.gather [hbm4b:s2+s3], $0x80, v3, vm0, $0xb8;
	[tilespmem:$0x11000] =	vst v63  }
0x216: {  	v3 =	vld [tilespmem:$0xD60];
	_ =	sdelay $0x4  }
0x217: {  	v22 =	vshll.u32 v3, $0x1  }
0x218: {  	v3 =	vand.u32 $0x7, v3;
	v4 =	vand.u32 $0xFFFFFFF0, v22  }
0x219: {  	v3 =	vor.u32 v3, v4  }
0x21a: {  	v4 =	vperm.xlane v3, v0;
	_ =	sdelay $0x1  }
0x21b: {  	v3 =	vperm.xlane v3, v2;
	v4 =	vadd.s32 v1, v4;
	_ =	sdelay $0x1  }
0x21c: {  	v3 =	vadd.s32 v1, v3;
	_ =	sdelay $0x1  }
0x21d: {  	s29 =	simm.s32 $0x7000  }
0x21e: {  	[tilespmem:s29], [sflag:$0x1] =	stream.indirect_vreg.gather [hbm4b:s2+s3], $0x80, v4, vm0, $0xb8;
	[tilespmem:$0x11000] =	vst v63  }
0x21f: {  	s30 =	simm.s32 $0x7800  }
0x220: {  	[tilespmem:s30], [sflag:$0x1] =	stream.indirect_vreg.gather [hbm4b:s2+s3], $0x80, v3, vm0, $0xb8;
	[tilespmem:$0x11000] =	vst v63  }
0x221: {  	v3 =	vld [tilespmem:$0xD70];
	_ =	sdelay $0x4  }
0x222: {  	v23 =	vshll.u32 v3, $0x1  }
0x223: {  	v3 =	vand.u32 $0x7, v3;
	v4 =	vand.u32 $0xFFFFFFF0, v23  }
0x224: {  	v3 =	vor.u32 v3, v4  }
0x225: {  	v4 =	vperm.xlane v3, v0;
	_ =	sdelay $0x1  }
0x226: {  	v3 =	vperm.xlane v3, v2;
	v4 =	vadd.s32 v1, v4;
	_ =	sdelay $0x1  }
0x227: {  	v3 =	vadd.s32 v1, v3;
	_ =	sdelay $0x1  }
0x228: {  	s31 =	simm.s32 $0x8000  }
0x229: {  	[tilespmem:s31], [sflag:$0x1] =	stream.indirect_vreg.gather [hbm4b:s2+s3], $0x80, v4, vm0, $0xb8;
	[tilespmem:$0x11000] =	vst v63  }
0x22a: {  	s21 =	simm.s32 $0x8800  }
0x22b: {  	[tilespmem:s21], [sflag:$0x1] =	stream.indirect_vreg.gather [hbm4b:s2+s3], $0x80, v3, vm0, $0xb8;
	[tilespmem:$0x11000] =	vst v63  }
0x22c: {  	_ =	swait.ge [sflag:s22], $0x8000  }
0x22d: {  	[sflag:s22] =	ssyncset.done $0x0  }
0x22e: {  	s12 =	rddreg [dreg:$0x8];
	[sflag:s22] =	ssyncadd.s32 $0xFFFF8000  }
0x22f: {  	[hbm4b:s12+s3] =	stream.linear.scatter [tilespmem:s23], [sflag:$0x2], $0x8000, $0x38;
	[tilespmem:$0x11000] =	vst v63  }
0x230: {  	_ =	swait.ge [sflag:s13], $0x8000  }
0x231: {  	[sflag:s13] =	ssyncset.done $0x0  }
0x232: {  	[sflag:s13] =	ssyncadd.s32 $0xFFFF8000  }
0x233: {  	v3 =	vld [tilespmem:$0xD80];
	_ =	sdelay $0x4  }
0x234: {  	v24 =	vshll.u32 v3, $0x1  }
0x235: {  	v3 =	vand.u32 $0x7, v3;
	v4 =	vand.u32 $0xFFFFFFF0, v24  }
0x236: {  	v3 =	vor.u32 v3, v4  }
0x237: {  	v4 =	vperm.xlane v3, v0;
	_ =	sdelay $0x1  }
0x238: {  	v3 =	vperm.xlane v3, v2;
	v4 =	vadd.s32 v1, v4;
	_ =	sdelay $0x1  }
0x239: {  	v3 =	vadd.s32 v1, v3;
	_ =	sdelay $0x2  }
0x23a: {  	[tilespmem:s5], [sflag:$0x1] =	stream.indirect_vreg.gather [hbm4b:s2+s3], $0x80, v4, vm0, $0xb8;
	[tilespmem:$0x11000] =	vst v63  }
0x23b: {  	s1 =	simm.s32 $0x9800  }
0x23c: {  	[tilespmem:s1], [sflag:$0x1] =	stream.indirect_vreg.gather [hbm4b:s2+s3], $0x80, v3, vm0, $0xb8;
	[tilespmem:$0x11000] =	vst v63  }
0x23d: {  	v3 =	vld [tilespmem:$0xD90];
	_ =	sdelay $0x4  }
0x23e: {  	v25 =	vshll.u32 v3, $0x1  }
0x23f: {  	v3 =	vand.u32 $0x7, v3;
	v4 =	vand.u32 $0xFFFFFFF0, v25  }
0x240: {  	v3 =	vor.u32 v3, v4  }
0x241: {  	v4 =	vperm.xlane v3, v0;
	_ =	sdelay $0x1  }
0x242: {  	v3 =	vperm.xlane v3, v2;
	v4 =	vadd.s32 v1, v4;
	_ =	sdelay $0x1  }
0x243: {  	v3 =	vadd.s32 v1, v3;
	_ =	sdelay $0x1  }
0x244: {  	s0 =	simm.s32 $0xA000  }
0x245: {  	[tilespmem:s0], [sflag:$0x1] =	stream.indirect_vreg.gather [hbm4b:s2+s3], $0x80, v4, vm0, $0xb8;
	[tilespmem:$0x11000] =	vst v63  }
0x246: {  	s4 =	simm.s32 $0xA800  }
0x247: {  	[tilespmem:s4], [sflag:$0x1] =	stream.indirect_vreg.gather [hbm4b:s2+s3], $0x80, v3, vm0, $0xb8;
	[tilespmem:$0x11000] =	vst v63  }
0x248: {  	v3 =	vld [tilespmem:$0xDA0];
	_ =	sdelay $0x4  }
0x249: {  	v26 =	vshll.u32 v3, $0x1  }
0x24a: {  	v3 =	vand.u32 $0x7, v3;
	v4 =	vand.u32 $0xFFFFFFF0, v26  }
0x24b: {  	v3 =	vor.u32 v3, v4  }
0x24c: {  	v4 =	vperm.xlane v3, v0;
	_ =	sdelay $0x1  }
0x24d: {  	v3 =	vperm.xlane v3, v2;
	v4 =	vadd.s32 v1, v4;
	_ =	sdelay $0x1  }
0x24e: {  	v3 =	vadd.s32 v1, v3;
	_ =	sdelay $0x1  }
0x24f: {  	s1 =	simm.s32 $0xB000  }
0x250: {  	[tilespmem:s1], [sflag:$0x1] =	stream.indirect_vreg.gather [hbm4b:s2+s3], $0x80, v4, vm0, $0xb8;
	[tilespmem:$0x11000] =	vst v63  }
0x251: {  	s12 =	simm.s32 $0xB800  }
0x252: {  	[tilespmem:s12], [sflag:$0x1] =	stream.indirect_vreg.gather [hbm4b:s2+s3], $0x80, v3, vm0, $0xb8;
	[tilespmem:$0x11000] =	vst v63  }
0x253: {  	v3 =	vld [tilespmem:$0xDB0];
	_ =	sdelay $0x4  }
0x254: {  	v27 =	vshll.u32 v3, $0x1  }
0x255: {  	v3 =	vand.u32 $0x7, v3;
	v4 =	vand.u32 $0xFFFFFFF0, v27  }
0x256: {  	v3 =	vor.u32 v3, v4  }
0x257: {  	v4 =	vperm.xlane v3, v0;
	_ =	sdelay $0x1  }
0x258: {  	v3 =	vperm.xlane v3, v2;
	v4 =	vadd.s32 v1, v4;
	_ =	sdelay $0x1  }
0x259: {  	v3 =	vadd.s32 v1, v3;
	_ =	sdelay $0x1  }
0x25a: {  	s4 =	simm.s32 $0xC000  }
0x25b: {  	[tilespmem:s4], [sflag:$0x1] =	stream.indirect_vreg.gather [hbm4b:s2+s3], $0x80, v4, vm0, $0xb8;
	[tilespmem:$0x11000] =	vst v63  }
0x25c: {  	s17 =	simm.s32 $0xC800  }
0x25d: {  	[tilespmem:s17], [sflag:$0x1] =	stream.indirect_vreg.gather [hbm4b:s2+s3], $0x80, v3, vm0, $0xb8;
	[tilespmem:$0x11000] =	vst v63  }
0x25e: {  	v3 =	vld [tilespmem:$0xDC0];
	_ =	sdelay $0x4  }
0x25f: {  	v28 =	vshll.u32 v3, $0x1  }
0x260: {  	v3 =	vand.u32 $0x7, v3;
	v4 =	vand.u32 $0xFFFFFFF0, v28  }
0x261: {  	v3 =	vor.u32 v3, v4  }
0x262: {  	v4 =	vperm.xlane v3, v0;
	_ =	sdelay $0x1  }
0x263: {  	v3 =	vperm.xlane v3, v2;
	v4 =	vadd.s32 v1, v4;
	_ =	sdelay $0x1  }
0x264: {  	v3 =	vadd.s32 v1, v3;
	_ =	sdelay $0x1  }
0x265: {  	s14 =	simm.s32 $0xD000  }
0x266: {  	[tilespmem:s14], [sflag:$0x1] =	stream.indirect_vreg.gather [hbm4b:s2+s3], $0x80, v4, vm0, $0xb8;
	[tilespmem:$0x11000] =	vst v63  }
0x267: {  	s6 =	simm.s32 $0xD800  }
0x268: {  	[tilespmem:s6], [sflag:$0x1] =	stream.indirect_vreg.gather [hbm4b:s2+s3], $0x80, v3, vm0, $0xb8;
	[tilespmem:$0x11000] =	vst v63  }
0x269: {  	v3 =	vld [tilespmem:$0xDD0];
	_ =	sdelay $0x4  }
0x26a: {  	v29 =	vshll.u32 v3, $0x1  }
0x26b: {  	v3 =	vand.u32 $0x7, v3;
	v4 =	vand.u32 $0xFFFFFFF0, v29  }
0x26c: {  	v3 =	vor.u32 v3, v4  }
0x26d: {  	v4 =	vperm.xlane v3, v0;
	_ =	sdelay $0x1  }
0x26e: {  	v3 =	vperm.xlane v3, v2;
	v4 =	vadd.s32 v1, v4;
	_ =	sdelay $0x1  }
0x26f: {  	v3 =	vadd.s32 v1, v3;
	_ =	sdelay $0x1  }
0x270: {  	s15 =	simm.s32 $0xE000  }
0x271: {  	[tilespmem:s15], [sflag:$0x1] =	stream.indirect_vreg.gather [hbm4b:s2+s3], $0x80, v4, vm0, $0xb8;
	[tilespmem:$0x11000] =	vst v63  }
0x272: {  	s7 =	simm.s32 $0xE800  }
0x273: {  	[tilespmem:s7], [sflag:$0x1] =	stream.indirect_vreg.gather [hbm4b:s2+s3], $0x80, v3, vm0, $0xb8;
	[tilespmem:$0x11000] =	vst v63  }
0x274: {  	v3 =	vld [tilespmem:$0xDE0];
	_ =	sdelay $0x4  }
0x275: {  	v30 =	vshll.u32 v3, $0x1  }
0x276: {  	v3 =	vand.u32 $0x7, v3;
	v4 =	vand.u32 $0xFFFFFFF0, v30  }
0x277: {  	v3 =	vor.u32 v3, v4  }
0x278: {  	v4 =	vperm.xlane v3, v0;
	_ =	sdelay $0x1  }
0x279: {  	v3 =	vperm.xlane v3, v2;
	v4 =	vadd.s32 v1, v4;
	_ =	sdelay $0x1  }
0x27a: {  	v3 =	vadd.s32 v1, v3;
	_ =	sdelay $0x1  }
0x27b: {  	s16 =	simm.s32 $0xF000  }
0x27c: {  	[tilespmem:s16], [sflag:$0x1] =	stream.indirect_vreg.gather [hbm4b:s2+s3], $0x80, v4, vm0, $0xb8;
	[tilespmem:$0x11000] =	vst v63  }
0x27d: {  	s8 =	simm.s32 $0xF800  }
0x27e: {  	[tilespmem:s8], [sflag:$0x1] =	stream.indirect_vreg.gather [hbm4b:s2+s3], $0x80, v3, vm0, $0xb8;
	[tilespmem:$0x11000] =	vst v63  }
0x27f: {  	v3 =	vld [tilespmem:$0xDF0];
	_ =	sdelay $0x4  }
0x280: {  	v31 =	vshll.u32 v3, $0x1  }
0x281: {  	v3 =	vand.u32 $0x7, v3;
	v4 =	vand.u32 $0xFFFFFFF0, v31  }
0x282: {  	v3 =	vor.u32 v3, v4  }
0x283: {  	v4 =	vperm.xlane v3, v0;
	_ =	sdelay $0x1  }
0x284: {  	v3 =	vperm.xlane v3, v2;
	v4 =	vadd.s32 v1, v4;
	_ =	sdelay $0x1  }
0x285: {  	v3 =	vadd.s32 v1, v3;
	_ =	sdelay $0x1  }
0x286: {  	s16 =	simm.s32 $0x10000  }
0x287: {  	[tilespmem:s16], [sflag:$0x1] =	stream.indirect_vreg.gather [hbm4b:s2+s3], $0x80, v4, vm0, $0xb8;
	[tilespmem:$0x11000] =	vst v63  }
0x288: {  	s9 =	simm.s32 $0x10800  }
0x289: {  	[tilespmem:s9], [sflag:$0x1] =	stream.indirect_vreg.gather [hbm4b:s2+s3], $0x80, v3, vm0, $0xb8;
	[tilespmem:$0x11000] =	vst v63  }
0x28a: {  	_ =	swait.ge [sflag:s22], $0x8000  }
0x28b: {  	[sflag:s22] =	ssyncset.done $0x0  }
0x28c: {  	s8 =	rddreg [dreg:$0x9];
	[sflag:s22] =	ssyncadd.s32 $0xFFFF8000  }
0x28d: {  	[hbm4b:s8+s3] =	stream.linear.scatter [tilespmem:s5], [sflag:$0x2], $0x8000, $0x38;
	[tilespmem:$0x11000] =	vst v63  }
0x28e: {  	_ =	swait.ge [sflag:s13], $0x8000  }
0x28f: {  	[sflag:s13] =	ssyncset.done $0x0  }
0x290: {  	[sflag:s13] =	ssyncadd.s32 $0xFFFF8000  }
0x291: {  	v3 =	vld [tilespmem:$0xE00];
	_ =	sdelay $0x4  }
0x292: {  	v32 =	vshll.u32 v3, $0x1  }
0x293: {  	v3 =	vand.u32 $0x7, v3;
	v4 =	vand.u32 $0xFFFFFFF0, v32  }
0x294: {  	v3 =	vor.u32 v3, v4  }
0x295: {  	v4 =	vperm.xlane v3, v0;
	_ =	sdelay $0x1  }
0x296: {  	v3 =	vperm.xlane v3, v2;
	v4 =	vadd.s32 v1, v4;
	_ =	sdelay $0x1  }
0x297: {  	v3 =	vadd.s32 v1, v3;
	_ =	sdelay $0x2  }
0x298: {  	[tilespmem:s23], [sflag:$0x1] =	stream.indirect_vreg.gather [hbm4b:s2+s3], $0x80, v4, vm0, $0xb8;
	[tilespmem:$0x11000] =	vst v63  }
0x299: {  	_ = 	snop  }
0x29a: {  	[tilespmem:s18], [sflag:$0x1] =	stream.indirect_vreg.gather [hbm4b:s2+s3], $0x80, v3, vm0, $0xb8;
	[tilespmem:$0x11000] =	vst v63  }
0x29b: {  	v3 =	vld [tilespmem:$0xE10];
	_ =	sdelay $0x4  }
0x29c: {  	v33 =	vshll.u32 v3, $0x1  }
0x29d: {  	v3 =	vand.u32 $0x7, v3;
	v4 =	vand.u32 $0xFFFFFFF0, v33  }
0x29e: {  	v3 =	vor.u32 v3, v4  }
0x29f: {  	v4 =	vperm.xlane v3, v0;
	_ =	sdelay $0x1  }
0x2a0: {  	v3 =	vperm.xlane v3, v2;
	v4 =	vadd.s32 v1, v4;
	_ =	sdelay $0x1  }
0x2a1: {  	v3 =	vadd.s32 v1, v3;
	_ =	sdelay $0x1  }
0x2a2: {  	s9 =	simm.s32 $0x2000  }
0x2a3: {  	[tilespmem:s9], [sflag:$0x1] =	stream.indirect_vreg.gather [hbm4b:s2+s3], $0x80, v4, vm0, $0xb8;
	[tilespmem:$0x11000] =	vst v63  }
0x2a4: {  	_ = 	snop  }
0x2a5: {  	[tilespmem:s19], [sflag:$0x1] =	stream.indirect_vreg.gather [hbm4b:s2+s3], $0x80, v3, vm0, $0xb8;
	[tilespmem:$0x11000] =	vst v63  }
0x2a6: {  	v3 =	vld [tilespmem:$0xE20];
	_ =	sdelay $0x4  }
0x2a7: {  	v34 =	vshll.u32 v3, $0x1  }
0x2a8: {  	v3 =	vand.u32 $0x7, v3;
	v4 =	vand.u32 $0xFFFFFFF0, v34  }
0x2a9: {  	v3 =	vor.u32 v3, v4  }
0x2aa: {  	v4 =	vperm.xlane v3, v0;
	_ =	sdelay $0x1  }
0x2ab: {  	v3 =	vperm.xlane v3, v2;
	v4 =	vadd.s32 v1, v4;
	_ =	sdelay $0x1  }
0x2ac: {  	v3 =	vadd.s32 v1, v3;
	_ =	sdelay $0x1  }
0x2ad: {  	s14 =	simm.s32 $0x3000  }
0x2ae: {  	[tilespmem:s14], [sflag:$0x1] =	stream.indirect_vreg.gather [hbm4b:s2+s3], $0x80, v4, vm0, $0xb8;
	[tilespmem:$0x11000] =	vst v63  }
0x2af: {  	s19 =	simm.s32 $0x3800  }
0x2b0: {  	[tilespmem:s19], [sflag:$0x1] =	stream.indirect_vreg.gather [hbm4b:s2+s3], $0x80, v3, vm0, $0xb8;
	[tilespmem:$0x11000] =	vst v63  }
0x2b1: {  	v3 =	vld [tilespmem:$0xE30];
	_ =	sdelay $0x4  }
0x2b2: {  	v35 =	vshll.u32 v3, $0x1  }
0x2b3: {  	v3 =	vand.u32 $0x7, v3;
	v4 =	vand.u32 $0xFFFFFFF0, v35  }
0x2b4: {  	v3 =	vor.u32 v3, v4  }
0x2b5: {  	v4 =	vperm.xlane v3, v0;
	_ =	sdelay $0x1  }
0x2b6: {  	v3 =	vperm.xlane v3, v2;
	v4 =	vadd.s32 v1, v4;
	_ =	sdelay $0x1  }
0x2b7: {  	v3 =	vadd.s32 v1, v3;
	_ =	sdelay $0x2  }
0x2b8: {  	[tilespmem:s20], [sflag:$0x1] =	stream.indirect_vreg.gather [hbm4b:s2+s3], $0x80, v4, vm0, $0xb8;
	[tilespmem:$0x11000] =	vst v63  }
0x2b9: {  	_ = 	snop  }
0x2ba: {  	[tilespmem:s24], [sflag:$0x1] =	stream.indirect_vreg.gather [hbm4b:s2+s3], $0x80, v3, vm0, $0xb8;
	[tilespmem:$0x11000] =	vst v63  }
0x2bb: {  	v3 =	vld [tilespmem:$0xE40];
	_ =	sdelay $0x4  }
0x2bc: {  	v36 =	vshll.u32 v3, $0x1  }
0x2bd: {  	v3 =	vand.u32 $0x7, v3;
	v4 =	vand.u32 $0xFFFFFFF0, v36  }
0x2be: {  	v3 =	vor.u32 v3, v4  }
0x2bf: {  	v4 =	vperm.xlane v3, v0;
	_ =	sdelay $0x1  }
0x2c0: {  	v3 =	vperm.xlane v3, v2;
	v4 =	vadd.s32 v1, v4;
	_ =	sdelay $0x1  }
0x2c1: {  	v3 =	vadd.s32 v1, v3;
	_ =	sdelay $0x1  }
0x2c2: {  	s20 =	simm.s32 $0x5000  }
0x2c3: {  	[tilespmem:s20], [sflag:$0x1] =	stream.indirect_vreg.gather [hbm4b:s2+s3], $0x80, v4, vm0, $0xb8;
	[tilespmem:$0x11000] =	vst v63  }
0x2c4: {  	_ = 	snop  }
0x2c5: {  	[tilespmem:s25], [sflag:$0x1] =	stream.indirect_vreg.gather [hbm4b:s2+s3], $0x80, v3, vm0, $0xb8;
	[tilespmem:$0x11000] =	vst v63  }
0x2c6: {  	v3 =	vld [tilespmem:$0xE50];
	_ =	sdelay $0x4  }
0x2c7: {  	v37 =	vshll.u32 v3, $0x1  }
0x2c8: {  	v3 =	vand.u32 $0x7, v3;
	v4 =	vand.u32 $0xFFFFFFF0, v37  }
0x2c9: {  	v3 =	vor.u32 v3, v4  }
0x2ca: {  	v4 =	vperm.xlane v3, v0;
	_ =	sdelay $0x1  }
0x2cb: {  	v3 =	vperm.xlane v3, v2;
	v4 =	vadd.s32 v1, v4;
	_ =	sdelay $0x1  }
0x2cc: {  	v3 =	vadd.s32 v1, v3;
	_ =	sdelay $0x2  }
0x2cd: {  	[tilespmem:s26], [sflag:$0x1] =	stream.indirect_vreg.gather [hbm4b:s2+s3], $0x80, v4, vm0, $0xb8;
	[tilespmem:$0x11000] =	vst v63  }
0x2ce: {  	_ = 	snop  }
0x2cf: {  	[tilespmem:s28], [sflag:$0x1] =	stream.indirect_vreg.gather [hbm4b:s2+s3], $0x80, v3, vm0, $0xb8;
	[tilespmem:$0x11000] =	vst v63  }
0x2d0: {  	v3 =	vld [tilespmem:$0xE60];
	_ =	sdelay $0x4  }
0x2d1: {  	v38 =	vshll.u32 v3, $0x1  }
0x2d2: {  	v3 =	vand.u32 $0x7, v3;
	v4 =	vand.u32 $0xFFFFFFF0, v38  }
0x2d3: {  	v3 =	vor.u32 v3, v4  }
0x2d4: {  	v4 =	vperm.xlane v3, v0;
	_ =	sdelay $0x1  }
0x2d5: {  	v3 =	vperm.xlane v3, v2;
	v4 =	vadd.s32 v1, v4;
	_ =	sdelay $0x1  }
0x2d6: {  	v3 =	vadd.s32 v1, v3;
	_ =	sdelay $0x2  }
0x2d7: {  	[tilespmem:s29], [sflag:$0x1] =	stream.indirect_vreg.gather [hbm4b:s2+s3], $0x80, v4, vm0, $0xb8;
	[tilespmem:$0x11000] =	vst v63  }
0x2d8: {  	_ = 	snop  }
0x2d9: {  	[tilespmem:s30], [sflag:$0x1] =	stream.indirect_vreg.gather [hbm4b:s2+s3], $0x80, v3, vm0, $0xb8;
	[tilespmem:$0x11000] =	vst v63  }
0x2da: {  	v3 =	vld [tilespmem:$0xE70];
	_ =	sdelay $0x4  }
0x2db: {  	v39 =	vshll.u32 v3, $0x1  }
0x2dc: {  	v3 =	vand.u32 $0x7, v3;
	v4 =	vand.u32 $0xFFFFFFF0, v39  }
0x2dd: {  	v3 =	vor.u32 v3, v4  }
0x2de: {  	v4 =	vperm.xlane v3, v0;
	_ =	sdelay $0x1  }
0x2df: {  	v3 =	vperm.xlane v3, v2;
	v4 =	vadd.s32 v1, v4;
	_ =	sdelay $0x1  }
0x2e0: {  	v3 =	vadd.s32 v1, v3;
	_ =	sdelay $0x2  }
0x2e1: {  	[tilespmem:s31], [sflag:$0x1] =	stream.indirect_vreg.gather [hbm4b:s2+s3], $0x80, v4, vm0, $0xb8;
	[tilespmem:$0x11000] =	vst v63  }
0x2e2: {  	_ = 	snop  }
0x2e3: {  	[tilespmem:s21], [sflag:$0x1] =	stream.indirect_vreg.gather [hbm4b:s2+s3], $0x80, v3, vm0, $0xb8;
	[tilespmem:$0x11000] =	vst v63  }
0x2e4: {  	_ =	swait.ge [sflag:s22], $0x8000  }
0x2e5: {  	[sflag:s22] =	ssyncset.done $0x0  }
0x2e6: {  	s9 =	rddreg [dreg:$0xa];
	[sflag:s22] =	ssyncadd.s32 $0xFFFF8000  }
0x2e7: {  	[hbm4b:s9+s3] =	stream.linear.scatter [tilespmem:s23], [sflag:$0x2], $0x8000, $0x38;
	[tilespmem:$0x11000] =	vst v63  }
0x2e8: {  	_ =	swait.ge [sflag:s13], $0x8000  }
0x2e9: {  	[sflag:s13] =	ssyncset.done $0x0  }
0x2ea: {  	[sflag:s13] =	ssyncadd.s32 $0xFFFF8000  }
0x2eb: {  	v3 =	vld [tilespmem:$0xE80];
	_ =	sdelay $0x4  }
0x2ec: {  	v40 =	vshll.u32 v3, $0x1  }
0x2ed: {  	v3 =	vand.u32 $0x7, v3;
	v4 =	vand.u32 $0xFFFFFFF0, v40  }
0x2ee: {  	v3 =	vor.u32 v3, v4  }
0x2ef: {  	v4 =	vperm.xlane v3, v0;
	_ =	sdelay $0x1  }
0x2f0: {  	v3 =	vperm.xlane v3, v2;
	v4 =	vadd.s32 v1, v4;
	_ =	sdelay $0x1  }
0x2f1: {  	v3 =	vadd.s32 v1, v3;
	_ =	sdelay $0x2  }
0x2f2: {  	[tilespmem:s5], [sflag:$0x1] =	stream.indirect_vreg.gather [hbm4b:s2+s3], $0x80, v4, vm0, $0xb8;
	[tilespmem:$0x11000] =	vst v63  }
0x2f3: {  	s10 =	simm.s32 $0x9800  }
0x2f4: {  	[tilespmem:s10], [sflag:$0x1] =	stream.indirect_vreg.gather [hbm4b:s2+s3], $0x80, v3, vm0, $0xb8;
	[tilespmem:$0x11000] =	vst v63  }
0x2f5: {  	v3 =	vld [tilespmem:$0xE90];
	_ =	sdelay $0x4  }
0x2f6: {  	v41 =	vshll.u32 v3, $0x1  }
0x2f7: {  	v3 =	vand.u32 $0x7, v3;
	v4 =	vand.u32 $0xFFFFFFF0, v41  }
0x2f8: {  	v3 =	vor.u32 v3, v4  }
0x2f9: {  	v4 =	vperm.xlane v3, v0;
	_ =	sdelay $0x1  }
0x2fa: {  	v3 =	vperm.xlane v3, v2;
	v4 =	vadd.s32 v1, v4;
	_ =	sdelay $0x1  }
0x2fb: {  	v3 =	vadd.s32 v1, v3;
	_ =	sdelay $0x2  }
0x2fc: {  	[tilespmem:s0], [sflag:$0x1] =	stream.indirect_vreg.gather [hbm4b:s2+s3], $0x80, v4, vm0, $0xb8;
	[tilespmem:$0x11000] =	vst v63  }
0x2fd: {  	s21 =	simm.s32 $0xA800  }
0x2fe: {  	[tilespmem:s21], [sflag:$0x1] =	stream.indirect_vreg.gather [hbm4b:s2+s3], $0x80, v3, vm0, $0xb8;
	[tilespmem:$0x11000] =	vst v63  }
0x2ff: {  	v3 =	vld [tilespmem:$0xEA0];
	_ =	sdelay $0x4  }
0x300: {  	v42 =	vshll.u32 v3, $0x1  }
0x301: {  	v3 =	vand.u32 $0x7, v3;
	v4 =	vand.u32 $0xFFFFFFF0, v42  }
0x302: {  	v3 =	vor.u32 v3, v4  }
0x303: {  	v4 =	vperm.xlane v3, v0;
	_ =	sdelay $0x1  }
0x304: {  	v3 =	vperm.xlane v3, v2;
	v4 =	vadd.s32 v1, v4;
	_ =	sdelay $0x1  }
0x305: {  	v3 =	vadd.s32 v1, v3;
	_ =	sdelay $0x2  }
0x306: {  	[tilespmem:s1], [sflag:$0x1] =	stream.indirect_vreg.gather [hbm4b:s2+s3], $0x80, v4, vm0, $0xb8;
	[tilespmem:$0x11000] =	vst v63  }
0x307: {  	_ = 	snop  }
0x308: {  	[tilespmem:s12], [sflag:$0x1] =	stream.indirect_vreg.gather [hbm4b:s2+s3], $0x80, v3, vm0, $0xb8;
	[tilespmem:$0x11000] =	vst v63  }
0x309: {  	v3 =	vld [tilespmem:$0xEB0];
	_ =	sdelay $0x4  }
0x30a: {  	v43 =	vshll.u32 v3, $0x1  }
0x30b: {  	v3 =	vand.u32 $0x7, v3;
	v4 =	vand.u32 $0xFFFFFFF0, v43  }
0x30c: {  	v3 =	vor.u32 v3, v4  }
0x30d: {  	v4 =	vperm.xlane v3, v0;
	_ =	sdelay $0x1  }
0x30e: {  	v3 =	vperm.xlane v3, v2;
	v4 =	vadd.s32 v1, v4;
	_ =	sdelay $0x1  }
0x30f: {  	v3 =	vadd.s32 v1, v3;
	_ =	sdelay $0x2  }
0x310: {  	[tilespmem:s4], [sflag:$0x1] =	stream.indirect_vreg.gather [hbm4b:s2+s3], $0x80, v4, vm0, $0xb8;
	[tilespmem:$0x11000] =	vst v63  }
0x311: {  	_ = 	snop  }
0x312: {  	[tilespmem:s17], [sflag:$0x1] =	stream.indirect_vreg.gather [hbm4b:s2+s3], $0x80, v3, vm0, $0xb8;
	[tilespmem:$0x11000] =	vst v63  }
0x313: {  	v3 =	vld [tilespmem:$0xEC0];
	_ =	sdelay $0x4  }
0x314: {  	v44 =	vshll.u32 v3, $0x1  }
0x315: {  	v3 =	vand.u32 $0x7, v3;
	v4 =	vand.u32 $0xFFFFFFF0, v44  }
0x316: {  	v3 =	vor.u32 v3, v4  }
0x317: {  	v4 =	vperm.xlane v3, v0;
	_ =	sdelay $0x1  }
0x318: {  	v3 =	vperm.xlane v3, v2;
	v4 =	vadd.s32 v1, v4;
	_ =	sdelay $0x1  }
0x319: {  	v3 =	vadd.s32 v1, v3;
	_ =	sdelay $0x1  }
0x31a: {  	s8 =	simm.s32 $0xD000  }
0x31b: {  	[tilespmem:s8], [sflag:$0x1] =	stream.indirect_vreg.gather [hbm4b:s2+s3], $0x80, v4, vm0, $0xb8;
	[tilespmem:$0x11000] =	vst v63  }
0x31c: {  	s12 =	simm.s32 $0xD800  }
0x31d: {  	[tilespmem:s12], [sflag:$0x1] =	stream.indirect_vreg.gather [hbm4b:s2+s3], $0x80, v3, vm0, $0xb8;
	[tilespmem:$0x11000] =	vst v63  }
0x31e: {  	v3 =	vld [tilespmem:$0xED0];
	_ =	sdelay $0x4  }
0x31f: {  	v45 =	vshll.u32 v3, $0x1  }
0x320: {  	v3 =	vand.u32 $0x7, v3;
	v4 =	vand.u32 $0xFFFFFFF0, v45  }
0x321: {  	v3 =	vor.u32 v3, v4  }
0x322: {  	v4 =	vperm.xlane v3, v0;
	_ =	sdelay $0x1  }
0x323: {  	v3 =	vperm.xlane v3, v2;
	v4 =	vadd.s32 v1, v4;
	_ =	sdelay $0x1  }
0x324: {  	v3 =	vadd.s32 v1, v3;
	_ =	sdelay $0x1  }
0x325: {  	s6 =	simm.s32 $0xE000  }
0x326: {  	[tilespmem:s6], [sflag:$0x1] =	stream.indirect_vreg.gather [hbm4b:s2+s3], $0x80, v4, vm0, $0xb8;
	[tilespmem:$0x11000] =	vst v63  }
0x327: {  	s14 =	simm.s32 $0xE800  }
0x328: {  	[tilespmem:s14], [sflag:$0x1] =	stream.indirect_vreg.gather [hbm4b:s2+s3], $0x80, v3, vm0, $0xb8;
	[tilespmem:$0x11000] =	vst v63  }
0x329: {  	v3 =	vld [tilespmem:$0xEE0];
	_ =	sdelay $0x4  }
0x32a: {  	v46 =	vshll.u32 v3, $0x1  }
0x32b: {  	v3 =	vand.u32 $0x7, v3;
	v4 =	vand.u32 $0xFFFFFFF0, v46  }
0x32c: {  	v3 =	vor.u32 v3, v4  }
0x32d: {  	v4 =	vperm.xlane v3, v0;
	_ =	sdelay $0x1  }
0x32e: {  	v3 =	vperm.xlane v3, v2;
	v4 =	vadd.s32 v1, v4;
	_ =	sdelay $0x1  }
0x32f: {  	v3 =	vadd.s32 v1, v3;
	_ =	sdelay $0x1  }
0x330: {  	s15 =	simm.s32 $0xF000  }
0x331: {  	[tilespmem:s15], [sflag:$0x1] =	stream.indirect_vreg.gather [hbm4b:s2+s3], $0x80, v4, vm0, $0xb8;
	[tilespmem:$0x11000] =	vst v63  }
0x332: {  	s15 =	simm.s32 $0xF800  }
0x333: {  	[tilespmem:s15], [sflag:$0x1] =	stream.indirect_vreg.gather [hbm4b:s2+s3], $0x80, v3, vm0, $0xb8;
	[tilespmem:$0x11000] =	vst v63  }
0x334: {  	v3 =	vld [tilespmem:$0xEF0];
	_ =	sdelay $0x4  }
0x335: {  	v47 =	vshll.u32 v3, $0x1  }
0x336: {  	v3 =	vand.u32 $0x7, v3;
	v4 =	vand.u32 $0xFFFFFFF0, v47  }
0x337: {  	v3 =	vor.u32 v3, v4  }
0x338: {  	v4 =	vperm.xlane v3, v0;
	_ =	sdelay $0x1  }
0x339: {  	v3 =	vperm.xlane v3, v2;
	v4 =	vadd.s32 v1, v4;
	_ =	sdelay $0x1  }
0x33a: {  	v3 =	vadd.s32 v1, v3;
	_ =	sdelay $0x1  }
0x33b: {  	s7 =	simm.s32 $0x10000  }
0x33c: {  	[tilespmem:s7], [sflag:$0x1] =	stream.indirect_vreg.gather [hbm4b:s2+s3], $0x80, v4, vm0, $0xb8;
	[tilespmem:$0x11000] =	vst v63  }
0x33d: {  	s14 =	simm.s32 $0x10800  }
0x33e: {  	[tilespmem:s14], [sflag:$0x1] =	stream.indirect_vreg.gather [hbm4b:s2+s3], $0x80, v3, vm0, $0xb8;
	[tilespmem:$0x11000] =	vst v63  }
0x33f: {  	_ =	swait.ge [sflag:s22], $0x8000  }
0x340: {  	[sflag:s22] =	ssyncset.done $0x0  }
0x341: {  	s14 =	rddreg [dreg:$0xb];
	[sflag:s22] =	ssyncadd.s32 $0xFFFF8000  }
0x342: {  	[hbm4b:s14+s3] =	stream.linear.scatter [tilespmem:s5], [sflag:$0x2], $0x8000, $0x38;
	[tilespmem:$0x11000] =	vst v63  }
0x343: {  	_ =	swait.ge [sflag:s13], $0x8000  }
0x344: {  	[sflag:s13] =	ssyncset.done $0x0  }
0x345: {  	[sflag:s13] =	ssyncadd.s32 $0xFFFF8000  }
0x346: {  	v3 =	vld [tilespmem:$0xF00];
	_ =	sdelay $0x4  }
0x347: {  	v48 =	vshll.u32 v3, $0x1  }
0x348: {  	v3 =	vand.u32 $0x7, v3;
	v4 =	vand.u32 $0xFFFFFFF0, v48  }
0x349: {  	v3 =	vor.u32 v3, v4  }
0x34a: {  	v4 =	vperm.xlane v3, v0;
	_ =	sdelay $0x1  }
0x34b: {  	v3 =	vperm.xlane v3, v2;
	v4 =	vadd.s32 v1, v4;
	_ =	sdelay $0x1  }
0x34c: {  	v3 =	vadd.s32 v1, v3;
	_ =	sdelay $0x2  }
0x34d: {  	[tilespmem:s23], [sflag:$0x1] =	stream.indirect_vreg.gather [hbm4b:s2+s3], $0x80, v4, vm0, $0xb8;
	[tilespmem:$0x11000] =	vst v63  }
0x34e: {  	s16 =	simm.s32 $0x1800  }
0x34f: {  	[tilespmem:s16], [sflag:$0x1] =	stream.indirect_vreg.gather [hbm4b:s2+s3], $0x80, v3, vm0, $0xb8;
	[tilespmem:$0x11000] =	vst v63  }
0x350: {  	v3 =	vld [tilespmem:$0xF10];
	_ =	sdelay $0x4  }
0x351: {  	v49 =	vshll.u32 v3, $0x1  }
0x352: {  	v3 =	vand.u32 $0x7, v3;
	v4 =	vand.u32 $0xFFFFFFF0, v49  }
0x353: {  	v3 =	vor.u32 v3, v4  }
0x354: {  	v4 =	vperm.xlane v3, v0;
	_ =	sdelay $0x1  }
0x355: {  	v3 =	vperm.xlane v3, v2;
	v4 =	vadd.s32 v1, v4;
	_ =	sdelay $0x1  }
0x356: {  	v3 =	vadd.s32 v1, v3;
	_ =	sdelay $0x1  }
0x357: {  	s16 =	simm.s32 $0x2000  }
0x358: {  	[tilespmem:s16], [sflag:$0x1] =	stream.indirect_vreg.gather [hbm4b:s2+s3], $0x80, v4, vm0, $0xb8;
	[tilespmem:$0x11000] =	vst v63  }
0x359: {  	s18 =	simm.s32 $0x2800  }
0x35a: {  	[tilespmem:s18], [sflag:$0x1] =	stream.indirect_vreg.gather [hbm4b:s2+s3], $0x80, v3, vm0, $0xb8;
	[tilespmem:$0x11000] =	vst v63  }
0x35b: {  	v3 =	vld [tilespmem:$0xF20];
	_ =	sdelay $0x4  }
0x35c: {  	v50 =	vshll.u32 v3, $0x1  }
0x35d: {  	v3 =	vand.u32 $0x7, v3;
	v4 =	vand.u32 $0xFFFFFFF0, v50  }
0x35e: {  	v3 =	vor.u32 v3, v4  }
0x35f: {  	v4 =	vperm.xlane v3, v0;
	_ =	sdelay $0x1  }
0x360: {  	v3 =	vperm.xlane v3, v2;
	v4 =	vadd.s32 v1, v4;
	_ =	sdelay $0x1  }
0x361: {  	v3 =	vadd.s32 v1, v3;
	_ =	sdelay $0x1  }
0x362: {  	s16 =	simm.s32 $0x3000  }
0x363: {  	[tilespmem:s16], [sflag:$0x1] =	stream.indirect_vreg.gather [hbm4b:s2+s3], $0x80, v4, vm0, $0xb8;
	[tilespmem:$0x11000] =	vst v63  }
0x364: {  	s18 =	simm.s32 $0x3800  }
0x365: {  	[tilespmem:s18], [sflag:$0x1] =	stream.indirect_vreg.gather [hbm4b:s2+s3], $0x80, v3, vm0, $0xb8;
	[tilespmem:$0x11000] =	vst v63  }
0x366: {  	v3 =	vld [tilespmem:$0xF30];
	_ =	sdelay $0x4  }
0x367: {  	v51 =	vshll.u32 v3, $0x1  }
0x368: {  	v3 =	vand.u32 $0x7, v3;
	v4 =	vand.u32 $0xFFFFFFF0, v51  }
0x369: {  	v3 =	vor.u32 v3, v4  }
0x36a: {  	v4 =	vperm.xlane v3, v0;
	_ =	sdelay $0x1  }
0x36b: {  	v3 =	vperm.xlane v3, v2;
	v4 =	vadd.s32 v1, v4;
	_ =	sdelay $0x1  }
0x36c: {  	v3 =	vadd.s32 v1, v3;
	_ =	sdelay $0x1  }
0x36d: {  	s19 =	simm.s32 $0x4000  }
0x36e: {  	[tilespmem:s19], [sflag:$0x1] =	stream.indirect_vreg.gather [hbm4b:s2+s3], $0x80, v4, vm0, $0xb8;
	[tilespmem:$0x11000] =	vst v63  }
0x36f: {  	s24 =	simm.s32 $0x4800  }
0x370: {  	[tilespmem:s24], [sflag:$0x1] =	stream.indirect_vreg.gather [hbm4b:s2+s3], $0x80, v3, vm0, $0xb8;
	[tilespmem:$0x11000] =	vst v63  }
0x371: {  	v3 =	vld [tilespmem:$0xF40];
	_ =	sdelay $0x4  }
0x372: {  	v52 =	vshll.u32 v3, $0x1  }
0x373: {  	v3 =	vand.u32 $0x7, v3;
	v4 =	vand.u32 $0xFFFFFFF0, v52  }
0x374: {  	v3 =	vor.u32 v3, v4  }
0x375: {  	v4 =	vperm.xlane v3, v0;
	_ =	sdelay $0x1  }
0x376: {  	v3 =	vperm.xlane v3, v2;
	v4 =	vadd.s32 v1, v4;
	_ =	sdelay $0x1  }
0x377: {  	v3 =	vadd.s32 v1, v3;
	_ =	sdelay $0x1  }
0x378: {  	s24 =	simm.s32 $0x5000  }
0x379: {  	[tilespmem:s24], [sflag:$0x1] =	stream.indirect_vreg.gather [hbm4b:s2+s3], $0x80, v4, vm0, $0xb8;
	[tilespmem:$0x11000] =	vst v63  }
0x37a: {  	s25 =	simm.s32 $0x5800  }
0x37b: {  	[tilespmem:s25], [sflag:$0x1] =	stream.indirect_vreg.gather [hbm4b:s2+s3], $0x80, v3, vm0, $0xb8;
	[tilespmem:$0x11000] =	vst v63  }
0x37c: {  	v3 =	vld [tilespmem:$0xF50];
	_ =	sdelay $0x4  }
0x37d: {  	v53 =	vshll.u32 v3, $0x1  }
0x37e: {  	v3 =	vand.u32 $0x7, v3;
	v4 =	vand.u32 $0xFFFFFFF0, v53  }
0x37f: {  	v3 =	vor.u32 v3, v4  }
0x380: {  	v4 =	vperm.xlane v3, v0;
	_ =	sdelay $0x1  }
0x381: {  	v3 =	vperm.xlane v3, v2;
	v4 =	vadd.s32 v1, v4;
	_ =	sdelay $0x1  }
0x382: {  	v3 =	vadd.s32 v1, v3;
	_ =	sdelay $0x1  }
0x383: {  	s26 =	simm.s32 $0x6000  }
0x384: {  	[tilespmem:s26], [sflag:$0x1] =	stream.indirect_vreg.gather [hbm4b:s2+s3], $0x80, v4, vm0, $0xb8;
	[tilespmem:$0x11000] =	vst v63  }
0x385: {  	s28 =	simm.s32 $0x6800  }
0x386: {  	[tilespmem:s28], [sflag:$0x1] =	stream.indirect_vreg.gather [hbm4b:s2+s3], $0x80, v3, vm0, $0xb8;
	[tilespmem:$0x11000] =	vst v63  }
0x387: {  	v3 =	vld [tilespmem:$0xF60];
	_ =	sdelay $0x4  }
0x388: {  	v54 =	vshll.u32 v3, $0x1  }
0x389: {  	v3 =	vand.u32 $0x7, v3;
	v4 =	vand.u32 $0xFFFFFFF0, v54  }
0x38a: {  	v3 =	vor.u32 v3, v4  }
0x38b: {  	v4 =	vperm.xlane v3, v0;
	_ =	sdelay $0x1  }
0x38c: {  	v3 =	vperm.xlane v3, v2;
	v4 =	vadd.s32 v1, v4;
	_ =	sdelay $0x1  }
0x38d: {  	v3 =	vadd.s32 v1, v3;
	_ =	sdelay $0x1  }
0x38e: {  	s29 =	simm.s32 $0x7000  }
0x38f: {  	[tilespmem:s29], [sflag:$0x1] =	stream.indirect_vreg.gather [hbm4b:s2+s3], $0x80, v4, vm0, $0xb8;
	[tilespmem:$0x11000] =	vst v63  }
0x390: {  	s30 =	simm.s32 $0x7800  }
0x391: {  	[tilespmem:s30], [sflag:$0x1] =	stream.indirect_vreg.gather [hbm4b:s2+s3], $0x80, v3, vm0, $0xb8;
	[tilespmem:$0x11000] =	vst v63  }
0x392: {  	v3 =	vld [tilespmem:$0xF70];
	_ =	sdelay $0x4  }
0x393: {  	v55 =	vshll.u32 v3, $0x1  }
0x394: {  	v3 =	vand.u32 $0x7, v3;
	v4 =	vand.u32 $0xFFFFFFF0, v55  }
0x395: {  	v3 =	vor.u32 v3, v4  }
0x396: {  	v4 =	vperm.xlane v3, v0;
	_ =	sdelay $0x1  }
0x397: {  	v3 =	vperm.xlane v3, v2;
	v4 =	vadd.s32 v1, v4;
	_ =	sdelay $0x1  }
0x398: {  	v3 =	vadd.s32 v1, v3;
	_ =	sdelay $0x1  }
0x399: {  	s31 =	simm.s32 $0x8000  }
0x39a: {  	[tilespmem:s31], [sflag:$0x1] =	stream.indirect_vreg.gather [hbm4b:s2+s3], $0x80, v4, vm0, $0xb8;
	[tilespmem:$0x11000] =	vst v63  }
0x39b: {  	s20 =	simm.s32 $0x8800  }
0x39c: {  	[tilespmem:s20], [sflag:$0x1] =	stream.indirect_vreg.gather [hbm4b:s2+s3], $0x80, v3, vm0, $0xb8;
	[tilespmem:$0x11000] =	vst v63  }
0x39d: {  	_ =	swait.ge [sflag:s22], $0x8000  }
0x39e: {  	[sflag:s22] =	ssyncset.done $0x0  }
0x39f: {  	s26 =	rddreg [dreg:$0xc];
	[sflag:s22] =	ssyncadd.s32 $0xFFFF8000  }
0x3a0: {  	[hbm4b:s26+s3] =	stream.linear.scatter [tilespmem:s23], [sflag:$0x2], $0x8000, $0x38;
	[tilespmem:$0x11000] =	vst v63  }
0x3a1: {  	_ =	swait.ge [sflag:s13], $0x8000  }
0x3a2: {  	[sflag:s13] =	ssyncset.done $0x0  }
0x3a3: {  	[sflag:s13] =	ssyncadd.s32 $0xFFFF8000  }
0x3a4: {  	v3 =	vld [tilespmem:$0xF80];
	_ =	sdelay $0x4  }
0x3a5: {  	v56 =	vshll.u32 v3, $0x1  }
0x3a6: {  	v3 =	vand.u32 $0x7, v3;
	v4 =	vand.u32 $0xFFFFFFF0, v56  }
0x3a7: {  	v3 =	vor.u32 v3, v4  }
0x3a8: {  	v4 =	vperm.xlane v3, v0;
	_ =	sdelay $0x1  }
0x3a9: {  	v3 =	vperm.xlane v3, v2;
	v4 =	vadd.s32 v1, v4;
	_ =	sdelay $0x1  }
0x3aa: {  	v3 =	vadd.s32 v1, v3;
	_ =	sdelay $0x2  }
0x3ab: {  	[tilespmem:s5], [sflag:$0x1] =	stream.indirect_vreg.gather [hbm4b:s2+s3], $0x80, v4, vm0, $0xb8;
	[tilespmem:$0x11000] =	vst v63  }
0x3ac: {  	s28 =	simm.s32 $0x9800  }
0x3ad: {  	[tilespmem:s28], [sflag:$0x1] =	stream.indirect_vreg.gather [hbm4b:s2+s3], $0x80, v3, vm0, $0xb8;
	[tilespmem:$0x11000] =	vst v63  }
0x3ae: {  	v3 =	vld [tilespmem:$0xF90];
	_ =	sdelay $0x4  }
0x3af: {  	v57 =	vshll.u32 v3, $0x1  }
0x3b0: {  	v3 =	vand.u32 $0x7, v3;
	v4 =	vand.u32 $0xFFFFFFF0, v57  }
0x3b1: {  	v3 =	vor.u32 v3, v4  }
0x3b2: {  	v4 =	vperm.xlane v3, v0;
	_ =	sdelay $0x1  }
0x3b3: {  	v3 =	vperm.xlane v3, v2;
	v4 =	vadd.s32 v1, v4;
	_ =	sdelay $0x1  }
0x3b4: {  	v3 =	vadd.s32 v1, v3;
	_ =	sdelay $0x1  }
0x3b5: {  	s0 =	simm.s32 $0xA000  }
0x3b6: {  	[tilespmem:s0], [sflag:$0x1] =	stream.indirect_vreg.gather [hbm4b:s2+s3], $0x80, v4, vm0, $0xb8;
	[tilespmem:$0x11000] =	vst v63  }
0x3b7: {  	s29 =	simm.s32 $0xA800  }
0x3b8: {  	[tilespmem:s29], [sflag:$0x1] =	stream.indirect_vreg.gather [hbm4b:s2+s3], $0x80, v3, vm0, $0xb8;
	[tilespmem:$0x11000] =	vst v63  }
0x3b9: {  	v3 =	vld [tilespmem:$0xFA0];
	_ =	sdelay $0x4  }
0x3ba: {  	v58 =	vshll.u32 v3, $0x1  }
0x3bb: {  	v3 =	vand.u32 $0x7, v3;
	v4 =	vand.u32 $0xFFFFFFF0, v58  }
0x3bc: {  	v3 =	vor.u32 v3, v4  }
0x3bd: {  	v4 =	vperm.xlane v3, v0;
	_ =	sdelay $0x1  }
0x3be: {  	v3 =	vperm.xlane v3, v2;
	v4 =	vadd.s32 v1, v4;
	_ =	sdelay $0x1  }
0x3bf: {  	v3 =	vadd.s32 v1, v3;
	_ =	sdelay $0x1  }
0x3c0: {  	s1 =	simm.s32 $0xB000  }
0x3c1: {  	[tilespmem:s1], [sflag:$0x1] =	stream.indirect_vreg.gather [hbm4b:s2+s3], $0x80, v4, vm0, $0xb8;
	[tilespmem:$0x11000] =	vst v63  }
0x3c2: {  	s9 =	simm.s32 $0xB800  }
0x3c3: {  	[tilespmem:s9], [sflag:$0x1] =	stream.indirect_vreg.gather [hbm4b:s2+s3], $0x80, v3, vm0, $0xb8;
	[tilespmem:$0x11000] =	vst v63  }
0x3c4: {  	v3 =	vld [tilespmem:$0xFB0];
	_ =	sdelay $0x4  }
0x3c5: {  	v59 =	vshll.u32 v3, $0x1  }
0x3c6: {  	v3 =	vand.u32 $0x7, v3;
	v4 =	vand.u32 $0xFFFFFFF0, v59  }
0x3c7: {  	v3 =	vor.u32 v3, v4  }
0x3c8: {  	v4 =	vperm.xlane v3, v0;
	_ =	sdelay $0x1  }
0x3c9: {  	v3 =	vperm.xlane v3, v2;
	v4 =	vadd.s32 v1, v4;
	_ =	sdelay $0x1  }
0x3ca: {  	v3 =	vadd.s32 v1, v3;
	_ =	sdelay $0x1  }
0x3cb: {  	s4 =	simm.s32 $0xC000  }
0x3cc: {  	[tilespmem:s4], [sflag:$0x1] =	stream.indirect_vreg.gather [hbm4b:s2+s3], $0x80, v4, vm0, $0xb8;
	[tilespmem:$0x11000] =	vst v63  }
0x3cd: {  	s10 =	simm.s32 $0xC800  }
0x3ce: {  	[tilespmem:s10], [sflag:$0x1] =	stream.indirect_vreg.gather [hbm4b:s2+s3], $0x80, v3, vm0, $0xb8;
	[tilespmem:$0x11000] =	vst v63  }
0x3cf: {  	v3 =	vld [tilespmem:$0xFC0];
	_ =	sdelay $0x4  }
0x3d0: {  	v60 =	vshll.u32 v3, $0x1  }
0x3d1: {  	v3 =	vand.u32 $0x7, v3;
	v4 =	vand.u32 $0xFFFFFFF0, v60  }
0x3d2: {  	v3 =	vor.u32 v3, v4  }
0x3d3: {  	v4 =	vperm.xlane v3, v0;
	_ =	sdelay $0x1  }
0x3d4: {  	v3 =	vperm.xlane v3, v2;
	v4 =	vadd.s32 v1, v4;
	_ =	sdelay $0x1  }
0x3d5: {  	v3 =	vadd.s32 v1, v3;
	_ =	sdelay $0x1  }
0x3d6: {  	s21 =	simm.s32 $0xD000  }
0x3d7: {  	[tilespmem:s21], [sflag:$0x1] =	stream.indirect_vreg.gather [hbm4b:s2+s3], $0x80, v4, vm0, $0xb8;
	[tilespmem:$0x11000] =	vst v63  }
0x3d8: {  	s8 =	simm.s32 $0xD800  }
0x3d9: {  	[tilespmem:s8], [sflag:$0x1] =	stream.indirect_vreg.gather [hbm4b:s2+s3], $0x80, v3, vm0, $0xb8;
	[tilespmem:$0x11000] =	vst v63  }
0x3da: {  	v3 =	vld [tilespmem:$0xFD0];
	_ =	sdelay $0x4  }
0x3db: {  	v61 =	vshll.u32 v3, $0x1  }
0x3dc: {  	v3 =	vand.u32 $0x7, v3;
	v4 =	vand.u32 $0xFFFFFFF0, v61  }
0x3dd: {  	v3 =	vor.u32 v3, v4  }
0x3de: {  	v4 =	vperm.xlane v3, v0;
	_ =	sdelay $0x1  }
0x3df: {  	v3 =	vperm.xlane v3, v2;
	v4 =	vadd.s32 v1, v4;
	_ =	sdelay $0x1  }
0x3e0: {  	v3 =	vadd.s32 v1, v3;
	_ =	sdelay $0x1  }
0x3e1: {  	s12 =	simm.s32 $0xE000  }
0x3e2: {  	[tilespmem:s12], [sflag:$0x1] =	stream.indirect_vreg.gather [hbm4b:s2+s3], $0x80, v4, vm0, $0xb8;
	[tilespmem:$0x11000] =	vst v63  }
0x3e3: {  	s30 =	simm.s32 $0xE800  }
0x3e4: {  	[tilespmem:s30], [sflag:$0x1] =	stream.indirect_vreg.gather [hbm4b:s2+s3], $0x80, v3, vm0, $0xb8;
	[tilespmem:$0x11000] =	vst v63  }
0x3e5: {  	v3 =	vld [tilespmem:$0xFE0];
	_ =	sdelay $0x4  }
0x3e6: {  	v62 =	vshll.u32 v3, $0x1  }
0x3e7: {  	v3 =	vand.u32 $0x7, v3;
	v4 =	vand.u32 $0xFFFFFFF0, v62  }
0x3e8: {  	v3 =	vor.u32 v3, v4  }
0x3e9: {  	v4 =	vperm.xlane v3, v0;
	_ =	sdelay $0x1  }
0x3ea: {  	v3 =	vperm.xlane v3, v2;
	v4 =	vadd.s32 v1, v4;
	_ =	sdelay $0x1  }
0x3eb: {  	v3 =	vadd.s32 v1, v3;
	_ =	sdelay $0x1  }
0x3ec: {  	s17 =	simm.s32 $0xF000  }
0x3ed: {  	[tilespmem:s17], [sflag:$0x1] =	stream.indirect_vreg.gather [hbm4b:s2+s3], $0x80, v4, vm0, $0xb8;
	[tilespmem:$0x11000] =	vst v63  }
0x3ee: {  	s15 =	simm.s32 $0xF800  }
0x3ef: {  	[tilespmem:s15], [sflag:$0x1] =	stream.indirect_vreg.gather [hbm4b:s2+s3], $0x80, v3, vm0, $0xb8;
	[tilespmem:$0x11000] =	vst v63  }
0x3f0: {  	v3 =	vld [tilespmem:$0xFF0];
	_ =	sdelay $0x4  }
0x3f1: {  	v63 =	vshll.u32 v3, $0x1  }
0x3f2: {  	v3 =	vand.u32 $0x7, v3;
	v4 =	vand.u32 $0xFFFFFFF0, v63  }
0x3f3: {  	v3 =	vor.u32 v3, v4  }
0x3f4: {  	v4 =	vperm.xlane v3, v0;
	_ =	sdelay $0x1  }
0x3f5: {  	v3 =	vperm.xlane v3, v2;
	v4 =	vadd.s32 v1, v4;
	_ =	sdelay $0x1  }
0x3f6: {  	v3 =	vadd.s32 v1, v3;
	_ =	sdelay $0x1  }
0x3f7: {  	s6 =	simm.s32 $0x10000  }
0x3f8: {  	[tilespmem:s6], [sflag:$0x1] =	stream.indirect_vreg.gather [hbm4b:s2+s3], $0x80, v4, vm0, $0xb8;
	[tilespmem:$0x11000] =	vst v63  }
0x3f9: {  	s7 =	simm.s32 $0x10800  }
0x3fa: {  	[tilespmem:s7], [sflag:$0x1] =	stream.indirect_vreg.gather [hbm4b:s2+s3], $0x80, v3, vm0, $0xb8;
	[tilespmem:$0x11000] =	vst v63  }
0x3fb: {  	_ =	swait.ge [sflag:s22], $0x8000  }
0x3fc: {  	[sflag:s22] =	ssyncset.done $0x0  }
0x3fd: {  	s31 =	rddreg [dreg:$0xd];
	[sflag:s22] =	ssyncadd.s32 $0xFFFF8000  }
0x3fe: {  	[hbm4b:s31+s3] =	stream.linear.scatter [tilespmem:s5], [sflag:$0x2], $0x8000, $0x38;
	[tilespmem:$0x11000] =	vst v63  }
0x3ff: {  	p0 =	sne.s32 s11, $0x1;
	_ =	swait.ge [sflag:s13], $0x8000  }
.Ltmp0:
0x400: {  	[sflag:s13] =	ssyncset.done $0x0;
	(pc) =	sbr.rel @p0 .LBB2_1-.Ltmp0, $4  }
0x401: {  	[sflag:s13] =	ssyncadd.s32 $0xFFFF8000  }
0x402: {  	_ =	swait.ge [sflag:s13], $0x8000  }
0x403: {  	[sflag:s13] =	ssyncset.done $0x0  }
0x404: {  	s11 =	sadd.s32 $0xFFFFFFFF, s11;
	[sflag:s13] =	ssyncadd.s32 $0xFFFF8000  }
0x405: {  	_ =	sfence.sel $0x180000  }
0x406: {  	[bflag:$0x0] =	sbarrier.arrive $0xFFFF  }
0x407: {  	_ =	strace $0x90000047  }
0x408: {  	s0 =	stileid.u32;
	[bflag:$0x2] =	sbarrier.arrive $0xFFFF  }
0x409: {  	p0 =	sne.s32 s0, $0x0;
	s0 =	rddreg [dreg:$0x2]  }
0x40a: {  	s0 =	sadd.s32 @!p0 $0x100000, s0  }
0x40b: {  	[sflag:s0] =	ssyncadd.tile.s32 @!p0 $0x1;
	_ =	shalt  }
.Lfunc_end2:
_tile_overlayer_lowered:
.L_overlay_start_2:
0x40c: {  	(tag) =	ssettag $0x2  }
0x40d: {  	s0 =	rddreg [dreg:$0x0];
	s2 =	stileid.u32  }
0x40e: {  	s1 =	rddreg [dreg:$0x1];
	p0 =	sne.s32 s2, $0x0  }
0x40f: {  	s3 =	rddreg [dreg:$0x2];
	[bflag:$0x3] =	sbarrier.arrive $0xFFFF;
	s2 =	simm.s32 @!p0 $0x1C03  }
0x410: {  	[timem:s3], [sflag:s2] =	dma.local @!p0 [hbm:s0], s1  }
0x411: {  	s0 =	simm.s32 @!p0 $0x3  }
0x412: {  	_ =	swait.ge @!p0 [sflag:s0], s1  }
0x413: {  	s1 =	ssub.s32 @!p0 $0x0, s1;
	[sflag:s0] =	ssyncset.done @!p0 $0x0  }
0x414: {  	[sflag:s0] =	ssyncadd.s32 @!p0 s1  }
0x415: {  	[bflag:$0x3] =	sbarrier.arrive $0xFFFF  }
0x416: {  	_ =	shalt  }

</sc_bundles>
